<compile_context>
chip_gen: v7x
topology: tpu7x:2x2x1
jax: 0.10.2.dev20260603
libtpu: 0.0.44.dev20260713+nightly
codegen_flags: <defaults>
</compile_context>

<pallas_src>
import jax
import jax.numpy as jnp
from jax import lax
from jax.experimental import pallas as pl
from jax.experimental.pallas import tpu as pltpu
from jax.experimental.pallas import tpu_sc as plsc

B, L, H = 32, 128, 512
G4 = 4 * H
N_TOK = B * L
NC, NS = 2, 16
NW = NC * NS
ROWS_PER_W = N_TOK // NW


def _sc_gather_body(table_hbm, idx_hbm, out_hbm, idx_v, rows_v, sem):
    wid = lax.axis_index("s") * NC + lax.axis_index("c")
    base = wid * ROWS_PER_W
    pltpu.sync_copy(idx_hbm.at[pl.ds(base, ROWS_PER_W)], idx_v)
    pltpu.async_copy(table_hbm.at[idx_v], rows_v, sem).wait()
    pltpu.sync_copy(rows_v, out_hbm.at[pl.ds(base, ROWS_PER_W)])


def _embed_gather(emb, idx):
    k = pl.kernel(
        _sc_gather_body,
        out_type=jax.ShapeDtypeStruct((N_TOK, H), jnp.float32),
        mesh=plsc.VectorSubcoreMesh(core_axis_name="c", subcore_axis_name="s"),
        scratch_types=[
            pltpu.VMEM((ROWS_PER_W,), jnp.int32),
            pltpu.VMEM((ROWS_PER_W, H), jnp.float32),
            pltpu.SemaphoreType.DMA,
        ],
    )
    return k(emb, idx)


_NEG = -3.0e38
_T_U = 64
_M_BLK = _T_U * B


def _sigmoid(x):
    return 0.5 * jnp.tanh(0.5 * x) + 0.5


def _fused_body(e_ref, wih_ref, b_ref, whh_ref, wcls_ref, bcls_ref,
                out_ref, gx_ref, h_ref, c_ref, p_ref):
    g = pl.program_id(0)

    @pl.when(g == 0)
    def _():
        h_ref[...] = jnp.zeros_like(h_ref)
        c_ref[...] = jnp.zeros_like(c_ref)
        p_ref[...] = jnp.full_like(p_ref, _NEG)

    gx_ref[...] = (
        jnp.dot(e_ref[0], wih_ref[...], preferred_element_type=jnp.float32)
        + b_ref[...]
    )

    h = h_ref[...]
    c = c_ref[...]
    p = p_ref[...]
    whh = whh_ref[...]
    for u in range(_T_U):
        gates = gx_ref[u * B : (u + 1) * B, :] + jnp.dot(
            h.astype(jnp.bfloat16), whh, preferred_element_type=jnp.float32
        )
        i_g = _sigmoid(gates[:, 0:H])
        f_g = _sigmoid(gates[:, H : 2 * H])
        g_g = jnp.tanh(gates[:, 2 * H : 3 * H])
        o_g = _sigmoid(gates[:, 3 * H : 4 * H])
        c = f_g * c + i_g * g_g
        h = o_g * jnp.tanh(c)
        p = jnp.maximum(p, h)
    c_ref[...] = c
    h_ref[...] = h
    p_ref[...] = p

    @pl.when(g == L // _T_U - 1)
    def _():
        out_ref[...] = (
            jnp.dot(p, wcls_ref[...], preferred_element_type=jnp.float32)
            + bcls_ref[...]
        )


def _fused(e3, w_ihT, bias, w_hhT, w_clsT, b_cls2):
    return pl.pallas_call(
        _fused_body,
        grid=(L // _T_U,),
        in_specs=[
            pl.BlockSpec((1, _M_BLK, H), lambda g: (g, 0, 0)),
            pl.BlockSpec((H, G4), lambda g: (0, 0)),
            pl.BlockSpec((1, G4), lambda g: (0, 0)),
            pl.BlockSpec((H, G4), lambda g: (0, 0)),
            pl.BlockSpec((H, 2), lambda g: (0, 0)),
            pl.BlockSpec((1, 2), lambda g: (0, 0)),
        ],
        out_specs=pl.BlockSpec((B, 2), lambda g: (0, 0)),
        out_shape=jax.ShapeDtypeStruct((B, 2), jnp.float32),
        scratch_shapes=[
            pltpu.VMEM((_M_BLK, G4), jnp.float32),
            pltpu.VMEM((B, H), jnp.float32),
            pltpu.VMEM((B, H), jnp.float32),
            pltpu.VMEM((B, H), jnp.float32),
        ],
    )(e3, w_ihT, bias, w_hhT, w_clsT, b_cls2)


def kernel(x, emb, W_ih, W_hh, b_ih, b_hh, W_cls, b_cls):
    idx = x.astype(jnp.int32).T.reshape(-1)
    e = _embed_gather(emb, idx)
    e3 = e.reshape(L // _T_U, _M_BLK, H)
    bias = (b_ih + b_hh).reshape(1, G4)
    w_ihT = W_ih.T
    w_hhT = W_hh.T.astype(jnp.bfloat16)
    return _fused(e3, w_ihT, bias, w_hhT, W_cls.T, b_cls.reshape(1, 2))

# --- scband reference (transcript-rebuilt; emitter-appended) ---
"""Pipeline reference for scband-torch-model-36189394436200 (READ-ONLY COPY).

The authoritative reference and input builder live on the scoring server;
editing this copy changes nothing except your own understanding.
"""

import jax, jax.numpy as jnp
import numpy as np

B, L, H, V = 32, 128, 512, 30001

def setup_inputs(seed: int = 0) -> dict:
    key = jax.random.key(seed)
    ks = jax.random.split(key, 8)
    s = 1.0 / np.sqrt(H)
    x = jax.random.randint(ks[0], (B, L), 0, 30000)
    emb = jax.random.normal(ks[1], (V, H), dtype=jnp.float32) * 0.02
    emb = emb.at[0].set(0.0)  # padding_idx=0
    W_ih = jax.random.uniform(ks[2], (4 * H, H), minval=-s, maxval=s, dtype=jnp.float32)
    W_hh = jax.random.uniform(ks[3], (4 * H, H), minval=-s, maxval=s, dtype=jnp.float32)
    b_ih = jax.random.uniform(ks[4], (4 * H,), minval=-s, maxval=s, dtype=jnp.float32)
    b_hh = jax.random.uniform(ks[5], (4 * H,), minval=-s, maxval=s, dtype=jnp.float32)
    W_cls = jax.random.uniform(ks[6], (2, H), minval=-s, maxval=s, dtype=jnp.float32)
    b_cls = jax.random.uniform(ks[7], (2,), minval=-s, maxval=s, dtype=jnp.float32)
    return {"x": x, "emb": emb, "W_ih": W_ih, "W_hh": W_hh, "b_ih": b_ih, "b_hh": b_hh, "W_cls": W_cls, "b_cls": b_cls}

def reference(x, emb, W_ih, W_hh, b_ih, b_hh, W_cls, b_cls):
    # embedding lookup (gather)
    e = jnp.take(emb, x, axis=0)  # [B, L, H]
    def step(carry, xt):
        h, c = carry
        gates = xt @ W_ih.T + b_ih + h @ W_hh.T + b_hh
        i, f, g, o = jnp.split(gates, 4, axis=-1)
        i = jax.nn.sigmoid(i)
        f = jax.nn.sigmoid(f)
        g = jnp.tanh(g)
        o = jax.nn.sigmoid(o)
        c = f * c + i * g
        h = o * jnp.tanh(c)
        return (h, c), h
    h0 = jnp.zeros((e.shape[0], H), dtype=e.dtype)
    c0 = jnp.zeros((e.shape[0], H), dtype=e.dtype)
    xs = jnp.swapaxes(e, 0, 1)  # [L, B, H]
    (_, _), hs = jax.lax.scan(step, (h0, c0), xs)
    seq = jnp.swapaxes(hs, 0, 1)  # [B, L, H]
    # pooling_style == 'max': MaxPool1d over the full seq dim == max over time
    pooled = jnp.max(seq, axis=1)  # [B, H]
    predict = pooled @ W_cls.T + b_cls  # [B, 2]
    return predict

if __name__ == "__main__":
    import jax
    _d = setup_inputs()
    print(jax.jit(kernel)(*tuple(_d.values())))

</pallas_src>

<mosaic_0001>
#map = affine_map<(d0, d1) -> (0, 0)>
#map1 = affine_map<(d0, d1) -> (0)>
module attributes {stable_mosaic.version = 14 : i64} {
  func.func @_sc_gather_body(%arg0: i32, %arg1: i32, %arg2: memref<30001x512xf32, #tpu.memory_space<hbm>>, %arg3: memref<4096xi32, #tpu.memory_space<hbm>>, %arg4: memref<4096x512xf32, #tpu.memory_space<hbm>>, %arg5: memref<128xi32, #tpu.memory_space<vmem>>, %arg6: memref<128x512xf32, #tpu.memory_space<vmem>>, %arg7: memref<!tpu.dma_semaphore, #tpu.memory_space<semaphore_mem>>) attributes {dimension_semantics = [#tpu.dimension_semantics<core_parallel>, #tpu.dimension_semantics<subcore_parallel>], iteration_bounds = array<i64: 2, 16>, scalar_prefetch = 0 : i64, scratch_operands = 3 : i64, tpu.core_type = #tpu.core_type<sc_vector_subcore>, window_params = [{transform_indices = #map}, {transform_indices = #map1}, {transform_indices = #map}]} {
    %mul3A = arith.constant 2 : i32
    %mul3A_0 = arith.muli %arg1, %mul3A : i32
    %add3A = arith.addi %mul3A_0, %arg0 : i32
    %mul3A_1 = arith.constant 128 : i32
    %mul3A_2 = arith.muli %add3A, %mul3A_1 : i32
    "tpu.region"() ({
      %run_scoped3A = tpu.sem_alloc : memref<!tpu.dma_semaphore, #tpu.memory_space<semaphore_mem>>
      %dma_start3A_7 = tpu.memref_slice %arg3[%mul3A_2] : memref<4096xi32, #tpu.memory_space<hbm>> -> memref<128xi32, #tpu.memory_space<hbm>>
      %dma_start3A_8 = tpu.memref_slice %arg3[%mul3A_2] : memref<4096xi32, #tpu.memory_space<hbm>> -> memref<128xi32, #tpu.memory_space<hbm>>
      tpu.enqueue_dma source(%dma_start3A_8 : memref<128xi32, #tpu.memory_space<hbm>>) target(%arg5 : memref<128xi32, #tpu.memory_space<vmem>>) target_semaphore(%run_scoped3A : memref<!tpu.dma_semaphore, #tpu.memory_space<semaphore_mem>>)
      %dma_wait3A_9 = tpu.memref_slice %arg3[%mul3A_2] : memref<4096xi32, #tpu.memory_space<hbm>> -> memref<128xi32, #tpu.memory_space<hbm>>
      %dma_wait3A_10 = tpu.memref_slice %arg3[%mul3A_2] : memref<4096xi32, #tpu.memory_space<hbm>> -> memref<128xi32, #tpu.memory_space<hbm>>
      tpu.wait_dma2 semaphore(%run_scoped3A : memref<!tpu.dma_semaphore, #tpu.memory_space<semaphore_mem>>) src(%dma_wait3A_10 : memref<128xi32, #tpu.memory_space<hbm>>) dst(%arg5 : memref<128xi32, #tpu.memory_space<vmem>>)
      tpu.yield
    }) : () -> ()
    %dma_start3A = arith.constant 0 : i32
    %dma_start3A_3 = arith.constant 0 : i32
    %dma_start3A_4 = tpu.memref_slice %arg2[%dma_start3A, %dma_start3A_3] : memref<30001x512xf32, #tpu.memory_space<hbm>> -> memref<30001x512xf32, #tpu.memory_space<hbm>>
    tpu.enqueue_indirect_dma source(%dma_start3A_4 : memref<30001x512xf32, #tpu.memory_space<hbm>>) target(%arg6 : memref<128x512xf32, #tpu.memory_space<vmem>>) offsets(%arg5 : memref<128xi32, #tpu.memory_space<vmem>>) semaphore(%arg7 : memref<!tpu.dma_semaphore, #tpu.memory_space<semaphore_mem>>)
    %dma_wait3A = arith.constant 0 : i32
    %dma_wait3A_5 = arith.constant 0 : i32
    %dma_wait3A_6 = tpu.memref_slice %arg2[%dma_wait3A, %dma_wait3A_5] : memref<30001x512xf32, #tpu.memory_space<hbm>> -> memref<30001x512xf32, #tpu.memory_space<hbm>>
    tpu.wait_indirect_dma semaphore(%arg7 : memref<!tpu.dma_semaphore, #tpu.memory_space<semaphore_mem>>) src(%dma_wait3A_6 : memref<30001x512xf32, #tpu.memory_space<hbm>>) dst(%arg6 : memref<128x512xf32, #tpu.memory_space<vmem>>)
    "tpu.region"() ({
      %run_scoped3A = tpu.sem_alloc : memref<!tpu.dma_semaphore, #tpu.memory_space<semaphore_mem>>
      %dma_start3A_7 = arith.constant 0 : i32
      %dma_start3A_8 = tpu.memref_slice %arg4[%mul3A_2, %dma_start3A_7] : memref<4096x512xf32, #tpu.memory_space<hbm>> -> memref<128x512xf32, #tpu.memory_space<hbm>>
      %dma_start3A_9 = arith.constant 0 : i32
      %dma_start3A_10 = tpu.memref_slice %arg4[%mul3A_2, %dma_start3A_9] : memref<4096x512xf32, #tpu.memory_space<hbm>> -> memref<128x512xf32, #tpu.memory_space<hbm>>
      tpu.enqueue_dma source(%arg6 : memref<128x512xf32, #tpu.memory_space<vmem>>) target(%dma_start3A_10 : memref<128x512xf32, #tpu.memory_space<hbm>>) target_semaphore(%run_scoped3A : memref<!tpu.dma_semaphore, #tpu.memory_space<semaphore_mem>>)
      %dma_wait3A_11 = arith.constant 0 : i32
      %dma_wait3A_12 = tpu.memref_slice %arg4[%mul3A_2, %dma_wait3A_11] : memref<4096x512xf32, #tpu.memory_space<hbm>> -> memref<128x512xf32, #tpu.memory_space<hbm>>
      %dma_wait3A_13 = arith.constant 0 : i32
      %dma_wait3A_14 = tpu.memref_slice %arg4[%mul3A_2, %dma_wait3A_13] : memref<4096x512xf32, #tpu.memory_space<hbm>> -> memref<128x512xf32, #tpu.memory_space<hbm>>
      tpu.wait_dma2 semaphore(%run_scoped3A : memref<!tpu.dma_semaphore, #tpu.memory_space<semaphore_mem>>) src(%arg6 : memref<128x512xf32, #tpu.memory_space<vmem>>) dst(%dma_wait3A_14 : memref<128x512xf32, #tpu.memory_space<hbm>>)
      tpu.yield
    }) : () -> ()
    return
  }
}

module attributes {stable_mosaic.version = 14 : i64} {
  func.func @_fused_body(%arg0: i32, %arg1: memref<1x2048x512xf32, #tpu.memory_space<vmem>>, %arg2: memref<512x2048xf32, #tpu.memory_space<vmem>>, %arg3: memref<1x2048xf32, #tpu.memory_space<vmem>>, %arg4: memref<512x2048xbf16, #tpu.memory_space<vmem>>, %arg5: memref<512x2xf32, #tpu.memory_space<vmem>>, %arg6: memref<1x2xf32, #tpu.memory_space<vmem>>, %arg7: memref<32x2xf32, #tpu.memory_space<vmem>>, %arg8: memref<2048x2048xf32, #tpu.memory_space<vmem>>, %arg9: memref<32x512xf32, #tpu.memory_space<vmem>>, %arg10: memref<32x512xf32, #tpu.memory_space<vmem>>, %arg11: memref<32x512xf32, #tpu.memory_space<vmem>>) attributes {dimension_semantics = [#tpu.dimension_semantics<arbitrary>], iteration_bounds = array<i64: 2>, scalar_prefetch = 0 : i64, scratch_operands = 4 : i64, tpu.core_type = #tpu.core_type<tc>, window_params = [{transform_indices = @transform_0, window_bounds = array<i64: 1, 2048, 512>}, {pipeline_mode = #tpu.pipeline_mode<synchronous>, transform_indices = @transform_1, window_bounds = array<i64: 512, 2048>}, {pipeline_mode = #tpu.pipeline_mode<synchronous>, transform_indices = @transform_2, window_bounds = array<i64: 1, 2048>}, {pipeline_mode = #tpu.pipeline_mode<synchronous>, transform_indices = @transform_3, window_bounds = array<i64: 512, 2048>}, {pipeline_mode = #tpu.pipeline_mode<synchronous>, transform_indices = @transform_4, window_bounds = array<i64: 512, 2>}, {pipeline_mode = #tpu.pipeline_mode<synchronous>, transform_indices = @transform_5, window_bounds = array<i64: 1, 2>}, {pipeline_mode = #tpu.pipeline_mode<synchronous>, transform_indices = @transform_6, window_bounds = array<i64: 32, 2>}]} {
    %eq3A = arith.constant 0 : i32
    %eq3A_0 = arith.cmpi eq, %arg0, %eq3A : i32
    %convert_element_type3A = arith.extui %eq3A_0 : i1 to i32
    %cond3A = arith.constant 0 : i32
    %cond3A_1 = arith.cmpi ne, %convert_element_type3A, %cond3A : i32
    scf.if %cond3A_1 {
      %broadcast_in_dim3A = arith.constant 0.000000e+00 : f32
      %broadcast_in_dim3A_3110 = vector.broadcast %broadcast_in_dim3A : f32 to vector<32x512xf32>
      %swap3A_3111 = arith.constant 0 : index
      %swap3A_3112 = arith.constant 0 : index
      %swap3A_3113 = vector.load %arg9[%swap3A_3111, %swap3A_3112] : memref<32x512xf32, #tpu.memory_space<vmem>>, vector<32x512xf32>
      tpu.vector_store %arg9[%swap3A_3111, %swap3A_3112], %broadcast_in_dim3A_3110 {strides = array<i32>} : memref<32x512xf32, #tpu.memory_space<vmem>>, vector<32x512xf32>,
      %broadcast_in_dim3A_3114 = arith.constant 0.000000e+00 : f32
      %broadcast_in_dim3A_3115 = vector.broadcast %broadcast_in_dim3A_3114 : f32 to vector<32x512xf32>
      %swap3A_3116 = arith.constant 0 : index
      %swap3A_3117 = arith.constant 0 : index
      %swap3A_3118 = vector.load %arg10[%swap3A_3116, %swap3A_3117] : memref<32x512xf32, #tpu.memory_space<vmem>>, vector<32x512xf32>
      tpu.vector_store %arg10[%swap3A_3116, %swap3A_3117], %broadcast_in_dim3A_3115 {strides = array<i32>} : memref<32x512xf32, #tpu.memory_space<vmem>>, vector<32x512xf32>,
      %broadcast_in_dim3A_3119 = arith.constant -3.000000e+38 : f32
      %broadcast_in_dim3A_3120 = vector.broadcast %broadcast_in_dim3A_3119 : f32 to vector<32x512xf32>
      %swap3A_3121 = arith.constant 0 : index
      %swap3A_3122 = arith.constant 0 : index
      %swap3A_3123 = vector.load %arg11[%swap3A_3121, %swap3A_3122] : memref<32x512xf32, #tpu.memory_space<vmem>>, vector<32x512xf32>
      tpu.vector_store %arg11[%swap3A_3121, %swap3A_3122], %broadcast_in_dim3A_3120 {strides = array<i32>} : memref<32x512xf32, #tpu.memory_space<vmem>>, vector<32x512xf32>,
    } else {
    }
    %get3A = arith.constant 0 : index
    %get3A_2 = arith.constant 0 : index
    %get3A_3 = arith.constant 0 : index
    %get3A_4 = vector.load %arg1[%get3A, %get3A_2, %get3A_3] : memref<1x2048x512xf32, #tpu.memory_space<vmem>>, vector<1x2048x512xf32>
    %get3A_5 = vector.shape_cast %get3A_4 : vector<1x2048x512xf32> to vector<2048x512xf32>
    %get3A_6 = arith.constant 0 : index
    %get3A_7 = arith.constant 0 : index
    %get3A_8 = vector.load %arg2[%get3A_6, %get3A_7] : memref<512x2048xf32, #tpu.memory_space<vmem>>, vector<512x2048xf32>
    %dot_general3A = arith.constant dense<0.000000e+00> : vector<2048x2048xf32>
    %dot_general3A_9 = tpu.matmul %get3A_5, %get3A_8, %dot_general3A {dimension_numbers = #tpu.dot_dimension_numbers<[1], [0], [0], [1], [0, 0, 1, 1], [], []>, transpose_lhs_hint = false} : vector<2048x512xf32>, vector<512x2048xf32>, vector<2048x2048xf32> -> vector<2048x2048xf32>
    %get3A_10 = arith.constant 0 : index
    %get3A_11 = arith.constant 0 : index
    %get3A_12 = vector.load %arg3[%get3A_10, %get3A_11] : memref<1x2048xf32, #tpu.memory_space<vmem>>, vector<1x2048xf32>
    %add3A = vector.broadcast %get3A_12 : vector<1x2048xf32> to vector<2048x2048xf32>
    %add3A_13 = arith.addf %dot_general3A_9, %add3A : vector<2048x2048xf32>
    %swap3A = arith.constant 0 : index
    %swap3A_14 = arith.constant 0 : index
    %swap3A_15 = vector.load %arg8[%swap3A, %swap3A_14] : memref<2048x2048xf32, #tpu.memory_space<vmem>>, vector<2048x2048xf32>
    tpu.vector_store %arg8[%swap3A, %swap3A_14], %add3A_13 {strides = array<i32>} : memref<2048x2048xf32, #tpu.memory_space<vmem>>, vector<2048x2048xf32>,
    %get3A_16 = arith.constant 0 : index
    %get3A_17 = arith.constant 0 : index
    %get3A_18 = vector.load %arg9[%get3A_16, %get3A_17] : memref<32x512xf32, #tpu.memory_space<vmem>>, vector<32x512xf32>
    %get3A_19 = arith.constant 0 : index
    %get3A_20 = arith.constant 0 : index
    %get3A_21 = vector.load %arg10[%get3A_19, %get3A_20] : memref<32x512xf32, #tpu.memory_space<vmem>>, vector<32x512xf32>
    %get3A_22 = arith.constant 0 : index
    %get3A_23 = arith.constant 0 : index
    %get3A_24 = vector.load %arg11[%get3A_22, %get3A_23] : memref<32x512xf32, #tpu.memory_space<vmem>>, vector<32x512xf32>
    %get3A_25 = arith.constant 0 : index
    %get3A_26 = arith.constant 0 : index
    %get3A_27 = vector.load %arg4[%get3A_25, %get3A_26] : memref<512x2048xbf16, #tpu.memory_space<vmem>>, vector<512x2048xbf16>
    %get3A_28 = arith.constant 0 : index
    %get3A_29 = arith.constant 0 : index
    %get3A_30 = vector.load %arg8[%get3A_28, %get3A_29] : memref<2048x2048xf32, #tpu.memory_space<vmem>>, vector<32x2048xf32>
    %convert_element_type3A_31 = arith.truncf %get3A_18 : vector<32x512xf32> to vector<32x512xbf16>
    %dot_general3A_32 = arith.constant dense<0.000000e+00> : vector<32x2048xf32>
    %dot_general3A_33 = tpu.matmul %convert_element_type3A_31, %get3A_27, %dot_general3A_32 {dimension_numbers = #tpu.dot_dimension_numbers<[1], [0], [0], [1], [0, 0, 1, 1], [], []>, transpose_lhs_hint = false} : vector<32x512xbf16>, vector<512x2048xbf16>, vector<32x2048xf32> -> vector<32x2048xf32>
    %add3A_34 = arith.addf %get3A_30, %dot_general3A_33 : vector<32x2048xf32>
    %slice3A = vector.extract_strided_slice %add3A_34 {offsets = [0, 0], sizes = [32, 512], strides = [1, 1]} : vector<32x2048xf32> to vector<32x512xf32>
    %mul3A = arith.constant 5.000000e-01 : f32
    %mul3A_35 = vector.broadcast %mul3A : f32 to vector<32x512xf32>
    %mul3A_36 = arith.mulf %mul3A_35, %slice3A : vector<32x512xf32>
    %tanh3A = math.tanh %mul3A_36 : vector<32x512xf32>
    %mul3A_37 = arith.constant 5.000000e-01 : f32
    %mul3A_38 = vector.broadcast %mul3A_37 : f32 to vector<32x512xf32>
    %mul3A_39 = arith.mulf %mul3A_38, %tanh3A : vector<32x512xf32>
    %add3A_40 = arith.constant 5.000000e-01 : f32
    %add3A_41 = vector.broadcast %add3A_40 : f32 to vector<32x512xf32>
    %add3A_42 = arith.addf %mul3A_39, %add3A_41 : vector<32x512xf32>
    %slice3A_43 = vector.extract_strided_slice %add3A_34 {offsets = [0, 512], sizes = [32, 512], strides = [1, 1]} : vector<32x2048xf32> to vector<32x512xf32>
    %mul3A_44 = arith.constant 5.000000e-01 : f32
    %mul3A_45 = vector.broadcast %mul3A_44 : f32 to vector<32x512xf32>
    %mul3A_46 = arith.mulf %mul3A_45, %slice3A_43 : vector<32x512xf32>
    %tanh3A_47 = math.tanh %mul3A_46 : vector<32x512xf32>
    %mul3A_48 = arith.constant 5.000000e-01 : f32
    %mul3A_49 = vector.broadcast %mul3A_48 : f32 to vector<32x512xf32>
    %mul3A_50 = arith.mulf %mul3A_49, %tanh3A_47 : vector<32x512xf32>
    %add3A_51 = arith.constant 5.000000e-01 : f32
    %add3A_52 = vector.broadcast %add3A_51 : f32 to vector<32x512xf32>
    %add3A_53 = arith.addf %mul3A_50, %add3A_52 : vector<32x512xf32>
    %slice3A_54 = vector.extract_strided_slice %add3A_34 {offsets = [0, 1024], sizes = [32, 512], strides = [1, 1]} : vector<32x2048xf32> to vector<32x512xf32>
    %tanh3A_55 = math.tanh %slice3A_54 : vector<32x512xf32>
    %slice3A_56 = vector.extract_strided_slice %add3A_34 {offsets = [0, 1536], sizes = [32, 512], strides = [1, 1]} : vector<32x2048xf32> to vector<32x512xf32>
    %mul3A_57 = arith.constant 5.000000e-01 : f32
    %mul3A_58 = vector.broadcast %mul3A_57 : f32 to vector<32x512xf32>
    %mul3A_59 = arith.mulf %mul3A_58, %slice3A_56 : vector<32x512xf32>
    %tanh3A_60 = math.tanh %mul3A_59 : vector<32x512xf32>
    %mul3A_61 = arith.constant 5.000000e-01 : f32
    %mul3A_62 = vector.broadcast %mul3A_61 : f32 to vector<32x512xf32>
    %mul3A_63 = arith.mulf %mul3A_62, %tanh3A_60 : vector<32x512xf32>
    %add3A_64 = arith.constant 5.000000e-01 : f32
    %add3A_65 = vector.broadcast %add3A_64 : f32 to vector<32x512xf32>
    %add3A_66 = arith.addf %mul3A_63, %add3A_65 : vector<32x512xf32>
    %mul3A_67 = arith.mulf %add3A_53, %get3A_21 : vector<32x512xf32>
    %mul3A_68 = arith.mulf %add3A_42, %tanh3A_55 : vector<32x512xf32>
    %add3A_69 = arith.addf %mul3A_67, %mul3A_68 : vector<32x512xf32>
    %tanh3A_70 = math.tanh %add3A_69 : vector<32x512xf32>
    %mul3A_71 = arith.mulf %add3A_66, %tanh3A_70 : vector<32x512xf32>
    %max3A = arith.maximumf %get3A_24, %mul3A_71 : vector<32x512xf32>
    %get3A_72 = arith.constant 32 : index
    %get3A_73 = arith.constant 0 : index
    %get3A_74 = vector.load %arg8[%get3A_72, %get3A_73] : memref<2048x2048xf32, #tpu.memory_space<vmem>>, vector<32x2048xf32>
    %convert_element_type3A_75 = arith.truncf %mul3A_71 : vector<32x512xf32> to vector<32x512xbf16>
    %dot_general3A_76 = arith.constant dense<0.000000e+00> : vector<32x2048xf32>
    %dot_general3A_77 = tpu.matmul %convert_element_type3A_75, %get3A_27, %dot_general3A_76 {dimension_numbers = #tpu.dot_dimension_numbers<[1], [0], [0], [1], [0, 0, 1, 1], [], []>, transpose_lhs_hint = false} : vector<32x512xbf16>, vector<512x2048xbf16>, vector<32x2048xf32> -> vector<32x2048xf32>
    %add3A_78 = arith.addf %get3A_74, %dot_general3A_77 : vector<32x2048xf32>
    %slice3A_79 = vector.extract_strided_slice %add3A_78 {offsets = [0, 0], sizes = [32, 512], strides = [1, 1]} : vector<32x2048xf32> to vector<32x512xf32>
    %mul3A_80 = arith.constant 5.000000e-01 : f32
    %mul3A_81 = vector.broadcast %mul3A_80 : f32 to vector<32x512xf32>
    %mul3A_82 = arith.mulf %mul3A_81, %slice3A_79 : vector<32x512xf32>
    %tanh3A_83 = math.tanh %mul3A_82 : vector<32x512xf32>
    %mul3A_84 = arith.constant 5.000000e-01 : f32
    %mul3A_85 = vector.broadcast %mul3A_84 : f32 to vector<32x512xf32>
    %mul3A_86 = arith.mulf %mul3A_85, %tanh3A_83 : vector<32x512xf32>
    %add3A_87 = arith.constant 5.000000e-01 : f32
    %add3A_88 = vector.broadcast %add3A_87 : f32 to vector<32x512xf32>
    %add3A_89 = arith.addf %mul3A_86, %add3A_88 : vector<32x512xf32>
    %slice3A_90 = vector.extract_strided_slice %add3A_78 {offsets = [0, 512], sizes = [32, 512], strides = [1, 1]} : vector<32x2048xf32> to vector<32x512xf32>
    %mul3A_91 = arith.constant 5.000000e-01 : f32
    %mul3A_92 = vector.broadcast %mul3A_91 : f32 to vector<32x512xf32>
    %mul3A_93 = arith.mulf %mul3A_92, %slice3A_90 : vector<32x512xf32>
    %tanh3A_94 = math.tanh %mul3A_93 : vector<32x512xf32>
    %mul3A_95 = arith.constant 5.000000e-01 : f32
    %mul3A_96 = vector.broadcast %mul3A_95 : f32 to vector<32x512xf32>
    %mul3A_97 = arith.mulf %mul3A_96, %tanh3A_94 : vector<32x512xf32>
    %add3A_98 = arith.constant 5.000000e-01 : f32
    %add3A_99 = vector.broadcast %add3A_98 : f32 to vector<32x512xf32>
    %add3A_100 = arith.addf %mul3A_97, %add3A_99 : vector<32x512xf32>
    %slice3A_101 = vector.extract_strided_slice %add3A_78 {offsets = [0, 1024], sizes = [32, 512], strides = [1, 1]} : vector<32x2048xf32> to vector<32x512xf32>
    %tanh3A_102 = math.tanh %slice3A_101 : vector<32x512xf32>
    %slice3A_103 = vector.extract_strided_slice %add3A_78 {offsets = [0, 1536], sizes = [32, 512], strides = [1, 1]} : vector<32x2048xf32> to vector<32x512xf32>
    %mul3A_104 = arith.constant 5.000000e-01 : f32
    %mul3A_105 = vector.broadcast %mul3A_104 : f32 to vector<32x512xf32>
    %mul3A_106 = arith.mulf %mul3A_105, %slice3A_103 : vector<32x512xf32>
    %tanh3A_107 = math.tanh %mul3A_106 : vector<32x512xf32>
    %mul3A_108 = arith.constant 5.000000e-01 : f32
    %mul3A_109 = vector.broadcast %mul3A_108 : f32 to vector<32x512xf32>
    %mul3A_110 = arith.mulf %mul3A_109, %tanh3A_107 : vector<32x512xf32>
    %add3A_111 = arith.constant 5.000000e-01 : f32
    %add3A_112 = vector.broadcast %add3A_111 : f32 to vector<32x512xf32>
    %add3A_113 = arith.addf %mul3A_110, %add3A_112 : vector<32x512xf32>
    %mul3A_114 = arith.mulf %add3A_100, %add3A_69 : vector<32x512xf32>
    %mul3A_115 = arith.mulf %add3A_89, %tanh3A_102 : vector<32x512xf32>
    %add3A_116 = arith.addf %mul3A_114, %mul3A_115 : vector<32x512xf32>
    %tanh3A_117 = math.tanh %add3A_116 : vector<32x512xf32>
    %mul3A_118 = arith.mulf %add3A_113, %tanh3A_117 : vector<32x512xf32>
    %max3A_119 = arith.maximumf %max3A, %mul3A_118 : vector<32x512xf32>
    %get3A_120 = arith.constant 64 : index
    %get3A_121 = arith.constant 0 : index
    %get3A_122 = vector.load %arg8[%get3A_120, %get3A_121] : memref<2048x2048xf32, #tpu.memory_space<vmem>>, vector<32x2048xf32>
    %convert_element_type3A_123 = arith.truncf %mul3A_118 : vector<32x512xf32> to vector<32x512xbf16>
    %dot_general3A_124 = arith.constant dense<0.000000e+00> : vector<32x2048xf32>
    %dot_general3A_125 = tpu.matmul %convert_element_type3A_123, %get3A_27, %dot_general3A_124 {dimension_numbers = #tpu.dot_dimension_numbers<[1], [0], [0], [1], [0, 0, 1, 1], [], []>, transpose_lhs_hint = false} : vector<32x512xbf16>, vector<512x2048xbf16>, vector<32x2048xf32> -> vector<32x2048xf32>
    %add3A_126 = arith.addf %get3A_122, %dot_general3A_125 : vector<32x2048xf32>
    %slice3A_127 = vector.extract_strided_slice %add3A_126 {offsets = [0, 0], sizes = [32, 512], strides = [1, 1]} : vector<32x2048xf32> to vector<32x512xf32>
    %mul3A_128 = arith.constant 5.000000e-01 : f32
    %mul3A_129 = vector.broadcast %mul3A_128 : f32 to vector<32x512xf32>
    %mul3A_130 = arith.mulf %mul3A_129, %slice3A_127 : vector<32x512xf32>
    %tanh3A_131 = math.tanh %mul3A_130 : vector<32x512xf32>
    %mul3A_132 = arith.constant 5.000000e-01 : f32
    %mul3A_133 = vector.broadcast %mul3A_132 : f32 to vector<32x512xf32>
    %mul3A_134 = arith.mulf %mul3A_133, %tanh3A_131 : vector<32x512xf32>
    %add3A_135 = arith.constant 5.000000e-01 : f32
    %add3A_136 = vector.broadcast %add3A_135 : f32 to vector<32x512xf32>
    %add3A_137 = arith.addf %mul3A_134, %add3A_136 : vector<32x512xf32>
    %slice3A_138 = vector.extract_strided_slice %add3A_126 {offsets = [0, 512], sizes = [32, 512], strides = [1, 1]} : vector<32x2048xf32> to vector<32x512xf32>
    %mul3A_139 = arith.constant 5.000000e-01 : f32
    %mul3A_140 = vector.broadcast %mul3A_139 : f32 to vector<32x512xf32>
    %mul3A_141 = arith.mulf %mul3A_140, %slice3A_138 : vector<32x512xf32>
    %tanh3A_142 = math.tanh %mul3A_141 : vector<32x512xf32>
    %mul3A_143 = arith.constant 5.000000e-01 : f32
    %mul3A_144 = vector.broadcast %mul3A_143 : f32 to vector<32x512xf32>
    %mul3A_145 = arith.mulf %mul3A_144, %tanh3A_142 : vector<32x512xf32>
    %add3A_146 = arith.constant 5.000000e-01 : f32
    %add3A_147 = vector.broadcast %add3A_146 : f32 to vector<32x512xf32>
    %add3A_148 = arith.addf %mul3A_145, %add3A_147 : vector<32x512xf32>
    %slice3A_149 = vector.extract_strided_slice %add3A_126 {offsets = [0, 1024], sizes = [32, 512], strides = [1, 1]} : vector<32x2048xf32> to vector<32x512xf32>
    %tanh3A_150 = math.tanh %slice3A_149 : vector<32x512xf32>
    %slice3A_151 = vector.extract_strided_slice %add3A_126 {offsets = [0, 1536], sizes = [32, 512], strides = [1, 1]} : vector<32x2048xf32> to vector<32x512xf32>
    %mul3A_152 = arith.constant 5.000000e-01 : f32
    %mul3A_153 = vector.broadcast %mul3A_152 : f32 to vector<32x512xf32>
    %mul3A_154 = arith.mulf %mul3A_153, %slice3A_151 : vector<32x512xf32>
    %tanh3A_155 = math.tanh %mul3A_154 : vector<32x512xf32>
    %mul3A_156 = arith.constant 5.000000e-01 : f32
    %mul3A_157 = vector.broadcast %mul3A_156 : f32 to vector<32x512xf32>
    %mul3A_158 = arith.mulf %mul3A_157, %tanh3A_155 : vector<32x512xf32>
    %add3A_159 = arith.constant 5.000000e-01 : f32
    %add3A_160 = vector.broadcast %add3A_159 : f32 to vector<32x512xf32>
    %add3A_161 = arith.addf %mul3A_158, %add3A_160 : vector<32x512xf32>
    %mul3A_162 = arith.mulf %add3A_148, %add3A_116 : vector<32x512xf32>
    %mul3A_163 = arith.mulf %add3A_137, %tanh3A_150 : vector<32x512xf32>
    %add3A_164 = arith.addf %mul3A_162, %mul3A_163 : vector<32x512xf32>
    %tanh3A_165 = math.tanh %add3A_164 : vector<32x512xf32>
    %mul3A_166 = arith.mulf %add3A_161, %tanh3A_165 : vector<32x512xf32>
    %max3A_167 = arith.maximumf %max3A_119, %mul3A_166 : vector<32x512xf32>
    %get3A_168 = arith.constant 96 : index
    %get3A_169 = arith.constant 0 : index
    %get3A_170 = vector.load %arg8[%get3A_168, %get3A_169] : memref<2048x2048xf32, #tpu.memory_space<vmem>>, vector<32x2048xf32>
    %convert_element_type3A_171 = arith.truncf %mul3A_166 : vector<32x512xf32> to vector<32x512xbf16>
    %dot_general3A_172 = arith.constant dense<0.000000e+00> : vector<32x2048xf32>
    %dot_general3A_173 = tpu.matmul %convert_element_type3A_171, %get3A_27, %dot_general3A_172 {dimension_numbers = #tpu.dot_dimension_numbers<[1], [0], [0], [1], [0, 0, 1, 1], [], []>, transpose_lhs_hint = false} : vector<32x512xbf16>, vector<512x2048xbf16>, vector<32x2048xf32> -> vector<32x2048xf32>
    %add3A_174 = arith.addf %get3A_170, %dot_general3A_173 : vector<32x2048xf32>
    %slice3A_175 = vector.extract_strided_slice %add3A_174 {offsets = [0, 0], sizes = [32, 512], strides = [1, 1]} : vector<32x2048xf32> to vector<32x512xf32>
    %mul3A_176 = arith.constant 5.000000e-01 : f32
    %mul3A_177 = vector.broadcast %mul3A_176 : f32 to vector<32x512xf32>
    %mul3A_178 = arith.mulf %mul3A_177, %slice3A_175 : vector<32x512xf32>
    %tanh3A_179 = math.tanh %mul3A_178 : vector<32x512xf32>
    %mul3A_180 = arith.constant 5.000000e-01 : f32
    %mul3A_181 = vector.broadcast %mul3A_180 : f32 to vector<32x512xf32>
    %mul3A_182 = arith.mulf %mul3A_181, %tanh3A_179 : vector<32x512xf32>
    %add3A_183 = arith.constant 5.000000e-01 : f32
    %add3A_184 = vector.broadcast %add3A_183 : f32 to vector<32x512xf32>
    %add3A_185 = arith.addf %mul3A_182, %add3A_184 : vector<32x512xf32>
    %slice3A_186 = vector.extract_strided_slice %add3A_174 {offsets = [0, 512], sizes = [32, 512], strides = [1, 1]} : vector<32x2048xf32> to vector<32x512xf32>
    %mul3A_187 = arith.constant 5.000000e-01 : f32
    %mul3A_188 = vector.broadcast %mul3A_187 : f32 to vector<32x512xf32>
    %mul3A_189 = arith.mulf %mul3A_188, %slice3A_186 : vector<32x512xf32>
    %tanh3A_190 = math.tanh %mul3A_189 : vector<32x512xf32>
    %mul3A_191 = arith.constant 5.000000e-01 : f32
    %mul3A_192 = vector.broadcast %mul3A_191 : f32 to vector<32x512xf32>
    %mul3A_193 = arith.mulf %mul3A_192, %tanh3A_190 : vector<32x512xf32>
    %add3A_194 = arith.constant 5.000000e-01 : f32
    %add3A_195 = vector.broadcast %add3A_194 : f32 to vector<32x512xf32>
    %add3A_196 = arith.addf %mul3A_193, %add3A_195 : vector<32x512xf32>
    %slice3A_197 = vector.extract_strided_slice %add3A_174 {offsets = [0, 1024], sizes = [32, 512], strides = [1, 1]} : vector<32x2048xf32> to vector<32x512xf32>
    %tanh3A_198 = math.tanh %slice3A_197 : vector<32x512xf32>
    %slice3A_199 = vector.extract_strided_slice %add3A_174 {offsets = [0, 1536], sizes = [32, 512], strides = [1, 1]} : vector<32x2048xf32> to vector<32x512xf32>
    %mul3A_200 = arith.constant 5.000000e-01 : f32
    %mul3A_201 = vector.broadcast %mul3A_200 : f32 to vector<32x512xf32>
    %mul3A_202 = arith.mulf %mul3A_201, %slice3A_199 : vector<32x512xf32>
    %tanh3A_203 = math.tanh %mul3A_202 : vector<32x512xf32>
    %mul3A_204 = arith.constant 5.000000e-01 : f32
    %mul3A_205 = vector.broadcast %mul3A_204 : f32 to vector<32x512xf32>
    %mul3A_206 = arith.mulf %mul3A_205, %tanh3A_203 : vector<32x512xf32>
    %add3A_207 = arith.constant 5.000000e-01 : f32
    %add3A_208 = vector.broadcast %add3A_207 : f32 to vector<32x512xf32>
    %add3A_209 = arith.addf %mul3A_206, %add3A_208 : vector<32x512xf32>
    %mul3A_210 = arith.mulf %add3A_196, %add3A_164 : vector<32x512xf32>
    %mul3A_211 = arith.mulf %add3A_185, %tanh3A_198 : vector<32x512xf32>
    %add3A_212 = arith.addf %mul3A_210, %mul3A_211 : vector<32x512xf32>
    %tanh3A_213 = math.tanh %add3A_212 : vector<32x512xf32>
    %mul3A_214 = arith.mulf %add3A_209, %tanh3A_213 : vector<32x512xf32>
    %max3A_215 = arith.maximumf %max3A_167, %mul3A_214 : vector<32x512xf32>
    %get3A_216 = arith.constant 128 : index
    %get3A_217 = arith.constant 0 : index
    %get3A_218 = vector.load %arg8[%get3A_216, %get3A_217] : memref<2048x2048xf32, #tpu.memory_space<vmem>>, vector<32x2048xf32>
    %convert_element_type3A_219 = arith.truncf %mul3A_214 : vector<32x512xf32> to vector<32x512xbf16>
    %dot_general3A_220 = arith.constant dense<0.000000e+00> : vector<32x2048xf32>
    %dot_general3A_221 = tpu.matmul %convert_element_type3A_219, %get3A_27, %dot_general3A_220 {dimension_numbers = #tpu.dot_dimension_numbers<[1], [0], [0], [1], [0, 0, 1, 1], [], []>, transpose_lhs_hint = false} : vector<32x512xbf16>, vector<512x2048xbf16>, vector<32x2048xf32> -> vector<32x2048xf32>
    %add3A_222 = arith.addf %get3A_218, %dot_general3A_221 : vector<32x2048xf32>
    %slice3A_223 = vector.extract_strided_slice %add3A_222 {offsets = [0, 0], sizes = [32, 512], strides = [1, 1]} : vector<32x2048xf32> to vector<32x512xf32>
    %mul3A_224 = arith.constant 5.000000e-01 : f32
    %mul3A_225 = vector.broadcast %mul3A_224 : f32 to vector<32x512xf32>
    %mul3A_226 = arith.mulf %mul3A_225, %slice3A_223 : vector<32x512xf32>
    %tanh3A_227 = math.tanh %mul3A_226 : vector<32x512xf32>
    %mul3A_228 = arith.constant 5.000000e-01 : f32
    %mul3A_229 = vector.broadcast %mul3A_228 : f32 to vector<32x512xf32>
    %mul3A_230 = arith.mulf %mul3A_229, %tanh3A_227 : vector<32x512xf32>
    %add3A_231 = arith.constant 5.000000e-01 : f32
    %add3A_232 = vector.broadcast %add3A_231 : f32 to vector<32x512xf32>
    %add3A_233 = arith.addf %mul3A_230, %add3A_232 : vector<32x512xf32>
    %slice3A_234 = vector.extract_strided_slice %add3A_222 {offsets = [0, 512], sizes = [32, 512], strides = [1, 1]} : vector<32x2048xf32> to vector<32x512xf32>
    %mul3A_235 = arith.constant 5.000000e-01 : f32
    %mul3A_236 = vector.broadcast %mul3A_235 : f32 to vector<32x512xf32>
    %mul3A_237 = arith.mulf %mul3A_236, %slice3A_234 : vector<32x512xf32>
    %tanh3A_238 = math.tanh %mul3A_237 : vector<32x512xf32>
    %mul3A_239 = arith.constant 5.000000e-01 : f32
    %mul3A_240 = vector.broadcast %mul3A_239 : f32 to vector<32x512xf32>
    %mul3A_241 = arith.mulf %mul3A_240, %tanh3A_238 : vector<32x512xf32>
    %add3A_242 = arith.constant 5.000000e-01 : f32
    %add3A_243 = vector.broadcast %add3A_242 : f32 to vector<32x512xf32>
    %add3A_244 = arith.addf %mul3A_241, %add3A_243 : vector<32x512xf32>
    %slice3A_245 = vector.extract_strided_slice %add3A_222 {offsets = [0, 1024], sizes = [32, 512], strides = [1, 1]} : vector<32x2048xf32> to vector<32x512xf32>
    %tanh3A_246 = math.tanh %slice3A_245 : vector<32x512xf32>
    %slice3A_247 = vector.extract_strided_slice %add3A_222 {offsets = [0, 1536], sizes = [32, 512], strides = [1, 1]} : vector<32x2048xf32> to vector<32x512xf32>
    %mul3A_248 = arith.constant 5.000000e-01 : f32
    %mul3A_249 = vector.broadcast %mul3A_248 : f32 to vector<32x512xf32>
    %mul3A_250 = arith.mulf %mul3A_249, %slice3A_247 : vector<32x512xf32>
    %tanh3A_251 = math.tanh %mul3A_250 : vector<32x512xf32>
    %mul3A_252 = arith.constant 5.000000e-01 : f32
    %mul3A_253 = vector.broadcast %mul3A_252 : f32 to vector<32x512xf32>
    %mul3A_254 = arith.mulf %mul3A_253, %tanh3A_251 : vector<32x512xf32>
    %add3A_255 = arith.constant 5.000000e-01 : f32
    %add3A_256 = vector.broadcast %add3A_255 : f32 to vector<32x512xf32>
    %add3A_257 = arith.addf %mul3A_254, %add3A_256 : vector<32x512xf32>
    %mul3A_258 = arith.mulf %add3A_244, %add3A_212 : vector<32x512xf32>
    %mul3A_259 = arith.mulf %add3A_233, %tanh3A_246 : vector<32x512xf32>
    %add3A_260 = arith.addf %mul3A_258, %mul3A_259 : vector<32x512xf32>
    %tanh3A_261 = math.tanh %add3A_260 : vector<32x512xf32>
    %mul3A_262 = arith.mulf %add3A_257, %tanh3A_261 : vector<32x512xf32>
    %max3A_263 = arith.maximumf %max3A_215, %mul3A_262 : vector<32x512xf32>
    %get3A_264 = arith.constant 160 : index
    %get3A_265 = arith.constant 0 : index
    %get3A_266 = vector.load %arg8[%get3A_264, %get3A_265] : memref<2048x2048xf32, #tpu.memory_space<vmem>>, vector<32x2048xf32>
    %convert_element_type3A_267 = arith.truncf %mul3A_262 : vector<32x512xf32> to vector<32x512xbf16>
    %dot_general3A_268 = arith.constant dense<0.000000e+00> : vector<32x2048xf32>
    %dot_general3A_269 = tpu.matmul %convert_element_type3A_267, %get3A_27, %dot_general3A_268 {dimension_numbers = #tpu.dot_dimension_numbers<[1], [0], [0], [1], [0, 0, 1, 1], [], []>, transpose_lhs_hint = false} : vector<32x512xbf16>, vector<512x2048xbf16>, vector<32x2048xf32> -> vector<32x2048xf32>
    %add3A_270 = arith.addf %get3A_266, %dot_general3A_269 : vector<32x2048xf32>
    %slice3A_271 = vector.extract_strided_slice %add3A_270 {offsets = [0, 0], sizes = [32, 512], strides = [1, 1]} : vector<32x2048xf32> to vector<32x512xf32>
    %mul3A_272 = arith.constant 5.000000e-01 : f32
    %mul3A_273 = vector.broadcast %mul3A_272 : f32 to vector<32x512xf32>
    %mul3A_274 = arith.mulf %mul3A_273, %slice3A_271 : vector<32x512xf32>
    %tanh3A_275 = math.tanh %mul3A_274 : vector<32x512xf32>
    %mul3A_276 = arith.constant 5.000000e-01 : f32
    %mul3A_277 = vector.broadcast %mul3A_276 : f32 to vector<32x512xf32>
    %mul3A_278 = arith.mulf %mul3A_277, %tanh3A_275 : vector<32x512xf32>
    %add3A_279 = arith.constant 5.000000e-01 : f32
    %add3A_280 = vector.broadcast %add3A_279 : f32 to vector<32x512xf32>
    %add3A_281 = arith.addf %mul3A_278, %add3A_280 : vector<32x512xf32>
    %slice3A_282 = vector.extract_strided_slice %add3A_270 {offsets = [0, 512], sizes = [32, 512], strides = [1, 1]} : vector<32x2048xf32> to vector<32x512xf32>
    %mul3A_283 = arith.constant 5.000000e-01 : f32
    %mul3A_284 = vector.broadcast %mul3A_283 : f32 to vector<32x512xf32>
    %mul3A_285 = arith.mulf %mul3A_284, %slice3A_282 : vector<32x512xf32>
    %tanh3A_286 = math.tanh %mul3A_285 : vector<32x512xf32>
    %mul3A_287 = arith.constant 5.000000e-01 : f32
    %mul3A_288 = vector.broadcast %mul3A_287 : f32 to vector<32x512xf32>
    %mul3A_289 = arith.mulf %mul3A_288, %tanh3A_286 : vector<32x512xf32>
    %add3A_290 = arith.constant 5.000000e-01 : f32
    %add3A_291 = vector.broadcast %add3A_290 : f32 to vector<32x512xf32>
    %add3A_292 = arith.addf %mul3A_289, %add3A_291 : vector<32x512xf32>
    %slice3A_293 = vector.extract_strided_slice %add3A_270 {offsets = [0, 1024], sizes = [32, 512], strides = [1, 1]} : vector<32x2048xf32> to vector<32x512xf32>
    %tanh3A_294 = math.tanh %slice3A_293 : vector<32x512xf32>
    %slice3A_295 = vector.extract_strided_slice %add3A_270 {offsets = [0, 1536], sizes = [32, 512], strides = [1, 1]} : vector<32x2048xf32> to vector<32x512xf32>
    %mul3A_296 = arith.constant 5.000000e-01 : f32
    %mul3A_297 = vector.broadcast %mul3A_296 : f32 to vector<32x512xf32>
    %mul3A_298 = arith.mulf %mul3A_297, %slice3A_295 : vector<32x512xf32>
    %tanh3A_299 = math.tanh %mul3A_298 : vector<32x512xf32>
    %mul3A_300 = arith.constant 5.000000e-01 : f32
    %mul3A_301 = vector.broadcast %mul3A_300 : f32 to vector<32x512xf32>
    %mul3A_302 = arith.mulf %mul3A_301, %tanh3A_299 : vector<32x512xf32>
    %add3A_303 = arith.constant 5.000000e-01 : f32
    %add3A_304 = vector.broadcast %add3A_303 : f32 to vector<32x512xf32>
    %add3A_305 = arith.addf %mul3A_302, %add3A_304 : vector<32x512xf32>
    %mul3A_306 = arith.mulf %add3A_292, %add3A_260 : vector<32x512xf32>
    %mul3A_307 = arith.mulf %add3A_281, %tanh3A_294 : vector<32x512xf32>
    %add3A_308 = arith.addf %mul3A_306, %mul3A_307 : vector<32x512xf32>
    %tanh3A_309 = math.tanh %add3A_308 : vector<32x512xf32>
    %mul3A_310 = arith.mulf %add3A_305, %tanh3A_309 : vector<32x512xf32>
    %max3A_311 = arith.maximumf %max3A_263, %mul3A_310 : vector<32x512xf32>
    %get3A_312 = arith.constant 192 : index
    %get3A_313 = arith.constant 0 : index
    %get3A_314 = vector.load %arg8[%get3A_312, %get3A_313] : memref<2048x2048xf32, #tpu.memory_space<vmem>>, vector<32x2048xf32>
    %convert_element_type3A_315 = arith.truncf %mul3A_310 : vector<32x512xf32> to vector<32x512xbf16>
    %dot_general3A_316 = arith.constant dense<0.000000e+00> : vector<32x2048xf32>
    %dot_general3A_317 = tpu.matmul %convert_element_type3A_315, %get3A_27, %dot_general3A_316 {dimension_numbers = #tpu.dot_dimension_numbers<[1], [0], [0], [1], [0, 0, 1, 1], [], []>, transpose_lhs_hint = false} : vector<32x512xbf16>, vector<512x2048xbf16>, vector<32x2048xf32> -> vector<32x2048xf32>
    %add3A_318 = arith.addf %get3A_314, %dot_general3A_317 : vector<32x2048xf32>
    %slice3A_319 = vector.extract_strided_slice %add3A_318 {offsets = [0, 0], sizes = [32, 512], strides = [1, 1]} : vector<32x2048xf32> to vector<32x512xf32>
    %mul3A_320 = arith.constant 5.000000e-01 : f32
    %mul3A_321 = vector.broadcast %mul3A_320 : f32 to vector<32x512xf32>
    %mul3A_322 = arith.mulf %mul3A_321, %slice3A_319 : vector<32x512xf32>
    %tanh3A_323 = math.tanh %mul3A_322 : vector<32x512xf32>
    %mul3A_324 = arith.constant 5.000000e-01 : f32
    %mul3A_325 = vector.broadcast %mul3A_324 : f32 to vector<32x512xf32>
    %mul3A_326 = arith.mulf %mul3A_325, %tanh3A_323 : vector<32x512xf32>
    %add3A_327 = arith.constant 5.000000e-01 : f32
    %add3A_328 = vector.broadcast %add3A_327 : f32 to vector<32x512xf32>
    %add3A_329 = arith.addf %mul3A_326, %add3A_328 : vector<32x512xf32>
    %slice3A_330 = vector.extract_strided_slice %add3A_318 {offsets = [0, 512], sizes = [32, 512], strides = [1, 1]} : vector<32x2048xf32> to vector<32x512xf32>
    %mul3A_331 = arith.constant 5.000000e-01 : f32
    %mul3A_332 = vector.broadcast %mul3A_331 : f32 to vector<32x512xf32>
    %mul3A_333 = arith.mulf %mul3A_332, %slice3A_330 : vector<32x512xf32>
    %tanh3A_334 = math.tanh %mul3A_333 : vector<32x512xf32>
    %mul3A_335 = arith.constant 5.000000e-01 : f32
    %mul3A_336 = vector.broadcast %mul3A_335 : f32 to vector<32x512xf32>
    %mul3A_337 = arith.mulf %mul3A_336, %tanh3A_334 : vector<32x512xf32>
    %add3A_338 = arith.constant 5.000000e-01 : f32
    %add3A_339 = vector.broadcast %add3A_338 : f32 to vector<32x512xf32>
    %add3A_340 = arith.addf %mul3A_337, %add3A_339 : vector<32x512xf32>
    %slice3A_341 = vector.extract_strided_slice %add3A_318 {offsets = [0, 1024], sizes = [32, 512], strides = [1, 1]} : vector<32x2048xf32> to vector<32x512xf32>
    %tanh3A_342 = math.tanh %slice3A_341 : vector<32x512xf32>
    %slice3A_343 = vector.extract_strided_slice %add3A_318 {offsets = [0, 1536], sizes = [32, 512], strides = [1, 1]} : vector<32x2048xf32> to vector<32x512xf32>
    %mul3A_344 = arith.constant 5.000000e-01 : f32
    %mul3A_345 = vector.broadcast %mul3A_344 : f32 to vector<32x512xf32>
    %mul3A_346 = arith.mulf %mul3A_345, %slice3A_343 : vector<32x512xf32>
    %tanh3A_347 = math.tanh %mul3A_346 : vector<32x512xf32>
    %mul3A_348 = arith.constant 5.000000e-01 : f32
    %mul3A_349 = vector.broadcast %mul3A_348 : f32 to vector<32x512xf32>
    %mul3A_350 = arith.mulf %mul3A_349, %tanh3A_347 : vector<32x512xf32>
    %add3A_351 = arith.constant 5.000000e-01 : f32
    %add3A_352 = vector.broadcast %add3A_351 : f32 to vector<32x512xf32>
    %add3A_353 = arith.addf %mul3A_350, %add3A_352 : vector<32x512xf32>
    %mul3A_354 = arith.mulf %add3A_340, %add3A_308 : vector<32x512xf32>
    %mul3A_355 = arith.mulf %add3A_329, %tanh3A_342 : vector<32x512xf32>
    %add3A_356 = arith.addf %mul3A_354, %mul3A_355 : vector<32x512xf32>
    %tanh3A_357 = math.tanh %add3A_356 : vector<32x512xf32>
    %mul3A_358 = arith.mulf %add3A_353, %tanh3A_357 : vector<32x512xf32>
    %max3A_359 = arith.maximumf %max3A_311, %mul3A_358 : vector<32x512xf32>
    %get3A_360 = arith.constant 224 : index
    %get3A_361 = arith.constant 0 : index
    %get3A_362 = vector.load %arg8[%get3A_360, %get3A_361] : memref<2048x2048xf32, #tpu.memory_space<vmem>>, vector<32x2048xf32>
    %convert_element_type3A_363 = arith.truncf %mul3A_358 : vector<32x512xf32> to vector<32x512xbf16>
    %dot_general3A_364 = arith.constant dense<0.000000e+00> : vector<32x2048xf32>
    %dot_general3A_365 = tpu.matmul %convert_element_type3A_363, %get3A_27, %dot_general3A_364 {dimension_numbers = #tpu.dot_dimension_numbers<[1], [0], [0], [1], [0, 0, 1, 1], [], []>, transpose_lhs_hint = false} : vector<32x512xbf16>, vector<512x2048xbf16>, vector<32x2048xf32> -> vector<32x2048xf32>
    %add3A_366 = arith.addf %get3A_362, %dot_general3A_365 : vector<32x2048xf32>
    %slice3A_367 = vector.extract_strided_slice %add3A_366 {offsets = [0, 0], sizes = [32, 512], strides = [1, 1]} : vector<32x2048xf32> to vector<32x512xf32>
    %mul3A_368 = arith.constant 5.000000e-01 : f32
    %mul3A_369 = vector.broadcast %mul3A_368 : f32 to vector<32x512xf32>
    %mul3A_370 = arith.mulf %mul3A_369, %slice3A_367 : vector<32x512xf32>
    %tanh3A_371 = math.tanh %mul3A_370 : vector<32x512xf32>
    %mul3A_372 = arith.constant 5.000000e-01 : f32
    %mul3A_373 = vector.broadcast %mul3A_372 : f32 to vector<32x512xf32>
    %mul3A_374 = arith.mulf %mul3A_373, %tanh3A_371 : vector<32x512xf32>
    %add3A_375 = arith.constant 5.000000e-01 : f32
    %add3A_376 = vector.broadcast %add3A_375 : f32 to vector<32x512xf32>
    %add3A_377 = arith.addf %mul3A_374, %add3A_376 : vector<32x512xf32>
    %slice3A_378 = vector.extract_strided_slice %add3A_366 {offsets = [0, 512], sizes = [32, 512], strides = [1, 1]} : vector<32x2048xf32> to vector<32x512xf32>
    %mul3A_379 = arith.constant 5.000000e-01 : f32
    %mul3A_380 = vector.broadcast %mul3A_379 : f32 to vector<32x512xf32>
    %mul3A_381 = arith.mulf %mul3A_380, %slice3A_378 : vector<32x512xf32>
    %tanh3A_382 = math.tanh %mul3A_381 : vector<32x512xf32>
    %mul3A_383 = arith.constant 5.000000e-01 : f32
    %mul3A_384 = vector.broadcast %mul3A_383 : f32 to vector<32x512xf32>
    %mul3A_385 = arith.mulf %mul3A_384, %tanh3A_382 : vector<32x512xf32>
    %add3A_386 = arith.constant 5.000000e-01 : f32
    %add3A_387 = vector.broadcast %add3A_386 : f32 to vector<32x512xf32>
    %add3A_388 = arith.addf %mul3A_385, %add3A_387 : vector<32x512xf32>
    %slice3A_389 = vector.extract_strided_slice %add3A_366 {offsets = [0, 1024], sizes = [32, 512], strides = [1, 1]} : vector<32x2048xf32> to vector<32x512xf32>
    %tanh3A_390 = math.tanh %slice3A_389 : vector<32x512xf32>
    %slice3A_391 = vector.extract_strided_slice %add3A_366 {offsets = [0, 1536], sizes = [32, 512], strides = [1, 1]} : vector<32x2048xf32> to vector<32x512xf32>
    %mul3A_392 = arith.constant 5.000000e-01 : f32
    %mul3A_393 = vector.broadcast %mul3A_392 : f32 to vector<32x512xf32>
    %mul3A_394 = arith.mulf %mul3A_393, %slice3A_391 : vector<32x512xf32>
    %tanh3A_395 = math.tanh %mul3A_394 : vector<32x512xf32>
    %mul3A_396 = arith.constant 5.000000e-01 : f32
    %mul3A_397 = vector.broadcast %mul3A_396 : f32 to vector<32x512xf32>
    %mul3A_398 = arith.mulf %mul3A_397, %tanh3A_395 : vector<32x512xf32>
    %add3A_399 = arith.constant 5.000000e-01 : f32
    %add3A_400 = vector.broadcast %add3A_399 : f32 to vector<32x512xf32>
    %add3A_401 = arith.addf %mul3A_398, %add3A_400 : vector<32x512xf32>
    %mul3A_402 = arith.mulf %add3A_388, %add3A_356 : vector<32x512xf32>
    %mul3A_403 = arith.mulf %add3A_377, %tanh3A_390 : vector<32x512xf32>
    %add3A_404 = arith.addf %mul3A_402, %mul3A_403 : vector<32x512xf32>
    %tanh3A_405 = math.tanh %add3A_404 : vector<32x512xf32>
    %mul3A_406 = arith.mulf %add3A_401, %tanh3A_405 : vector<32x512xf32>
    %max3A_407 = arith.maximumf %max3A_359, %mul3A_406 : vector<32x512xf32>
    %get3A_408 = arith.constant 256 : index
    %get3A_409 = arith.constant 0 : index
    %get3A_410 = vector.load %arg8[%get3A_408, %get3A_409] : memref<2048x2048xf32, #tpu.memory_space<vmem>>, vector<32x2048xf32>
    %convert_element_type3A_411 = arith.truncf %mul3A_406 : vector<32x512xf32> to vector<32x512xbf16>
    %dot_general3A_412 = arith.constant dense<0.000000e+00> : vector<32x2048xf32>
    %dot_general3A_413 = tpu.matmul %convert_element_type3A_411, %get3A_27, %dot_general3A_412 {dimension_numbers = #tpu.dot_dimension_numbers<[1], [0], [0], [1], [0, 0, 1, 1], [], []>, transpose_lhs_hint = false} : vector<32x512xbf16>, vector<512x2048xbf16>, vector<32x2048xf32> -> vector<32x2048xf32>
    %add3A_414 = arith.addf %get3A_410, %dot_general3A_413 : vector<32x2048xf32>
    %slice3A_415 = vector.extract_strided_slice %add3A_414 {offsets = [0, 0], sizes = [32, 512], strides = [1, 1]} : vector<32x2048xf32> to vector<32x512xf32>
    %mul3A_416 = arith.constant 5.000000e-01 : f32
    %mul3A_417 = vector.broadcast %mul3A_416 : f32 to vector<32x512xf32>
    %mul3A_418 = arith.mulf %mul3A_417, %slice3A_415 : vector<32x512xf32>
    %tanh3A_419 = math.tanh %mul3A_418 : vector<32x512xf32>
    %mul3A_420 = arith.constant 5.000000e-01 : f32
    %mul3A_421 = vector.broadcast %mul3A_420 : f32 to vector<32x512xf32>
    %mul3A_422 = arith.mulf %mul3A_421, %tanh3A_419 : vector<32x512xf32>
    %add3A_423 = arith.constant 5.000000e-01 : f32
    %add3A_424 = vector.broadcast %add3A_423 : f32 to vector<32x512xf32>
    %add3A_425 = arith.addf %mul3A_422, %add3A_424 : vector<32x512xf32>
    %slice3A_426 = vector.extract_strided_slice %add3A_414 {offsets = [0, 512], sizes = [32, 512], strides = [1, 1]} : vector<32x2048xf32> to vector<32x512xf32>
    %mul3A_427 = arith.constant 5.000000e-01 : f32
    %mul3A_428 = vector.broadcast %mul3A_427 : f32 to vector<32x512xf32>
    %mul3A_429 = arith.mulf %mul3A_428, %slice3A_426 : vector<32x512xf32>
    %tanh3A_430 = math.tanh %mul3A_429 : vector<32x512xf32>
    %mul3A_431 = arith.constant 5.000000e-01 : f32
    %mul3A_432 = vector.broadcast %mul3A_431 : f32 to vector<32x512xf32>
    %mul3A_433 = arith.mulf %mul3A_432, %tanh3A_430 : vector<32x512xf32>
    %add3A_434 = arith.constant 5.000000e-01 : f32
    %add3A_435 = vector.broadcast %add3A_434 : f32 to vector<32x512xf32>
    %add3A_436 = arith.addf %mul3A_433, %add3A_435 : vector<32x512xf32>
    %slice3A_437 = vector.extract_strided_slice %add3A_414 {offsets = [0, 1024], sizes = [32, 512], strides = [1, 1]} : vector<32x2048xf32> to vector<32x512xf32>
    %tanh3A_438 = math.tanh %slice3A_437 : vector<32x512xf32>
    %slice3A_439 = vector.extract_strided_slice %add3A_414 {offsets = [0, 1536], sizes = [32, 512], strides = [1, 1]} : vector<32x2048xf32> to vector<32x512xf32>
    %mul3A_440 = arith.constant 5.000000e-01 : f32
    %mul3A_441 = vector.broadcast %mul3A_440 : f32 to vector<32x512xf32>
    %mul3A_442 = arith.mulf %mul3A_441, %slice3A_439 : vector<32x512xf32>
    %tanh3A_443 = math.tanh %mul3A_442 : vector<32x512xf32>
    %mul3A_444 = arith.constant 5.000000e-01 : f32
    %mul3A_445 = vector.broadcast %mul3A_444 : f32 to vector<32x512xf32>
    %mul3A_446 = arith.mulf %mul3A_445, %tanh3A_443 : vector<32x512xf32>
    %add3A_447 = arith.constant 5.000000e-01 : f32
    %add3A_448 = vector.broadcast %add3A_447 : f32 to vector<32x512xf32>
    %add3A_449 = arith.addf %mul3A_446, %add3A_448 : vector<32x512xf32>
    %mul3A_450 = arith.mulf %add3A_436, %add3A_404 : vector<32x512xf32>
    %mul3A_451 = arith.mulf %add3A_425, %tanh3A_438 : vector<32x512xf32>
    %add3A_452 = arith.addf %mul3A_450, %mul3A_451 : vector<32x512xf32>
    %tanh3A_453 = math.tanh %add3A_452 : vector<32x512xf32>
    %mul3A_454 = arith.mulf %add3A_449, %tanh3A_453 : vector<32x512xf32>
    %max3A_455 = arith.maximumf %max3A_407, %mul3A_454 : vector<32x512xf32>
    %get3A_456 = arith.constant 288 : index
    %get3A_457 = arith.constant 0 : index
    %get3A_458 = vector.load %arg8[%get3A_456, %get3A_457] : memref<2048x2048xf32, #tpu.memory_space<vmem>>, vector<32x2048xf32>
    %convert_element_type3A_459 = arith.truncf %mul3A_454 : vector<32x512xf32> to vector<32x512xbf16>
    %dot_general3A_460 = arith.constant dense<0.000000e+00> : vector<32x2048xf32>
    %dot_general3A_461 = tpu.matmul %convert_element_type3A_459, %get3A_27, %dot_general3A_460 {dimension_numbers = #tpu.dot_dimension_numbers<[1], [0], [0], [1], [0, 0, 1, 1], [], []>, transpose_lhs_hint = false} : vector<32x512xbf16>, vector<512x2048xbf16>, vector<32x2048xf32> -> vector<32x2048xf32>
    %add3A_462 = arith.addf %get3A_458, %dot_general3A_461 : vector<32x2048xf32>
    %slice3A_463 = vector.extract_strided_slice %add3A_462 {offsets = [0, 0], sizes = [32, 512], strides = [1, 1]} : vector<32x2048xf32> to vector<32x512xf32>
    %mul3A_464 = arith.constant 5.000000e-01 : f32
    %mul3A_465 = vector.broadcast %mul3A_464 : f32 to vector<32x512xf32>
    %mul3A_466 = arith.mulf %mul3A_465, %slice3A_463 : vector<32x512xf32>
    %tanh3A_467 = math.tanh %mul3A_466 : vector<32x512xf32>
    %mul3A_468 = arith.constant 5.000000e-01 : f32
    %mul3A_469 = vector.broadcast %mul3A_468 : f32 to vector<32x512xf32>
    %mul3A_470 = arith.mulf %mul3A_469, %tanh3A_467 : vector<32x512xf32>
    %add3A_471 = arith.constant 5.000000e-01 : f32
    %add3A_472 = vector.broadcast %add3A_471 : f32 to vector<32x512xf32>
    %add3A_473 = arith.addf %mul3A_470, %add3A_472 : vector<32x512xf32>
    %slice3A_474 = vector.extract_strided_slice %add3A_462 {offsets = [0, 512], sizes = [32, 512], strides = [1, 1]} : vector<32x2048xf32> to vector<32x512xf32>
    %mul3A_475 = arith.constant 5.000000e-01 : f32
    %mul3A_476 = vector.broadcast %mul3A_475 : f32 to vector<32x512xf32>
    %mul3A_477 = arith.mulf %mul3A_476, %slice3A_474 : vector<32x512xf32>
    %tanh3A_478 = math.tanh %mul3A_477 : vector<32x512xf32>
    %mul3A_479 = arith.constant 5.000000e-01 : f32
    %mul3A_480 = vector.broadcast %mul3A_479 : f32 to vector<32x512xf32>
    %mul3A_481 = arith.mulf %mul3A_480, %tanh3A_478 : vector<32x512xf32>
    %add3A_482 = arith.constant 5.000000e-01 : f32
    %add3A_483 = vector.broadcast %add3A_482 : f32 to vector<32x512xf32>
    %add3A_484 = arith.addf %mul3A_481, %add3A_483 : vector<32x512xf32>
    %slice3A_485 = vector.extract_strided_slice %add3A_462 {offsets = [0, 1024], sizes = [32, 512], strides = [1, 1]} : vector<32x2048xf32> to vector<32x512xf32>
    %tanh3A_486 = math.tanh %slice3A_485 : vector<32x512xf32>
    %slice3A_487 = vector.extract_strided_slice %add3A_462 {offsets = [0, 1536], sizes = [32, 512], strides = [1, 1]} : vector<32x2048xf32> to vector<32x512xf32>
    %mul3A_488 = arith.constant 5.000000e-01 : f32
    %mul3A_489 = vector.broadcast %mul3A_488 : f32 to vector<32x512xf32>
    %mul3A_490 = arith.mulf %mul3A_489, %slice3A_487 : vector<32x512xf32>
    %tanh3A_491 = math.tanh %mul3A_490 : vector<32x512xf32>
    %mul3A_492 = arith.constant 5.000000e-01 : f32
    %mul3A_493 = vector.broadcast %mul3A_492 : f32 to vector<32x512xf32>
    %mul3A_494 = arith.mulf %mul3A_493, %tanh3A_491 : vector<32x512xf32>
    %add3A_495 = arith.constant 5.000000e-01 : f32
    %add3A_496 = vector.broadcast %add3A_495 : f32 to vector<32x512xf32>
    %add3A_497 = arith.addf %mul3A_494, %add3A_496 : vector<32x512xf32>
    %mul3A_498 = arith.mulf %add3A_484, %add3A_452 : vector<32x512xf32>
    %mul3A_499 = arith.mulf %add3A_473, %tanh3A_486 : vector<32x512xf32>
    %add3A_500 = arith.addf %mul3A_498, %mul3A_499 : vector<32x512xf32>
    %tanh3A_501 = math.tanh %add3A_500 : vector<32x512xf32>
    %mul3A_502 = arith.mulf %add3A_497, %tanh3A_501 : vector<32x512xf32>
    %max3A_503 = arith.maximumf %max3A_455, %mul3A_502 : vector<32x512xf32>
    %get3A_504 = arith.constant 320 : index
    %get3A_505 = arith.constant 0 : index
    %get3A_506 = vector.load %arg8[%get3A_504, %get3A_505] : memref<2048x2048xf32, #tpu.memory_space<vmem>>, vector<32x2048xf32>
    %convert_element_type3A_507 = arith.truncf %mul3A_502 : vector<32x512xf32> to vector<32x512xbf16>
    %dot_general3A_508 = arith.constant dense<0.000000e+00> : vector<32x2048xf32>
    %dot_general3A_509 = tpu.matmul %convert_element_type3A_507, %get3A_27, %dot_general3A_508 {dimension_numbers = #tpu.dot_dimension_numbers<[1], [0], [0], [1], [0, 0, 1, 1], [], []>, transpose_lhs_hint = false} : vector<32x512xbf16>, vector<512x2048xbf16>, vector<32x2048xf32> -> vector<32x2048xf32>
    %add3A_510 = arith.addf %get3A_506, %dot_general3A_509 : vector<32x2048xf32>
    %slice3A_511 = vector.extract_strided_slice %add3A_510 {offsets = [0, 0], sizes = [32, 512], strides = [1, 1]} : vector<32x2048xf32> to vector<32x512xf32>
    %mul3A_512 = arith.constant 5.000000e-01 : f32
    %mul3A_513 = vector.broadcast %mul3A_512 : f32 to vector<32x512xf32>
    %mul3A_514 = arith.mulf %mul3A_513, %slice3A_511 : vector<32x512xf32>
    %tanh3A_515 = math.tanh %mul3A_514 : vector<32x512xf32>
    %mul3A_516 = arith.constant 5.000000e-01 : f32
    %mul3A_517 = vector.broadcast %mul3A_516 : f32 to vector<32x512xf32>
    %mul3A_518 = arith.mulf %mul3A_517, %tanh3A_515 : vector<32x512xf32>
    %add3A_519 = arith.constant 5.000000e-01 : f32
    %add3A_520 = vector.broadcast %add3A_519 : f32 to vector<32x512xf32>
    %add3A_521 = arith.addf %mul3A_518, %add3A_520 : vector<32x512xf32>
    %slice3A_522 = vector.extract_strided_slice %add3A_510 {offsets = [0, 512], sizes = [32, 512], strides = [1, 1]} : vector<32x2048xf32> to vector<32x512xf32>
    %mul3A_523 = arith.constant 5.000000e-01 : f32
    %mul3A_524 = vector.broadcast %mul3A_523 : f32 to vector<32x512xf32>
    %mul3A_525 = arith.mulf %mul3A_524, %slice3A_522 : vector<32x512xf32>
    %tanh3A_526 = math.tanh %mul3A_525 : vector<32x512xf32>
    %mul3A_527 = arith.constant 5.000000e-01 : f32
    %mul3A_528 = vector.broadcast %mul3A_527 : f32 to vector<32x512xf32>
    %mul3A_529 = arith.mulf %mul3A_528, %tanh3A_526 : vector<32x512xf32>
    %add3A_530 = arith.constant 5.000000e-01 : f32
    %add3A_531 = vector.broadcast %add3A_530 : f32 to vector<32x512xf32>
    %add3A_532 = arith.addf %mul3A_529, %add3A_531 : vector<32x512xf32>
    %slice3A_533 = vector.extract_strided_slice %add3A_510 {offsets = [0, 1024], sizes = [32, 512], strides = [1, 1]} : vector<32x2048xf32> to vector<32x512xf32>
    %tanh3A_534 = math.tanh %slice3A_533 : vector<32x512xf32>
    %slice3A_535 = vector.extract_strided_slice %add3A_510 {offsets = [0, 1536], sizes = [32, 512], strides = [1, 1]} : vector<32x2048xf32> to vector<32x512xf32>
    %mul3A_536 = arith.constant 5.000000e-01 : f32
    %mul3A_537 = vector.broadcast %mul3A_536 : f32 to vector<32x512xf32>
    %mul3A_538 = arith.mulf %mul3A_537, %slice3A_535 : vector<32x512xf32>
    %tanh3A_539 = math.tanh %mul3A_538 : vector<32x512xf32>
    %mul3A_540 = arith.constant 5.000000e-01 : f32
    %mul3A_541 = vector.broadcast %mul3A_540 : f32 to vector<32x512xf32>
    %mul3A_542 = arith.mulf %mul3A_541, %tanh3A_539 : vector<32x512xf32>
    %add3A_543 = arith.constant 5.000000e-01 : f32
    %add3A_544 = vector.broadcast %add3A_543 : f32 to vector<32x512xf32>
    %add3A_545 = arith.addf %mul3A_542, %add3A_544 : vector<32x512xf32>
    %mul3A_546 = arith.mulf %add3A_532, %add3A_500 : vector<32x512xf32>
    %mul3A_547 = arith.mulf %add3A_521, %tanh3A_534 : vector<32x512xf32>
    %add3A_548 = arith.addf %mul3A_546, %mul3A_547 : vector<32x512xf32>
    %tanh3A_549 = math.tanh %add3A_548 : vector<32x512xf32>
    %mul3A_550 = arith.mulf %add3A_545, %tanh3A_549 : vector<32x512xf32>
    %max3A_551 = arith.maximumf %max3A_503, %mul3A_550 : vector<32x512xf32>
    %get3A_552 = arith.constant 352 : index
    %get3A_553 = arith.constant 0 : index
    %get3A_554 = vector.load %arg8[%get3A_552, %get3A_553] : memref<2048x2048xf32, #tpu.memory_space<vmem>>, vector<32x2048xf32>
    %convert_element_type3A_555 = arith.truncf %mul3A_550 : vector<32x512xf32> to vector<32x512xbf16>
    %dot_general3A_556 = arith.constant dense<0.000000e+00> : vector<32x2048xf32>
    %dot_general3A_557 = tpu.matmul %convert_element_type3A_555, %get3A_27, %dot_general3A_556 {dimension_numbers = #tpu.dot_dimension_numbers<[1], [0], [0], [1], [0, 0, 1, 1], [], []>, transpose_lhs_hint = false} : vector<32x512xbf16>, vector<512x2048xbf16>, vector<32x2048xf32> -> vector<32x2048xf32>
    %add3A_558 = arith.addf %get3A_554, %dot_general3A_557 : vector<32x2048xf32>
    %slice3A_559 = vector.extract_strided_slice %add3A_558 {offsets = [0, 0], sizes = [32, 512], strides = [1, 1]} : vector<32x2048xf32> to vector<32x512xf32>
    %mul3A_560 = arith.constant 5.000000e-01 : f32
    %mul3A_561 = vector.broadcast %mul3A_560 : f32 to vector<32x512xf32>
    %mul3A_562 = arith.mulf %mul3A_561, %slice3A_559 : vector<32x512xf32>
    %tanh3A_563 = math.tanh %mul3A_562 : vector<32x512xf32>
    %mul3A_564 = arith.constant 5.000000e-01 : f32
    %mul3A_565 = vector.broadcast %mul3A_564 : f32 to vector<32x512xf32>
    %mul3A_566 = arith.mulf %mul3A_565, %tanh3A_563 : vector<32x512xf32>
    %add3A_567 = arith.constant 5.000000e-01 : f32
    %add3A_568 = vector.broadcast %add3A_567 : f32 to vector<32x512xf32>
    %add3A_569 = arith.addf %mul3A_566, %add3A_568 : vector<32x512xf32>
    %slice3A_570 = vector.extract_strided_slice %add3A_558 {offsets = [0, 512], sizes = [32, 512], strides = [1, 1]} : vector<32x2048xf32> to vector<32x512xf32>
    %mul3A_571 = arith.constant 5.000000e-01 : f32
    %mul3A_572 = vector.broadcast %mul3A_571 : f32 to vector<32x512xf32>
    %mul3A_573 = arith.mulf %mul3A_572, %slice3A_570 : vector<32x512xf32>
    %tanh3A_574 = math.tanh %mul3A_573 : vector<32x512xf32>
    %mul3A_575 = arith.constant 5.000000e-01 : f32
    %mul3A_576 = vector.broadcast %mul3A_575 : f32 to vector<32x512xf32>
    %mul3A_577 = arith.mulf %mul3A_576, %tanh3A_574 : vector<32x512xf32>
    %add3A_578 = arith.constant 5.000000e-01 : f32
    %add3A_579 = vector.broadcast %add3A_578 : f32 to vector<32x512xf32>
    %add3A_580 = arith.addf %mul3A_577, %add3A_579 : vector<32x512xf32>
    %slice3A_581 = vector.extract_strided_slice %add3A_558 {offsets = [0, 1024], sizes = [32, 512], strides = [1, 1]} : vector<32x2048xf32> to vector<32x512xf32>
    %tanh3A_582 = math.tanh %slice3A_581 : vector<32x512xf32>
    %slice3A_583 = vector.extract_strided_slice %add3A_558 {offsets = [0, 1536], sizes = [32, 512], strides = [1, 1]} : vector<32x2048xf32> to vector<32x512xf32>
    %mul3A_584 = arith.constant 5.000000e-01 : f32
    %mul3A_585 = vector.broadcast %mul3A_584 : f32 to vector<32x512xf32>
    %mul3A_586 = arith.mulf %mul3A_585, %slice3A_583 : vector<32x512xf32>
    %tanh3A_587 = math.tanh %mul3A_586 : vector<32x512xf32>
    %mul3A_588 = arith.constant 5.000000e-01 : f32
    %mul3A_589 = vector.broadcast %mul3A_588 : f32 to vector<32x512xf32>
    %mul3A_590 = arith.mulf %mul3A_589, %tanh3A_587 : vector<32x512xf32>
    %add3A_591 = arith.constant 5.000000e-01 : f32
    %add3A_592 = vector.broadcast %add3A_591 : f32 to vector<32x512xf32>
    %add3A_593 = arith.addf %mul3A_590, %add3A_592 : vector<32x512xf32>
    %mul3A_594 = arith.mulf %add3A_580, %add3A_548 : vector<32x512xf32>
    %mul3A_595 = arith.mulf %add3A_569, %tanh3A_582 : vector<32x512xf32>
    %add3A_596 = arith.addf %mul3A_594, %mul3A_595 : vector<32x512xf32>
    %tanh3A_597 = math.tanh %add3A_596 : vector<32x512xf32>
    %mul3A_598 = arith.mulf %add3A_593, %tanh3A_597 : vector<32x512xf32>
    %max3A_599 = arith.maximumf %max3A_551, %mul3A_598 : vector<32x512xf32>
    %get3A_600 = arith.constant 384 : index
    %get3A_601 = arith.constant 0 : index
    %get3A_602 = vector.load %arg8[%get3A_600, %get3A_601] : memref<2048x2048xf32, #tpu.memory_space<vmem>>, vector<32x2048xf32>
    %convert_element_type3A_603 = arith.truncf %mul3A_598 : vector<32x512xf32> to vector<32x512xbf16>
    %dot_general3A_604 = arith.constant dense<0.000000e+00> : vector<32x2048xf32>
    %dot_general3A_605 = tpu.matmul %convert_element_type3A_603, %get3A_27, %dot_general3A_604 {dimension_numbers = #tpu.dot_dimension_numbers<[1], [0], [0], [1], [0, 0, 1, 1], [], []>, transpose_lhs_hint = false} : vector<32x512xbf16>, vector<512x2048xbf16>, vector<32x2048xf32> -> vector<32x2048xf32>
    %add3A_606 = arith.addf %get3A_602, %dot_general3A_605 : vector<32x2048xf32>
    %slice3A_607 = vector.extract_strided_slice %add3A_606 {offsets = [0, 0], sizes = [32, 512], strides = [1, 1]} : vector<32x2048xf32> to vector<32x512xf32>
    %mul3A_608 = arith.constant 5.000000e-01 : f32
    %mul3A_609 = vector.broadcast %mul3A_608 : f32 to vector<32x512xf32>
    %mul3A_610 = arith.mulf %mul3A_609, %slice3A_607 : vector<32x512xf32>
    %tanh3A_611 = math.tanh %mul3A_610 : vector<32x512xf32>
    %mul3A_612 = arith.constant 5.000000e-01 : f32
    %mul3A_613 = vector.broadcast %mul3A_612 : f32 to vector<32x512xf32>
    %mul3A_614 = arith.mulf %mul3A_613, %tanh3A_611 : vector<32x512xf32>
    %add3A_615 = arith.constant 5.000000e-01 : f32
    %add3A_616 = vector.broadcast %add3A_615 : f32 to vector<32x512xf32>
    %add3A_617 = arith.addf %mul3A_614, %add3A_616 : vector<32x512xf32>
    %slice3A_618 = vector.extract_strided_slice %add3A_606 {offsets = [0, 512], sizes = [32, 512], strides = [1, 1]} : vector<32x2048xf32> to vector<32x512xf32>
    %mul3A_619 = arith.constant 5.000000e-01 : f32
    %mul3A_620 = vector.broadcast %mul3A_619 : f32 to vector<32x512xf32>
    %mul3A_621 = arith.mulf %mul3A_620, %slice3A_618 : vector<32x512xf32>
    %tanh3A_622 = math.tanh %mul3A_621 : vector<32x512xf32>
    %mul3A_623 = arith.constant 5.000000e-01 : f32
    %mul3A_624 = vector.broadcast %mul3A_623 : f32 to vector<32x512xf32>
    %mul3A_625 = arith.mulf %mul3A_624, %tanh3A_622 : vector<32x512xf32>
    %add3A_626 = arith.constant 5.000000e-01 : f32
    %add3A_627 = vector.broadcast %add3A_626 : f32 to vector<32x512xf32>
    %add3A_628 = arith.addf %mul3A_625, %add3A_627 : vector<32x512xf32>
    %slice3A_629 = vector.extract_strided_slice %add3A_606 {offsets = [0, 1024], sizes = [32, 512], strides = [1, 1]} : vector<32x2048xf32> to vector<32x512xf32>
    %tanh3A_630 = math.tanh %slice3A_629 : vector<32x512xf32>
    %slice3A_631 = vector.extract_strided_slice %add3A_606 {offsets = [0, 1536], sizes = [32, 512], strides = [1, 1]} : vector<32x2048xf32> to vector<32x512xf32>
    %mul3A_632 = arith.constant 5.000000e-01 : f32
    %mul3A_633 = vector.broadcast %mul3A_632 : f32 to vector<32x512xf32>
    %mul3A_634 = arith.mulf %mul3A_633, %slice3A_631 : vector<32x512xf32>
    %tanh3A_635 = math.tanh %mul3A_634 : vector<32x512xf32>
    %mul3A_636 = arith.constant 5.000000e-01 : f32
    %mul3A_637 = vector.broadcast %mul3A_636 : f32 to vector<32x512xf32>
    %mul3A_638 = arith.mulf %mul3A_637, %tanh3A_635 : vector<32x512xf32>
    %add3A_639 = arith.constant 5.000000e-01 : f32
    %add3A_640 = vector.broadcast %add3A_639 : f32 to vector<32x512xf32>
    %add3A_641 = arith.addf %mul3A_638, %add3A_640 : vector<32x512xf32>
    %mul3A_642 = arith.mulf %add3A_628, %add3A_596 : vector<32x512xf32>
    %mul3A_643 = arith.mulf %add3A_617, %tanh3A_630 : vector<32x512xf32>
    %add3A_644 = arith.addf %mul3A_642, %mul3A_643 : vector<32x512xf32>
    %tanh3A_645 = math.tanh %add3A_644 : vector<32x512xf32>
    %mul3A_646 = arith.mulf %add3A_641, %tanh3A_645 : vector<32x512xf32>
    %max3A_647 = arith.maximumf %max3A_599, %mul3A_646 : vector<32x512xf32>
    %get3A_648 = arith.constant 416 : index
    %get3A_649 = arith.constant 0 : index
    %get3A_650 = vector.load %arg8[%get3A_648, %get3A_649] : memref<2048x2048xf32, #tpu.memory_space<vmem>>, vector<32x2048xf32>
    %convert_element_type3A_651 = arith.truncf %mul3A_646 : vector<32x512xf32> to vector<32x512xbf16>
    %dot_general3A_652 = arith.constant dense<0.000000e+00> : vector<32x2048xf32>
    %dot_general3A_653 = tpu.matmul %convert_element_type3A_651, %get3A_27, %dot_general3A_652 {dimension_numbers = #tpu.dot_dimension_numbers<[1], [0], [0], [1], [0, 0, 1, 1], [], []>, transpose_lhs_hint = false} : vector<32x512xbf16>, vector<512x2048xbf16>, vector<32x2048xf32> -> vector<32x2048xf32>
    %add3A_654 = arith.addf %get3A_650, %dot_general3A_653 : vector<32x2048xf32>
    %slice3A_655 = vector.extract_strided_slice %add3A_654 {offsets = [0, 0], sizes = [32, 512], strides = [1, 1]} : vector<32x2048xf32> to vector<32x512xf32>
    %mul3A_656 = arith.constant 5.000000e-01 : f32
    %mul3A_657 = vector.broadcast %mul3A_656 : f32 to vector<32x512xf32>
    %mul3A_658 = arith.mulf %mul3A_657, %slice3A_655 : vector<32x512xf32>
    %tanh3A_659 = math.tanh %mul3A_658 : vector<32x512xf32>
    %mul3A_660 = arith.constant 5.000000e-01 : f32
    %mul3A_661 = vector.broadcast %mul3A_660 : f32 to vector<32x512xf32>
    %mul3A_662 = arith.mulf %mul3A_661, %tanh3A_659 : vector<32x512xf32>
    %add3A_663 = arith.constant 5.000000e-01 : f32
    %add3A_664 = vector.broadcast %add3A_663 : f32 to vector<32x512xf32>
    %add3A_665 = arith.addf %mul3A_662, %add3A_664 : vector<32x512xf32>
    %slice3A_666 = vector.extract_strided_slice %add3A_654 {offsets = [0, 512], sizes = [32, 512], strides = [1, 1]} : vector<32x2048xf32> to vector<32x512xf32>
    %mul3A_667 = arith.constant 5.000000e-01 : f32
    %mul3A_668 = vector.broadcast %mul3A_667 : f32 to vector<32x512xf32>
    %mul3A_669 = arith.mulf %mul3A_668, %slice3A_666 : vector<32x512xf32>
    %tanh3A_670 = math.tanh %mul3A_669 : vector<32x512xf32>
    %mul3A_671 = arith.constant 5.000000e-01 : f32
    %mul3A_672 = vector.broadcast %mul3A_671 : f32 to vector<32x512xf32>
    %mul3A_673 = arith.mulf %mul3A_672, %tanh3A_670 : vector<32x512xf32>
    %add3A_674 = arith.constant 5.000000e-01 : f32
    %add3A_675 = vector.broadcast %add3A_674 : f32 to vector<32x512xf32>
    %add3A_676 = arith.addf %mul3A_673, %add3A_675 : vector<32x512xf32>
    %slice3A_677 = vector.extract_strided_slice %add3A_654 {offsets = [0, 1024], sizes = [32, 512], strides = [1, 1]} : vector<32x2048xf32> to vector<32x512xf32>
    %tanh3A_678 = math.tanh %slice3A_677 : vector<32x512xf32>
    %slice3A_679 = vector.extract_strided_slice %add3A_654 {offsets = [0, 1536], sizes = [32, 512], strides = [1, 1]} : vector<32x2048xf32> to vector<32x512xf32>
    %mul3A_680 = arith.constant 5.000000e-01 : f32
    %mul3A_681 = vector.broadcast %mul3A_680 : f32 to vector<32x512xf32>
    %mul3A_682 = arith.mulf %mul3A_681, %slice3A_679 : vector<32x512xf32>
    %tanh3A_683 = math.tanh %mul3A_682 : vector<32x512xf32>
    %mul3A_684 = arith.constant 5.000000e-01 : f32
    %mul3A_685 = vector.broadcast %mul3A_684 : f32 to vector<32x512xf32>
    %mul3A_686 = arith.mulf %mul3A_685, %tanh3A_683 : vector<32x512xf32>
    %add3A_687 = arith.constant 5.000000e-01 : f32
    %add3A_688 = vector.broadcast %add3A_687 : f32 to vector<32x512xf32>
    %add3A_689 = arith.addf %mul3A_686, %add3A_688 : vector<32x512xf32>
    %mul3A_690 = arith.mulf %add3A_676, %add3A_644 : vector<32x512xf32>
    %mul3A_691 = arith.mulf %add3A_665, %tanh3A_678 : vector<32x512xf32>
    %add3A_692 = arith.addf %mul3A_690, %mul3A_691 : vector<32x512xf32>
    %tanh3A_693 = math.tanh %add3A_692 : vector<32x512xf32>
    %mul3A_694 = arith.mulf %add3A_689, %tanh3A_693 : vector<32x512xf32>
    %max3A_695 = arith.maximumf %max3A_647, %mul3A_694 : vector<32x512xf32>
    %get3A_696 = arith.constant 448 : index
    %get3A_697 = arith.constant 0 : index
    %get3A_698 = vector.load %arg8[%get3A_696, %get3A_697] : memref<2048x2048xf32, #tpu.memory_space<vmem>>, vector<32x2048xf32>
    %convert_element_type3A_699 = arith.truncf %mul3A_694 : vector<32x512xf32> to vector<32x512xbf16>
    %dot_general3A_700 = arith.constant dense<0.000000e+00> : vector<32x2048xf32>
    %dot_general3A_701 = tpu.matmul %convert_element_type3A_699, %get3A_27, %dot_general3A_700 {dimension_numbers = #tpu.dot_dimension_numbers<[1], [0], [0], [1], [0, 0, 1, 1], [], []>, transpose_lhs_hint = false} : vector<32x512xbf16>, vector<512x2048xbf16>, vector<32x2048xf32> -> vector<32x2048xf32>
    %add3A_702 = arith.addf %get3A_698, %dot_general3A_701 : vector<32x2048xf32>
    %slice3A_703 = vector.extract_strided_slice %add3A_702 {offsets = [0, 0], sizes = [32, 512], strides = [1, 1]} : vector<32x2048xf32> to vector<32x512xf32>
    %mul3A_704 = arith.constant 5.000000e-01 : f32
    %mul3A_705 = vector.broadcast %mul3A_704 : f32 to vector<32x512xf32>
    %mul3A_706 = arith.mulf %mul3A_705, %slice3A_703 : vector<32x512xf32>
    %tanh3A_707 = math.tanh %mul3A_706 : vector<32x512xf32>
    %mul3A_708 = arith.constant 5.000000e-01 : f32
    %mul3A_709 = vector.broadcast %mul3A_708 : f32 to vector<32x512xf32>
    %mul3A_710 = arith.mulf %mul3A_709, %tanh3A_707 : vector<32x512xf32>
    %add3A_711 = arith.constant 5.000000e-01 : f32
    %add3A_712 = vector.broadcast %add3A_711 : f32 to vector<32x512xf32>
    %add3A_713 = arith.addf %mul3A_710, %add3A_712 : vector<32x512xf32>
    %slice3A_714 = vector.extract_strided_slice %add3A_702 {offsets = [0, 512], sizes = [32, 512], strides = [1, 1]} : vector<32x2048xf32> to vector<32x512xf32>
    %mul3A_715 = arith.constant 5.000000e-01 : f32
    %mul3A_716 = vector.broadcast %mul3A_715 : f32 to vector<32x512xf32>
    %mul3A_717 = arith.mulf %mul3A_716, %slice3A_714 : vector<32x512xf32>
    %tanh3A_718 = math.tanh %mul3A_717 : vector<32x512xf32>
    %mul3A_719 = arith.constant 5.000000e-01 : f32
    %mul3A_720 = vector.broadcast %mul3A_719 : f32 to vector<32x512xf32>
    %mul3A_721 = arith.mulf %mul3A_720, %tanh3A_718 : vector<32x512xf32>
    %add3A_722 = arith.constant 5.000000e-01 : f32
    %add3A_723 = vector.broadcast %add3A_722 : f32 to vector<32x512xf32>
    %add3A_724 = arith.addf %mul3A_721, %add3A_723 : vector<32x512xf32>
    %slice3A_725 = vector.extract_strided_slice %add3A_702 {offsets = [0, 1024], sizes = [32, 512], strides = [1, 1]} : vector<32x2048xf32> to vector<32x512xf32>
    %tanh3A_726 = math.tanh %slice3A_725 : vector<32x512xf32>
    %slice3A_727 = vector.extract_strided_slice %add3A_702 {offsets = [0, 1536], sizes = [32, 512], strides = [1, 1]} : vector<32x2048xf32> to vector<32x512xf32>
    %mul3A_728 = arith.constant 5.000000e-01 : f32
    %mul3A_729 = vector.broadcast %mul3A_728 : f32 to vector<32x512xf32>
    %mul3A_730 = arith.mulf %mul3A_729, %slice3A_727 : vector<32x512xf32>
    %tanh3A_731 = math.tanh %mul3A_730 : vector<32x512xf32>
    %mul3A_732 = arith.constant 5.000000e-01 : f32
    %mul3A_733 = vector.broadcast %mul3A_732 : f32 to vector<32x512xf32>
    %mul3A_734 = arith.mulf %mul3A_733, %tanh3A_731 : vector<32x512xf32>
    %add3A_735 = arith.constant 5.000000e-01 : f32
    %add3A_736 = vector.broadcast %add3A_735 : f32 to vector<32x512xf32>
    %add3A_737 = arith.addf %mul3A_734, %add3A_736 : vector<32x512xf32>
    %mul3A_738 = arith.mulf %add3A_724, %add3A_692 : vector<32x512xf32>
    %mul3A_739 = arith.mulf %add3A_713, %tanh3A_726 : vector<32x512xf32>
    %add3A_740 = arith.addf %mul3A_738, %mul3A_739 : vector<32x512xf32>
    %tanh3A_741 = math.tanh %add3A_740 : vector<32x512xf32>
    %mul3A_742 = arith.mulf %add3A_737, %tanh3A_741 : vector<32x512xf32>
    %max3A_743 = arith.maximumf %max3A_695, %mul3A_742 : vector<32x512xf32>
    %get3A_744 = arith.constant 480 : index
    %get3A_745 = arith.constant 0 : index
    %get3A_746 = vector.load %arg8[%get3A_744, %get3A_745] : memref<2048x2048xf32, #tpu.memory_space<vmem>>, vector<32x2048xf32>
    %convert_element_type3A_747 = arith.truncf %mul3A_742 : vector<32x512xf32> to vector<32x512xbf16>
    %dot_general3A_748 = arith.constant dense<0.000000e+00> : vector<32x2048xf32>
    %dot_general3A_749 = tpu.matmul %convert_element_type3A_747, %get3A_27, %dot_general3A_748 {dimension_numbers = #tpu.dot_dimension_numbers<[1], [0], [0], [1], [0, 0, 1, 1], [], []>, transpose_lhs_hint = false} : vector<32x512xbf16>, vector<512x2048xbf16>, vector<32x2048xf32> -> vector<32x2048xf32>
    %add3A_750 = arith.addf %get3A_746, %dot_general3A_749 : vector<32x2048xf32>
    %slice3A_751 = vector.extract_strided_slice %add3A_750 {offsets = [0, 0], sizes = [32, 512], strides = [1, 1]} : vector<32x2048xf32> to vector<32x512xf32>
    %mul3A_752 = arith.constant 5.000000e-01 : f32
    %mul3A_753 = vector.broadcast %mul3A_752 : f32 to vector<32x512xf32>
    %mul3A_754 = arith.mulf %mul3A_753, %slice3A_751 : vector<32x512xf32>
    %tanh3A_755 = math.tanh %mul3A_754 : vector<32x512xf32>
    %mul3A_756 = arith.constant 5.000000e-01 : f32
    %mul3A_757 = vector.broadcast %mul3A_756 : f32 to vector<32x512xf32>
    %mul3A_758 = arith.mulf %mul3A_757, %tanh3A_755 : vector<32x512xf32>
    %add3A_759 = arith.constant 5.000000e-01 : f32
    %add3A_760 = vector.broadcast %add3A_759 : f32 to vector<32x512xf32>
    %add3A_761 = arith.addf %mul3A_758, %add3A_760 : vector<32x512xf32>
    %slice3A_762 = vector.extract_strided_slice %add3A_750 {offsets = [0, 512], sizes = [32, 512], strides = [1, 1]} : vector<32x2048xf32> to vector<32x512xf32>
    %mul3A_763 = arith.constant 5.000000e-01 : f32
    %mul3A_764 = vector.broadcast %mul3A_763 : f32 to vector<32x512xf32>
    %mul3A_765 = arith.mulf %mul3A_764, %slice3A_762 : vector<32x512xf32>
    %tanh3A_766 = math.tanh %mul3A_765 : vector<32x512xf32>
    %mul3A_767 = arith.constant 5.000000e-01 : f32
    %mul3A_768 = vector.broadcast %mul3A_767 : f32 to vector<32x512xf32>
    %mul3A_769 = arith.mulf %mul3A_768, %tanh3A_766 : vector<32x512xf32>
    %add3A_770 = arith.constant 5.000000e-01 : f32
    %add3A_771 = vector.broadcast %add3A_770 : f32 to vector<32x512xf32>
    %add3A_772 = arith.addf %mul3A_769, %add3A_771 : vector<32x512xf32>
    %slice3A_773 = vector.extract_strided_slice %add3A_750 {offsets = [0, 1024], sizes = [32, 512], strides = [1, 1]} : vector<32x2048xf32> to vector<32x512xf32>
    %tanh3A_774 = math.tanh %slice3A_773 : vector<32x512xf32>
    %slice3A_775 = vector.extract_strided_slice %add3A_750 {offsets = [0, 1536], sizes = [32, 512], strides = [1, 1]} : vector<32x2048xf32> to vector<32x512xf32>
    %mul3A_776 = arith.constant 5.000000e-01 : f32
    %mul3A_777 = vector.broadcast %mul3A_776 : f32 to vector<32x512xf32>
    %mul3A_778 = arith.mulf %mul3A_777, %slice3A_775 : vector<32x512xf32>
    %tanh3A_779 = math.tanh %mul3A_778 : vector<32x512xf32>
    %mul3A_780 = arith.constant 5.000000e-01 : f32
    %mul3A_781 = vector.broadcast %mul3A_780 : f32 to vector<32x512xf32>
    %mul3A_782 = arith.mulf %mul3A_781, %tanh3A_779 : vector<32x512xf32>
    %add3A_783 = arith.constant 5.000000e-01 : f32
    %add3A_784 = vector.broadcast %add3A_783 : f32 to vector<32x512xf32>
    %add3A_785 = arith.addf %mul3A_782, %add3A_784 : vector<32x512xf32>
    %mul3A_786 = arith.mulf %add3A_772, %add3A_740 : vector<32x512xf32>
    %mul3A_787 = arith.mulf %add3A_761, %tanh3A_774 : vector<32x512xf32>
    %add3A_788 = arith.addf %mul3A_786, %mul3A_787 : vector<32x512xf32>
    %tanh3A_789 = math.tanh %add3A_788 : vector<32x512xf32>
    %mul3A_790 = arith.mulf %add3A_785, %tanh3A_789 : vector<32x512xf32>
    %max3A_791 = arith.maximumf %max3A_743, %mul3A_790 : vector<32x512xf32>
    %get3A_792 = arith.constant 512 : index
    %get3A_793 = arith.constant 0 : index
    %get3A_794 = vector.load %arg8[%get3A_792, %get3A_793] : memref<2048x2048xf32, #tpu.memory_space<vmem>>, vector<32x2048xf32>
    %convert_element_type3A_795 = arith.truncf %mul3A_790 : vector<32x512xf32> to vector<32x512xbf16>
    %dot_general3A_796 = arith.constant dense<0.000000e+00> : vector<32x2048xf32>
    %dot_general3A_797 = tpu.matmul %convert_element_type3A_795, %get3A_27, %dot_general3A_796 {dimension_numbers = #tpu.dot_dimension_numbers<[1], [0], [0], [1], [0, 0, 1, 1], [], []>, transpose_lhs_hint = false} : vector<32x512xbf16>, vector<512x2048xbf16>, vector<32x2048xf32> -> vector<32x2048xf32>
    %add3A_798 = arith.addf %get3A_794, %dot_general3A_797 : vector<32x2048xf32>
    %slice3A_799 = vector.extract_strided_slice %add3A_798 {offsets = [0, 0], sizes = [32, 512], strides = [1, 1]} : vector<32x2048xf32> to vector<32x512xf32>
    %mul3A_800 = arith.constant 5.000000e-01 : f32
    %mul3A_801 = vector.broadcast %mul3A_800 : f32 to vector<32x512xf32>
    %mul3A_802 = arith.mulf %mul3A_801, %slice3A_799 : vector<32x512xf32>
    %tanh3A_803 = math.tanh %mul3A_802 : vector<32x512xf32>
    %mul3A_804 = arith.constant 5.000000e-01 : f32
    %mul3A_805 = vector.broadcast %mul3A_804 : f32 to vector<32x512xf32>
    %mul3A_806 = arith.mulf %mul3A_805, %tanh3A_803 : vector<32x512xf32>
    %add3A_807 = arith.constant 5.000000e-01 : f32
    %add3A_808 = vector.broadcast %add3A_807 : f32 to vector<32x512xf32>
    %add3A_809 = arith.addf %mul3A_806, %add3A_808 : vector<32x512xf32>
    %slice3A_810 = vector.extract_strided_slice %add3A_798 {offsets = [0, 512], sizes = [32, 512], strides = [1, 1]} : vector<32x2048xf32> to vector<32x512xf32>
    %mul3A_811 = arith.constant 5.000000e-01 : f32
    %mul3A_812 = vector.broadcast %mul3A_811 : f32 to vector<32x512xf32>
    %mul3A_813 = arith.mulf %mul3A_812, %slice3A_810 : vector<32x512xf32>
    %tanh3A_814 = math.tanh %mul3A_813 : vector<32x512xf32>
    %mul3A_815 = arith.constant 5.000000e-01 : f32
    %mul3A_816 = vector.broadcast %mul3A_815 : f32 to vector<32x512xf32>
    %mul3A_817 = arith.mulf %mul3A_816, %tanh3A_814 : vector<32x512xf32>
    %add3A_818 = arith.constant 5.000000e-01 : f32
    %add3A_819 = vector.broadcast %add3A_818 : f32 to vector<32x512xf32>
    %add3A_820 = arith.addf %mul3A_817, %add3A_819 : vector<32x512xf32>
    %slice3A_821 = vector.extract_strided_slice %add3A_798 {offsets = [0, 1024], sizes = [32, 512], strides = [1, 1]} : vector<32x2048xf32> to vector<32x512xf32>
    %tanh3A_822 = math.tanh %slice3A_821 : vector<32x512xf32>
    %slice3A_823 = vector.extract_strided_slice %add3A_798 {offsets = [0, 1536], sizes = [32, 512], strides = [1, 1]} : vector<32x2048xf32> to vector<32x512xf32>
    %mul3A_824 = arith.constant 5.000000e-01 : f32
    %mul3A_825 = vector.broadcast %mul3A_824 : f32 to vector<32x512xf32>
    %mul3A_826 = arith.mulf %mul3A_825, %slice3A_823 : vector<32x512xf32>
    %tanh3A_827 = math.tanh %mul3A_826 : vector<32x512xf32>
    %mul3A_828 = arith.constant 5.000000e-01 : f32
    %mul3A_829 = vector.broadcast %mul3A_828 : f32 to vector<32x512xf32>
    %mul3A_830 = arith.mulf %mul3A_829, %tanh3A_827 : vector<32x512xf32>
    %add3A_831 = arith.constant 5.000000e-01 : f32
    %add3A_832 = vector.broadcast %add3A_831 : f32 to vector<32x512xf32>
    %add3A_833 = arith.addf %mul3A_830, %add3A_832 : vector<32x512xf32>
    %mul3A_834 = arith.mulf %add3A_820, %add3A_788 : vector<32x512xf32>
    %mul3A_835 = arith.mulf %add3A_809, %tanh3A_822 : vector<32x512xf32>
    %add3A_836 = arith.addf %mul3A_834, %mul3A_835 : vector<32x512xf32>
    %tanh3A_837 = math.tanh %add3A_836 : vector<32x512xf32>
    %mul3A_838 = arith.mulf %add3A_833, %tanh3A_837 : vector<32x512xf32>
    %max3A_839 = arith.maximumf %max3A_791, %mul3A_838 : vector<32x512xf32>
    %get3A_840 = arith.constant 544 : index
    %get3A_841 = arith.constant 0 : index
    %get3A_842 = vector.load %arg8[%get3A_840, %get3A_841] : memref<2048x2048xf32, #tpu.memory_space<vmem>>, vector<32x2048xf32>
    %convert_element_type3A_843 = arith.truncf %mul3A_838 : vector<32x512xf32> to vector<32x512xbf16>
    %dot_general3A_844 = arith.constant dense<0.000000e+00> : vector<32x2048xf32>
    %dot_general3A_845 = tpu.matmul %convert_element_type3A_843, %get3A_27, %dot_general3A_844 {dimension_numbers = #tpu.dot_dimension_numbers<[1], [0], [0], [1], [0, 0, 1, 1], [], []>, transpose_lhs_hint = false} : vector<32x512xbf16>, vector<512x2048xbf16>, vector<32x2048xf32> -> vector<32x2048xf32>
    %add3A_846 = arith.addf %get3A_842, %dot_general3A_845 : vector<32x2048xf32>
    %slice3A_847 = vector.extract_strided_slice %add3A_846 {offsets = [0, 0], sizes = [32, 512], strides = [1, 1]} : vector<32x2048xf32> to vector<32x512xf32>
    %mul3A_848 = arith.constant 5.000000e-01 : f32
    %mul3A_849 = vector.broadcast %mul3A_848 : f32 to vector<32x512xf32>
    %mul3A_850 = arith.mulf %mul3A_849, %slice3A_847 : vector<32x512xf32>
    %tanh3A_851 = math.tanh %mul3A_850 : vector<32x512xf32>
    %mul3A_852 = arith.constant 5.000000e-01 : f32
    %mul3A_853 = vector.broadcast %mul3A_852 : f32 to vector<32x512xf32>
    %mul3A_854 = arith.mulf %mul3A_853, %tanh3A_851 : vector<32x512xf32>
    %add3A_855 = arith.constant 5.000000e-01 : f32
    %add3A_856 = vector.broadcast %add3A_855 : f32 to vector<32x512xf32>
    %add3A_857 = arith.addf %mul3A_854, %add3A_856 : vector<32x512xf32>
    %slice3A_858 = vector.extract_strided_slice %add3A_846 {offsets = [0, 512], sizes = [32, 512], strides = [1, 1]} : vector<32x2048xf32> to vector<32x512xf32>
    %mul3A_859 = arith.constant 5.000000e-01 : f32
    %mul3A_860 = vector.broadcast %mul3A_859 : f32 to vector<32x512xf32>
    %mul3A_861 = arith.mulf %mul3A_860, %slice3A_858 : vector<32x512xf32>
    %tanh3A_862 = math.tanh %mul3A_861 : vector<32x512xf32>
    %mul3A_863 = arith.constant 5.000000e-01 : f32
    %mul3A_864 = vector.broadcast %mul3A_863 : f32 to vector<32x512xf32>
    %mul3A_865 = arith.mulf %mul3A_864, %tanh3A_862 : vector<32x512xf32>
    %add3A_866 = arith.constant 5.000000e-01 : f32
    %add3A_867 = vector.broadcast %add3A_866 : f32 to vector<32x512xf32>
    %add3A_868 = arith.addf %mul3A_865, %add3A_867 : vector<32x512xf32>
    %slice3A_869 = vector.extract_strided_slice %add3A_846 {offsets = [0, 1024], sizes = [32, 512], strides = [1, 1]} : vector<32x2048xf32> to vector<32x512xf32>
    %tanh3A_870 = math.tanh %slice3A_869 : vector<32x512xf32>
    %slice3A_871 = vector.extract_strided_slice %add3A_846 {offsets = [0, 1536], sizes = [32, 512], strides = [1, 1]} : vector<32x2048xf32> to vector<32x512xf32>
    %mul3A_872 = arith.constant 5.000000e-01 : f32
    %mul3A_873 = vector.broadcast %mul3A_872 : f32 to vector<32x512xf32>
    %mul3A_874 = arith.mulf %mul3A_873, %slice3A_871 : vector<32x512xf32>
    %tanh3A_875 = math.tanh %mul3A_874 : vector<32x512xf32>
    %mul3A_876 = arith.constant 5.000000e-01 : f32
    %mul3A_877 = vector.broadcast %mul3A_876 : f32 to vector<32x512xf32>
    %mul3A_878 = arith.mulf %mul3A_877, %tanh3A_875 : vector<32x512xf32>
    %add3A_879 = arith.constant 5.000000e-01 : f32
    %add3A_880 = vector.broadcast %add3A_879 : f32 to vector<32x512xf32>
    %add3A_881 = arith.addf %mul3A_878, %add3A_880 : vector<32x512xf32>
    %mul3A_882 = arith.mulf %add3A_868, %add3A_836 : vector<32x512xf32>
    %mul3A_883 = arith.mulf %add3A_857, %tanh3A_870 : vector<32x512xf32>
    %add3A_884 = arith.addf %mul3A_882, %mul3A_883 : vector<32x512xf32>
    %tanh3A_885 = math.tanh %add3A_884 : vector<32x512xf32>
    %mul3A_886 = arith.mulf %add3A_881, %tanh3A_885 : vector<32x512xf32>
    %max3A_887 = arith.maximumf %max3A_839, %mul3A_886 : vector<32x512xf32>
    %get3A_888 = arith.constant 576 : index
    %get3A_889 = arith.constant 0 : index
    %get3A_890 = vector.load %arg8[%get3A_888, %get3A_889] : memref<2048x2048xf32, #tpu.memory_space<vmem>>, vector<32x2048xf32>
    %convert_element_type3A_891 = arith.truncf %mul3A_886 : vector<32x512xf32> to vector<32x512xbf16>
    %dot_general3A_892 = arith.constant dense<0.000000e+00> : vector<32x2048xf32>
    %dot_general3A_893 = tpu.matmul %convert_element_type3A_891, %get3A_27, %dot_general3A_892 {dimension_numbers = #tpu.dot_dimension_numbers<[1], [0], [0], [1], [0, 0, 1, 1], [], []>, transpose_lhs_hint = false} : vector<32x512xbf16>, vector<512x2048xbf16>, vector<32x2048xf32> -> vector<32x2048xf32>
    %add3A_894 = arith.addf %get3A_890, %dot_general3A_893 : vector<32x2048xf32>
    %slice3A_895 = vector.extract_strided_slice %add3A_894 {offsets = [0, 0], sizes = [32, 512], strides = [1, 1]} : vector<32x2048xf32> to vector<32x512xf32>
    %mul3A_896 = arith.constant 5.000000e-01 : f32
    %mul3A_897 = vector.broadcast %mul3A_896 : f32 to vector<32x512xf32>
    %mul3A_898 = arith.mulf %mul3A_897, %slice3A_895 : vector<32x512xf32>
    %tanh3A_899 = math.tanh %mul3A_898 : vector<32x512xf32>
    %mul3A_900 = arith.constant 5.000000e-01 : f32
    %mul3A_901 = vector.broadcast %mul3A_900 : f32 to vector<32x512xf32>
    %mul3A_902 = arith.mulf %mul3A_901, %tanh3A_899 : vector<32x512xf32>
    %add3A_903 = arith.constant 5.000000e-01 : f32
    %add3A_904 = vector.broadcast %add3A_903 : f32 to vector<32x512xf32>
    %add3A_905 = arith.addf %mul3A_902, %add3A_904 : vector<32x512xf32>
    %slice3A_906 = vector.extract_strided_slice %add3A_894 {offsets = [0, 512], sizes = [32, 512], strides = [1, 1]} : vector<32x2048xf32> to vector<32x512xf32>
    %mul3A_907 = arith.constant 5.000000e-01 : f32
    %mul3A_908 = vector.broadcast %mul3A_907 : f32 to vector<32x512xf32>
    %mul3A_909 = arith.mulf %mul3A_908, %slice3A_906 : vector<32x512xf32>
    %tanh3A_910 = math.tanh %mul3A_909 : vector<32x512xf32>
    %mul3A_911 = arith.constant 5.000000e-01 : f32
    %mul3A_912 = vector.broadcast %mul3A_911 : f32 to vector<32x512xf32>
    %mul3A_913 = arith.mulf %mul3A_912, %tanh3A_910 : vector<32x512xf32>
    %add3A_914 = arith.constant 5.000000e-01 : f32
    %add3A_915 = vector.broadcast %add3A_914 : f32 to vector<32x512xf32>
    %add3A_916 = arith.addf %mul3A_913, %add3A_915 : vector<32x512xf32>
    %slice3A_917 = vector.extract_strided_slice %add3A_894 {offsets = [0, 1024], sizes = [32, 512], strides = [1, 1]} : vector<32x2048xf32> to vector<32x512xf32>
    %tanh3A_918 = math.tanh %slice3A_917 : vector<32x512xf32>
    %slice3A_919 = vector.extract_strided_slice %add3A_894 {offsets = [0, 1536], sizes = [32, 512], strides = [1, 1]} : vector<32x2048xf32> to vector<32x512xf32>
    %mul3A_920 = arith.constant 5.000000e-01 : f32
    %mul3A_921 = vector.broadcast %mul3A_920 : f32 to vector<32x512xf32>
    %mul3A_922 = arith.mulf %mul3A_921, %slice3A_919 : vector<32x512xf32>
    %tanh3A_923 = math.tanh %mul3A_922 : vector<32x512xf32>
    %mul3A_924 = arith.constant 5.000000e-01 : f32
    %mul3A_925 = vector.broadcast %mul3A_924 : f32 to vector<32x512xf32>
    %mul3A_926 = arith.mulf %mul3A_925, %tanh3A_923 : vector<32x512xf32>
    %add3A_927 = arith.constant 5.000000e-01 : f32
    %add3A_928 = vector.broadcast %add3A_927 : f32 to vector<32x512xf32>
    %add3A_929 = arith.addf %mul3A_926, %add3A_928 : vector<32x512xf32>
    %mul3A_930 = arith.mulf %add3A_916, %add3A_884 : vector<32x512xf32>
    %mul3A_931 = arith.mulf %add3A_905, %tanh3A_918 : vector<32x512xf32>
    %add3A_932 = arith.addf %mul3A_930, %mul3A_931 : vector<32x512xf32>
    %tanh3A_933 = math.tanh %add3A_932 : vector<32x512xf32>
    %mul3A_934 = arith.mulf %add3A_929, %tanh3A_933 : vector<32x512xf32>
    %max3A_935 = arith.maximumf %max3A_887, %mul3A_934 : vector<32x512xf32>
    %get3A_936 = arith.constant 608 : index
    %get3A_937 = arith.constant 0 : index
    %get3A_938 = vector.load %arg8[%get3A_936, %get3A_937] : memref<2048x2048xf32, #tpu.memory_space<vmem>>, vector<32x2048xf32>
    %convert_element_type3A_939 = arith.truncf %mul3A_934 : vector<32x512xf32> to vector<32x512xbf16>
    %dot_general3A_940 = arith.constant dense<0.000000e+00> : vector<32x2048xf32>
    %dot_general3A_941 = tpu.matmul %convert_element_type3A_939, %get3A_27, %dot_general3A_940 {dimension_numbers = #tpu.dot_dimension_numbers<[1], [0], [0], [1], [0, 0, 1, 1], [], []>, transpose_lhs_hint = false} : vector<32x512xbf16>, vector<512x2048xbf16>, vector<32x2048xf32> -> vector<32x2048xf32>
    %add3A_942 = arith.addf %get3A_938, %dot_general3A_941 : vector<32x2048xf32>
    %slice3A_943 = vector.extract_strided_slice %add3A_942 {offsets = [0, 0], sizes = [32, 512], strides = [1, 1]} : vector<32x2048xf32> to vector<32x512xf32>
    %mul3A_944 = arith.constant 5.000000e-01 : f32
    %mul3A_945 = vector.broadcast %mul3A_944 : f32 to vector<32x512xf32>
    %mul3A_946 = arith.mulf %mul3A_945, %slice3A_943 : vector<32x512xf32>
    %tanh3A_947 = math.tanh %mul3A_946 : vector<32x512xf32>
    %mul3A_948 = arith.constant 5.000000e-01 : f32
    %mul3A_949 = vector.broadcast %mul3A_948 : f32 to vector<32x512xf32>
    %mul3A_950 = arith.mulf %mul3A_949, %tanh3A_947 : vector<32x512xf32>
    %add3A_951 = arith.constant 5.000000e-01 : f32
    %add3A_952 = vector.broadcast %add3A_951 : f32 to vector<32x512xf32>
    %add3A_953 = arith.addf %mul3A_950, %add3A_952 : vector<32x512xf32>
    %slice3A_954 = vector.extract_strided_slice %add3A_942 {offsets = [0, 512], sizes = [32, 512], strides = [1, 1]} : vector<32x2048xf32> to vector<32x512xf32>
    %mul3A_955 = arith.constant 5.000000e-01 : f32
    %mul3A_956 = vector.broadcast %mul3A_955 : f32 to vector<32x512xf32>
    %mul3A_957 = arith.mulf %mul3A_956, %slice3A_954 : vector<32x512xf32>
    %tanh3A_958 = math.tanh %mul3A_957 : vector<32x512xf32>
    %mul3A_959 = arith.constant 5.000000e-01 : f32
    %mul3A_960 = vector.broadcast %mul3A_959 : f32 to vector<32x512xf32>
    %mul3A_961 = arith.mulf %mul3A_960, %tanh3A_958 : vector<32x512xf32>
    %add3A_962 = arith.constant 5.000000e-01 : f32
    %add3A_963 = vector.broadcast %add3A_962 : f32 to vector<32x512xf32>
    %add3A_964 = arith.addf %mul3A_961, %add3A_963 : vector<32x512xf32>
    %slice3A_965 = vector.extract_strided_slice %add3A_942 {offsets = [0, 1024], sizes = [32, 512], strides = [1, 1]} : vector<32x2048xf32> to vector<32x512xf32>
    %tanh3A_966 = math.tanh %slice3A_965 : vector<32x512xf32>
    %slice3A_967 = vector.extract_strided_slice %add3A_942 {offsets = [0, 1536], sizes = [32, 512], strides = [1, 1]} : vector<32x2048xf32> to vector<32x512xf32>
    %mul3A_968 = arith.constant 5.000000e-01 : f32
    %mul3A_969 = vector.broadcast %mul3A_968 : f32 to vector<32x512xf32>
    %mul3A_970 = arith.mulf %mul3A_969, %slice3A_967 : vector<32x512xf32>
    %tanh3A_971 = math.tanh %mul3A_970 : vector<32x512xf32>
    %mul3A_972 = arith.constant 5.000000e-01 : f32
    %mul3A_973 = vector.broadcast %mul3A_972 : f32 to vector<32x512xf32>
    %mul3A_974 = arith.mulf %mul3A_973, %tanh3A_971 : vector<32x512xf32>
    %add3A_975 = arith.constant 5.000000e-01 : f32
    %add3A_976 = vector.broadcast %add3A_975 : f32 to vector<32x512xf32>
    %add3A_977 = arith.addf %mul3A_974, %add3A_976 : vector<32x512xf32>
    %mul3A_978 = arith.mulf %add3A_964, %add3A_932 : vector<32x512xf32>
    %mul3A_979 = arith.mulf %add3A_953, %tanh3A_966 : vector<32x512xf32>
    %add3A_980 = arith.addf %mul3A_978, %mul3A_979 : vector<32x512xf32>
    %tanh3A_981 = math.tanh %add3A_980 : vector<32x512xf32>
    %mul3A_982 = arith.mulf %add3A_977, %tanh3A_981 : vector<32x512xf32>
    %max3A_983 = arith.maximumf %max3A_935, %mul3A_982 : vector<32x512xf32>
    %get3A_984 = arith.constant 640 : index
    %get3A_985 = arith.constant 0 : index
    %get3A_986 = vector.load %arg8[%get3A_984, %get3A_985] : memref<2048x2048xf32, #tpu.memory_space<vmem>>, vector<32x2048xf32>
    %convert_element_type3A_987 = arith.truncf %mul3A_982 : vector<32x512xf32> to vector<32x512xbf16>
    %dot_general3A_988 = arith.constant dense<0.000000e+00> : vector<32x2048xf32>
    %dot_general3A_989 = tpu.matmul %convert_element_type3A_987, %get3A_27, %dot_general3A_988 {dimension_numbers = #tpu.dot_dimension_numbers<[1], [0], [0], [1], [0, 0, 1, 1], [], []>, transpose_lhs_hint = false} : vector<32x512xbf16>, vector<512x2048xbf16>, vector<32x2048xf32> -> vector<32x2048xf32>
    %add3A_990 = arith.addf %get3A_986, %dot_general3A_989 : vector<32x2048xf32>
    %slice3A_991 = vector.extract_strided_slice %add3A_990 {offsets = [0, 0], sizes = [32, 512], strides = [1, 1]} : vector<32x2048xf32> to vector<32x512xf32>
    %mul3A_992 = arith.constant 5.000000e-01 : f32
    %mul3A_993 = vector.broadcast %mul3A_992 : f32 to vector<32x512xf32>
    %mul3A_994 = arith.mulf %mul3A_993, %slice3A_991 : vector<32x512xf32>
    %tanh3A_995 = math.tanh %mul3A_994 : vector<32x512xf32>
    %mul3A_996 = arith.constant 5.000000e-01 : f32
    %mul3A_997 = vector.broadcast %mul3A_996 : f32 to vector<32x512xf32>
    %mul3A_998 = arith.mulf %mul3A_997, %tanh3A_995 : vector<32x512xf32>
    %add3A_999 = arith.constant 5.000000e-01 : f32
    %add3A_1000 = vector.broadcast %add3A_999 : f32 to vector<32x512xf32>
    %add3A_1001 = arith.addf %mul3A_998, %add3A_1000 : vector<32x512xf32>
    %slice3A_1002 = vector.extract_strided_slice %add3A_990 {offsets = [0, 512], sizes = [32, 512], strides = [1, 1]} : vector<32x2048xf32> to vector<32x512xf32>
    %mul3A_1003 = arith.constant 5.000000e-01 : f32
    %mul3A_1004 = vector.broadcast %mul3A_1003 : f32 to vector<32x512xf32>
    %mul3A_1005 = arith.mulf %mul3A_1004, %slice3A_1002 : vector<32x512xf32>
    %tanh3A_1006 = math.tanh %mul3A_1005 : vector<32x512xf32>
    %mul3A_1007 = arith.constant 5.000000e-01 : f32
    %mul3A_1008 = vector.broadcast %mul3A_1007 : f32 to vector<32x512xf32>
    %mul3A_1009 = arith.mulf %mul3A_1008, %tanh3A_1006 : vector<32x512xf32>
    %add3A_1010 = arith.constant 5.000000e-01 : f32
    %add3A_1011 = vector.broadcast %add3A_1010 : f32 to vector<32x512xf32>
    %add3A_1012 = arith.addf %mul3A_1009, %add3A_1011 : vector<32x512xf32>
    %slice3A_1013 = vector.extract_strided_slice %add3A_990 {offsets = [0, 1024], sizes = [32, 512], strides = [1, 1]} : vector<32x2048xf32> to vector<32x512xf32>
    %tanh3A_1014 = math.tanh %slice3A_1013 : vector<32x512xf32>
    %slice3A_1015 = vector.extract_strided_slice %add3A_990 {offsets = [0, 1536], sizes = [32, 512], strides = [1, 1]} : vector<32x2048xf32> to vector<32x512xf32>
    %mul3A_1016 = arith.constant 5.000000e-01 : f32
    %mul3A_1017 = vector.broadcast %mul3A_1016 : f32 to vector<32x512xf32>
    %mul3A_1018 = arith.mulf %mul3A_1017, %slice3A_1015 : vector<32x512xf32>
    %tanh3A_1019 = math.tanh %mul3A_1018 : vector<32x512xf32>
    %mul3A_1020 = arith.constant 5.000000e-01 : f32
    %mul3A_1021 = vector.broadcast %mul3A_1020 : f32 to vector<32x512xf32>
    %mul3A_1022 = arith.mulf %mul3A_1021, %tanh3A_1019 : vector<32x512xf32>
    %add3A_1023 = arith.constant 5.000000e-01 : f32
    %add3A_1024 = vector.broadcast %add3A_1023 : f32 to vector<32x512xf32>
    %add3A_1025 = arith.addf %mul3A_1022, %add3A_1024 : vector<32x512xf32>
    %mul3A_1026 = arith.mulf %add3A_1012, %add3A_980 : vector<32x512xf32>
    %mul3A_1027 = arith.mulf %add3A_1001, %tanh3A_1014 : vector<32x512xf32>
    %add3A_1028 = arith.addf %mul3A_1026, %mul3A_1027 : vector<32x512xf32>
    %tanh3A_1029 = math.tanh %add3A_1028 : vector<32x512xf32>
    %mul3A_1030 = arith.mulf %add3A_1025, %tanh3A_1029 : vector<32x512xf32>
    %max3A_1031 = arith.maximumf %max3A_983, %mul3A_1030 : vector<32x512xf32>
    %get3A_1032 = arith.constant 672 : index
    %get3A_1033 = arith.constant 0 : index
    %get3A_1034 = vector.load %arg8[%get3A_1032, %get3A_1033] : memref<2048x2048xf32, #tpu.memory_space<vmem>>, vector<32x2048xf32>
    %convert_element_type3A_1035 = arith.truncf %mul3A_1030 : vector<32x512xf32> to vector<32x512xbf16>
    %dot_general3A_1036 = arith.constant dense<0.000000e+00> : vector<32x2048xf32>
    %dot_general3A_1037 = tpu.matmul %convert_element_type3A_1035, %get3A_27, %dot_general3A_1036 {dimension_numbers = #tpu.dot_dimension_numbers<[1], [0], [0], [1], [0, 0, 1, 1], [], []>, transpose_lhs_hint = false} : vector<32x512xbf16>, vector<512x2048xbf16>, vector<32x2048xf32> -> vector<32x2048xf32>
    %add3A_1038 = arith.addf %get3A_1034, %dot_general3A_1037 : vector<32x2048xf32>
    %slice3A_1039 = vector.extract_strided_slice %add3A_1038 {offsets = [0, 0], sizes = [32, 512], strides = [1, 1]} : vector<32x2048xf32> to vector<32x512xf32>
    %mul3A_1040 = arith.constant 5.000000e-01 : f32
    %mul3A_1041 = vector.broadcast %mul3A_1040 : f32 to vector<32x512xf32>
    %mul3A_1042 = arith.mulf %mul3A_1041, %slice3A_1039 : vector<32x512xf32>
    %tanh3A_1043 = math.tanh %mul3A_1042 : vector<32x512xf32>
    %mul3A_1044 = arith.constant 5.000000e-01 : f32
    %mul3A_1045 = vector.broadcast %mul3A_1044 : f32 to vector<32x512xf32>
    %mul3A_1046 = arith.mulf %mul3A_1045, %tanh3A_1043 : vector<32x512xf32>
    %add3A_1047 = arith.constant 5.000000e-01 : f32
    %add3A_1048 = vector.broadcast %add3A_1047 : f32 to vector<32x512xf32>
    %add3A_1049 = arith.addf %mul3A_1046, %add3A_1048 : vector<32x512xf32>
    %slice3A_1050 = vector.extract_strided_slice %add3A_1038 {offsets = [0, 512], sizes = [32, 512], strides = [1, 1]} : vector<32x2048xf32> to vector<32x512xf32>
    %mul3A_1051 = arith.constant 5.000000e-01 : f32
    %mul3A_1052 = vector.broadcast %mul3A_1051 : f32 to vector<32x512xf32>
    %mul3A_1053 = arith.mulf %mul3A_1052, %slice3A_1050 : vector<32x512xf32>
    %tanh3A_1054 = math.tanh %mul3A_1053 : vector<32x512xf32>
    %mul3A_1055 = arith.constant 5.000000e-01 : f32
    %mul3A_1056 = vector.broadcast %mul3A_1055 : f32 to vector<32x512xf32>
    %mul3A_1057 = arith.mulf %mul3A_1056, %tanh3A_1054 : vector<32x512xf32>
    %add3A_1058 = arith.constant 5.000000e-01 : f32
    %add3A_1059 = vector.broadcast %add3A_1058 : f32 to vector<32x512xf32>
    %add3A_1060 = arith.addf %mul3A_1057, %add3A_1059 : vector<32x512xf32>
    %slice3A_1061 = vector.extract_strided_slice %add3A_1038 {offsets = [0, 1024], sizes = [32, 512], strides = [1, 1]} : vector<32x2048xf32> to vector<32x512xf32>
    %tanh3A_1062 = math.tanh %slice3A_1061 : vector<32x512xf32>
    %slice3A_1063 = vector.extract_strided_slice %add3A_1038 {offsets = [0, 1536], sizes = [32, 512], strides = [1, 1]} : vector<32x2048xf32> to vector<32x512xf32>
    %mul3A_1064 = arith.constant 5.000000e-01 : f32
    %mul3A_1065 = vector.broadcast %mul3A_1064 : f32 to vector<32x512xf32>
    %mul3A_1066 = arith.mulf %mul3A_1065, %slice3A_1063 : vector<32x512xf32>
    %tanh3A_1067 = math.tanh %mul3A_1066 : vector<32x512xf32>
    %mul3A_1068 = arith.constant 5.000000e-01 : f32
    %mul3A_1069 = vector.broadcast %mul3A_1068 : f32 to vector<32x512xf32>
    %mul3A_1070 = arith.mulf %mul3A_1069, %tanh3A_1067 : vector<32x512xf32>
    %add3A_1071 = arith.constant 5.000000e-01 : f32
    %add3A_1072 = vector.broadcast %add3A_1071 : f32 to vector<32x512xf32>
    %add3A_1073 = arith.addf %mul3A_1070, %add3A_1072 : vector<32x512xf32>
    %mul3A_1074 = arith.mulf %add3A_1060, %add3A_1028 : vector<32x512xf32>
    %mul3A_1075 = arith.mulf %add3A_1049, %tanh3A_1062 : vector<32x512xf32>
    %add3A_1076 = arith.addf %mul3A_1074, %mul3A_1075 : vector<32x512xf32>
    %tanh3A_1077 = math.tanh %add3A_1076 : vector<32x512xf32>
    %mul3A_1078 = arith.mulf %add3A_1073, %tanh3A_1077 : vector<32x512xf32>
    %max3A_1079 = arith.maximumf %max3A_1031, %mul3A_1078 : vector<32x512xf32>
    %get3A_1080 = arith.constant 704 : index
    %get3A_1081 = arith.constant 0 : index
    %get3A_1082 = vector.load %arg8[%get3A_1080, %get3A_1081] : memref<2048x2048xf32, #tpu.memory_space<vmem>>, vector<32x2048xf32>
    %convert_element_type3A_1083 = arith.truncf %mul3A_1078 : vector<32x512xf32> to vector<32x512xbf16>
    %dot_general3A_1084 = arith.constant dense<0.000000e+00> : vector<32x2048xf32>
    %dot_general3A_1085 = tpu.matmul %convert_element_type3A_1083, %get3A_27, %dot_general3A_1084 {dimension_numbers = #tpu.dot_dimension_numbers<[1], [0], [0], [1], [0, 0, 1, 1], [], []>, transpose_lhs_hint = false} : vector<32x512xbf16>, vector<512x2048xbf16>, vector<32x2048xf32> -> vector<32x2048xf32>
    %add3A_1086 = arith.addf %get3A_1082, %dot_general3A_1085 : vector<32x2048xf32>
    %slice3A_1087 = vector.extract_strided_slice %add3A_1086 {offsets = [0, 0], sizes = [32, 512], strides = [1, 1]} : vector<32x2048xf32> to vector<32x512xf32>
    %mul3A_1088 = arith.constant 5.000000e-01 : f32
    %mul3A_1089 = vector.broadcast %mul3A_1088 : f32 to vector<32x512xf32>
    %mul3A_1090 = arith.mulf %mul3A_1089, %slice3A_1087 : vector<32x512xf32>
    %tanh3A_1091 = math.tanh %mul3A_1090 : vector<32x512xf32>
    %mul3A_1092 = arith.constant 5.000000e-01 : f32
    %mul3A_1093 = vector.broadcast %mul3A_1092 : f32 to vector<32x512xf32>
    %mul3A_1094 = arith.mulf %mul3A_1093, %tanh3A_1091 : vector<32x512xf32>
    %add3A_1095 = arith.constant 5.000000e-01 : f32
    %add3A_1096 = vector.broadcast %add3A_1095 : f32 to vector<32x512xf32>
    %add3A_1097 = arith.addf %mul3A_1094, %add3A_1096 : vector<32x512xf32>
    %slice3A_1098 = vector.extract_strided_slice %add3A_1086 {offsets = [0, 512], sizes = [32, 512], strides = [1, 1]} : vector<32x2048xf32> to vector<32x512xf32>
    %mul3A_1099 = arith.constant 5.000000e-01 : f32
    %mul3A_1100 = vector.broadcast %mul3A_1099 : f32 to vector<32x512xf32>
    %mul3A_1101 = arith.mulf %mul3A_1100, %slice3A_1098 : vector<32x512xf32>
    %tanh3A_1102 = math.tanh %mul3A_1101 : vector<32x512xf32>
    %mul3A_1103 = arith.constant 5.000000e-01 : f32
    %mul3A_1104 = vector.broadcast %mul3A_1103 : f32 to vector<32x512xf32>
    %mul3A_1105 = arith.mulf %mul3A_1104, %tanh3A_1102 : vector<32x512xf32>
    %add3A_1106 = arith.constant 5.000000e-01 : f32
    %add3A_1107 = vector.broadcast %add3A_1106 : f32 to vector<32x512xf32>
    %add3A_1108 = arith.addf %mul3A_1105, %add3A_1107 : vector<32x512xf32>
    %slice3A_1109 = vector.extract_strided_slice %add3A_1086 {offsets = [0, 1024], sizes = [32, 512], strides = [1, 1]} : vector<32x2048xf32> to vector<32x512xf32>
    %tanh3A_1110 = math.tanh %slice3A_1109 : vector<32x512xf32>
    %slice3A_1111 = vector.extract_strided_slice %add3A_1086 {offsets = [0, 1536], sizes = [32, 512], strides = [1, 1]} : vector<32x2048xf32> to vector<32x512xf32>
    %mul3A_1112 = arith.constant 5.000000e-01 : f32
    %mul3A_1113 = vector.broadcast %mul3A_1112 : f32 to vector<32x512xf32>
    %mul3A_1114 = arith.mulf %mul3A_1113, %slice3A_1111 : vector<32x512xf32>
    %tanh3A_1115 = math.tanh %mul3A_1114 : vector<32x512xf32>
    %mul3A_1116 = arith.constant 5.000000e-01 : f32
    %mul3A_1117 = vector.broadcast %mul3A_1116 : f32 to vector<32x512xf32>
    %mul3A_1118 = arith.mulf %mul3A_1117, %tanh3A_1115 : vector<32x512xf32>
    %add3A_1119 = arith.constant 5.000000e-01 : f32
    %add3A_1120 = vector.broadcast %add3A_1119 : f32 to vector<32x512xf32>
    %add3A_1121 = arith.addf %mul3A_1118, %add3A_1120 : vector<32x512xf32>
    %mul3A_1122 = arith.mulf %add3A_1108, %add3A_1076 : vector<32x512xf32>
    %mul3A_1123 = arith.mulf %add3A_1097, %tanh3A_1110 : vector<32x512xf32>
    %add3A_1124 = arith.addf %mul3A_1122, %mul3A_1123 : vector<32x512xf32>
    %tanh3A_1125 = math.tanh %add3A_1124 : vector<32x512xf32>
    %mul3A_1126 = arith.mulf %add3A_1121, %tanh3A_1125 : vector<32x512xf32>
    %max3A_1127 = arith.maximumf %max3A_1079, %mul3A_1126 : vector<32x512xf32>
    %get3A_1128 = arith.constant 736 : index
    %get3A_1129 = arith.constant 0 : index
    %get3A_1130 = vector.load %arg8[%get3A_1128, %get3A_1129] : memref<2048x2048xf32, #tpu.memory_space<vmem>>, vector<32x2048xf32>
    %convert_element_type3A_1131 = arith.truncf %mul3A_1126 : vector<32x512xf32> to vector<32x512xbf16>
    %dot_general3A_1132 = arith.constant dense<0.000000e+00> : vector<32x2048xf32>
    %dot_general3A_1133 = tpu.matmul %convert_element_type3A_1131, %get3A_27, %dot_general3A_1132 {dimension_numbers = #tpu.dot_dimension_numbers<[1], [0], [0], [1], [0, 0, 1, 1], [], []>, transpose_lhs_hint = false} : vector<32x512xbf16>, vector<512x2048xbf16>, vector<32x2048xf32> -> vector<32x2048xf32>
    %add3A_1134 = arith.addf %get3A_1130, %dot_general3A_1133 : vector<32x2048xf32>
    %slice3A_1135 = vector.extract_strided_slice %add3A_1134 {offsets = [0, 0], sizes = [32, 512], strides = [1, 1]} : vector<32x2048xf32> to vector<32x512xf32>
    %mul3A_1136 = arith.constant 5.000000e-01 : f32
    %mul3A_1137 = vector.broadcast %mul3A_1136 : f32 to vector<32x512xf32>
    %mul3A_1138 = arith.mulf %mul3A_1137, %slice3A_1135 : vector<32x512xf32>
    %tanh3A_1139 = math.tanh %mul3A_1138 : vector<32x512xf32>
    %mul3A_1140 = arith.constant 5.000000e-01 : f32
    %mul3A_1141 = vector.broadcast %mul3A_1140 : f32 to vector<32x512xf32>
    %mul3A_1142 = arith.mulf %mul3A_1141, %tanh3A_1139 : vector<32x512xf32>
    %add3A_1143 = arith.constant 5.000000e-01 : f32
    %add3A_1144 = vector.broadcast %add3A_1143 : f32 to vector<32x512xf32>
    %add3A_1145 = arith.addf %mul3A_1142, %add3A_1144 : vector<32x512xf32>
    %slice3A_1146 = vector.extract_strided_slice %add3A_1134 {offsets = [0, 512], sizes = [32, 512], strides = [1, 1]} : vector<32x2048xf32> to vector<32x512xf32>
    %mul3A_1147 = arith.constant 5.000000e-01 : f32
    %mul3A_1148 = vector.broadcast %mul3A_1147 : f32 to vector<32x512xf32>
    %mul3A_1149 = arith.mulf %mul3A_1148, %slice3A_1146 : vector<32x512xf32>
    %tanh3A_1150 = math.tanh %mul3A_1149 : vector<32x512xf32>
    %mul3A_1151 = arith.constant 5.000000e-01 : f32
    %mul3A_1152 = vector.broadcast %mul3A_1151 : f32 to vector<32x512xf32>
    %mul3A_1153 = arith.mulf %mul3A_1152, %tanh3A_1150 : vector<32x512xf32>
    %add3A_1154 = arith.constant 5.000000e-01 : f32
    %add3A_1155 = vector.broadcast %add3A_1154 : f32 to vector<32x512xf32>
    %add3A_1156 = arith.addf %mul3A_1153, %add3A_1155 : vector<32x512xf32>
    %slice3A_1157 = vector.extract_strided_slice %add3A_1134 {offsets = [0, 1024], sizes = [32, 512], strides = [1, 1]} : vector<32x2048xf32> to vector<32x512xf32>
    %tanh3A_1158 = math.tanh %slice3A_1157 : vector<32x512xf32>
    %slice3A_1159 = vector.extract_strided_slice %add3A_1134 {offsets = [0, 1536], sizes = [32, 512], strides = [1, 1]} : vector<32x2048xf32> to vector<32x512xf32>
    %mul3A_1160 = arith.constant 5.000000e-01 : f32
    %mul3A_1161 = vector.broadcast %mul3A_1160 : f32 to vector<32x512xf32>
    %mul3A_1162 = arith.mulf %mul3A_1161, %slice3A_1159 : vector<32x512xf32>
    %tanh3A_1163 = math.tanh %mul3A_1162 : vector<32x512xf32>
    %mul3A_1164 = arith.constant 5.000000e-01 : f32
    %mul3A_1165 = vector.broadcast %mul3A_1164 : f32 to vector<32x512xf32>
    %mul3A_1166 = arith.mulf %mul3A_1165, %tanh3A_1163 : vector<32x512xf32>
    %add3A_1167 = arith.constant 5.000000e-01 : f32
    %add3A_1168 = vector.broadcast %add3A_1167 : f32 to vector<32x512xf32>
    %add3A_1169 = arith.addf %mul3A_1166, %add3A_1168 : vector<32x512xf32>
    %mul3A_1170 = arith.mulf %add3A_1156, %add3A_1124 : vector<32x512xf32>
    %mul3A_1171 = arith.mulf %add3A_1145, %tanh3A_1158 : vector<32x512xf32>
    %add3A_1172 = arith.addf %mul3A_1170, %mul3A_1171 : vector<32x512xf32>
    %tanh3A_1173 = math.tanh %add3A_1172 : vector<32x512xf32>
    %mul3A_1174 = arith.mulf %add3A_1169, %tanh3A_1173 : vector<32x512xf32>
    %max3A_1175 = arith.maximumf %max3A_1127, %mul3A_1174 : vector<32x512xf32>
    %get3A_1176 = arith.constant 768 : index
    %get3A_1177 = arith.constant 0 : index
    %get3A_1178 = vector.load %arg8[%get3A_1176, %get3A_1177] : memref<2048x2048xf32, #tpu.memory_space<vmem>>, vector<32x2048xf32>
    %convert_element_type3A_1179 = arith.truncf %mul3A_1174 : vector<32x512xf32> to vector<32x512xbf16>
    %dot_general3A_1180 = arith.constant dense<0.000000e+00> : vector<32x2048xf32>
    %dot_general3A_1181 = tpu.matmul %convert_element_type3A_1179, %get3A_27, %dot_general3A_1180 {dimension_numbers = #tpu.dot_dimension_numbers<[1], [0], [0], [1], [0, 0, 1, 1], [], []>, transpose_lhs_hint = false} : vector<32x512xbf16>, vector<512x2048xbf16>, vector<32x2048xf32> -> vector<32x2048xf32>
    %add3A_1182 = arith.addf %get3A_1178, %dot_general3A_1181 : vector<32x2048xf32>
    %slice3A_1183 = vector.extract_strided_slice %add3A_1182 {offsets = [0, 0], sizes = [32, 512], strides = [1, 1]} : vector<32x2048xf32> to vector<32x512xf32>
    %mul3A_1184 = arith.constant 5.000000e-01 : f32
    %mul3A_1185 = vector.broadcast %mul3A_1184 : f32 to vector<32x512xf32>
    %mul3A_1186 = arith.mulf %mul3A_1185, %slice3A_1183 : vector<32x512xf32>
    %tanh3A_1187 = math.tanh %mul3A_1186 : vector<32x512xf32>
    %mul3A_1188 = arith.constant 5.000000e-01 : f32
    %mul3A_1189 = vector.broadcast %mul3A_1188 : f32 to vector<32x512xf32>
    %mul3A_1190 = arith.mulf %mul3A_1189, %tanh3A_1187 : vector<32x512xf32>
    %add3A_1191 = arith.constant 5.000000e-01 : f32
    %add3A_1192 = vector.broadcast %add3A_1191 : f32 to vector<32x512xf32>
    %add3A_1193 = arith.addf %mul3A_1190, %add3A_1192 : vector<32x512xf32>
    %slice3A_1194 = vector.extract_strided_slice %add3A_1182 {offsets = [0, 512], sizes = [32, 512], strides = [1, 1]} : vector<32x2048xf32> to vector<32x512xf32>
    %mul3A_1195 = arith.constant 5.000000e-01 : f32
    %mul3A_1196 = vector.broadcast %mul3A_1195 : f32 to vector<32x512xf32>
    %mul3A_1197 = arith.mulf %mul3A_1196, %slice3A_1194 : vector<32x512xf32>
    %tanh3A_1198 = math.tanh %mul3A_1197 : vector<32x512xf32>
    %mul3A_1199 = arith.constant 5.000000e-01 : f32
    %mul3A_1200 = vector.broadcast %mul3A_1199 : f32 to vector<32x512xf32>
    %mul3A_1201 = arith.mulf %mul3A_1200, %tanh3A_1198 : vector<32x512xf32>
    %add3A_1202 = arith.constant 5.000000e-01 : f32
    %add3A_1203 = vector.broadcast %add3A_1202 : f32 to vector<32x512xf32>
    %add3A_1204 = arith.addf %mul3A_1201, %add3A_1203 : vector<32x512xf32>
    %slice3A_1205 = vector.extract_strided_slice %add3A_1182 {offsets = [0, 1024], sizes = [32, 512], strides = [1, 1]} : vector<32x2048xf32> to vector<32x512xf32>
    %tanh3A_1206 = math.tanh %slice3A_1205 : vector<32x512xf32>
    %slice3A_1207 = vector.extract_strided_slice %add3A_1182 {offsets = [0, 1536], sizes = [32, 512], strides = [1, 1]} : vector<32x2048xf32> to vector<32x512xf32>
    %mul3A_1208 = arith.constant 5.000000e-01 : f32
    %mul3A_1209 = vector.broadcast %mul3A_1208 : f32 to vector<32x512xf32>
    %mul3A_1210 = arith.mulf %mul3A_1209, %slice3A_1207 : vector<32x512xf32>
    %tanh3A_1211 = math.tanh %mul3A_1210 : vector<32x512xf32>
    %mul3A_1212 = arith.constant 5.000000e-01 : f32
    %mul3A_1213 = vector.broadcast %mul3A_1212 : f32 to vector<32x512xf32>
    %mul3A_1214 = arith.mulf %mul3A_1213, %tanh3A_1211 : vector<32x512xf32>
    %add3A_1215 = arith.constant 5.000000e-01 : f32
    %add3A_1216 = vector.broadcast %add3A_1215 : f32 to vector<32x512xf32>
    %add3A_1217 = arith.addf %mul3A_1214, %add3A_1216 : vector<32x512xf32>
    %mul3A_1218 = arith.mulf %add3A_1204, %add3A_1172 : vector<32x512xf32>
    %mul3A_1219 = arith.mulf %add3A_1193, %tanh3A_1206 : vector<32x512xf32>
    %add3A_1220 = arith.addf %mul3A_1218, %mul3A_1219 : vector<32x512xf32>
    %tanh3A_1221 = math.tanh %add3A_1220 : vector<32x512xf32>
    %mul3A_1222 = arith.mulf %add3A_1217, %tanh3A_1221 : vector<32x512xf32>
    %max3A_1223 = arith.maximumf %max3A_1175, %mul3A_1222 : vector<32x512xf32>
    %get3A_1224 = arith.constant 800 : index
    %get3A_1225 = arith.constant 0 : index
    %get3A_1226 = vector.load %arg8[%get3A_1224, %get3A_1225] : memref<2048x2048xf32, #tpu.memory_space<vmem>>, vector<32x2048xf32>
    %convert_element_type3A_1227 = arith.truncf %mul3A_1222 : vector<32x512xf32> to vector<32x512xbf16>
    %dot_general3A_1228 = arith.constant dense<0.000000e+00> : vector<32x2048xf32>
    %dot_general3A_1229 = tpu.matmul %convert_element_type3A_1227, %get3A_27, %dot_general3A_1228 {dimension_numbers = #tpu.dot_dimension_numbers<[1], [0], [0], [1], [0, 0, 1, 1], [], []>, transpose_lhs_hint = false} : vector<32x512xbf16>, vector<512x2048xbf16>, vector<32x2048xf32> -> vector<32x2048xf32>
    %add3A_1230 = arith.addf %get3A_1226, %dot_general3A_1229 : vector<32x2048xf32>
    %slice3A_1231 = vector.extract_strided_slice %add3A_1230 {offsets = [0, 0], sizes = [32, 512], strides = [1, 1]} : vector<32x2048xf32> to vector<32x512xf32>
    %mul3A_1232 = arith.constant 5.000000e-01 : f32
    %mul3A_1233 = vector.broadcast %mul3A_1232 : f32 to vector<32x512xf32>
    %mul3A_1234 = arith.mulf %mul3A_1233, %slice3A_1231 : vector<32x512xf32>
    %tanh3A_1235 = math.tanh %mul3A_1234 : vector<32x512xf32>
    %mul3A_1236 = arith.constant 5.000000e-01 : f32
    %mul3A_1237 = vector.broadcast %mul3A_1236 : f32 to vector<32x512xf32>
    %mul3A_1238 = arith.mulf %mul3A_1237, %tanh3A_1235 : vector<32x512xf32>
    %add3A_1239 = arith.constant 5.000000e-01 : f32
    %add3A_1240 = vector.broadcast %add3A_1239 : f32 to vector<32x512xf32>
    %add3A_1241 = arith.addf %mul3A_1238, %add3A_1240 : vector<32x512xf32>
    %slice3A_1242 = vector.extract_strided_slice %add3A_1230 {offsets = [0, 512], sizes = [32, 512], strides = [1, 1]} : vector<32x2048xf32> to vector<32x512xf32>
    %mul3A_1243 = arith.constant 5.000000e-01 : f32
    %mul3A_1244 = vector.broadcast %mul3A_1243 : f32 to vector<32x512xf32>
    %mul3A_1245 = arith.mulf %mul3A_1244, %slice3A_1242 : vector<32x512xf32>
    %tanh3A_1246 = math.tanh %mul3A_1245 : vector<32x512xf32>
    %mul3A_1247 = arith.constant 5.000000e-01 : f32
    %mul3A_1248 = vector.broadcast %mul3A_1247 : f32 to vector<32x512xf32>
    %mul3A_1249 = arith.mulf %mul3A_1248, %tanh3A_1246 : vector<32x512xf32>
    %add3A_1250 = arith.constant 5.000000e-01 : f32
    %add3A_1251 = vector.broadcast %add3A_1250 : f32 to vector<32x512xf32>
    %add3A_1252 = arith.addf %mul3A_1249, %add3A_1251 : vector<32x512xf32>
    %slice3A_1253 = vector.extract_strided_slice %add3A_1230 {offsets = [0, 1024], sizes = [32, 512], strides = [1, 1]} : vector<32x2048xf32> to vector<32x512xf32>
    %tanh3A_1254 = math.tanh %slice3A_1253 : vector<32x512xf32>
    %slice3A_1255 = vector.extract_strided_slice %add3A_1230 {offsets = [0, 1536], sizes = [32, 512], strides = [1, 1]} : vector<32x2048xf32> to vector<32x512xf32>
    %mul3A_1256 = arith.constant 5.000000e-01 : f32
    %mul3A_1257 = vector.broadcast %mul3A_1256 : f32 to vector<32x512xf32>
    %mul3A_1258 = arith.mulf %mul3A_1257, %slice3A_1255 : vector<32x512xf32>
    %tanh3A_1259 = math.tanh %mul3A_1258 : vector<32x512xf32>
    %mul3A_1260 = arith.constant 5.000000e-01 : f32
    %mul3A_1261 = vector.broadcast %mul3A_1260 : f32 to vector<32x512xf32>
    %mul3A_1262 = arith.mulf %mul3A_1261, %tanh3A_1259 : vector<32x512xf32>
    %add3A_1263 = arith.constant 5.000000e-01 : f32
    %add3A_1264 = vector.broadcast %add3A_1263 : f32 to vector<32x512xf32>
    %add3A_1265 = arith.addf %mul3A_1262, %add3A_1264 : vector<32x512xf32>
    %mul3A_1266 = arith.mulf %add3A_1252, %add3A_1220 : vector<32x512xf32>
    %mul3A_1267 = arith.mulf %add3A_1241, %tanh3A_1254 : vector<32x512xf32>
    %add3A_1268 = arith.addf %mul3A_1266, %mul3A_1267 : vector<32x512xf32>
    %tanh3A_1269 = math.tanh %add3A_1268 : vector<32x512xf32>
    %mul3A_1270 = arith.mulf %add3A_1265, %tanh3A_1269 : vector<32x512xf32>
    %max3A_1271 = arith.maximumf %max3A_1223, %mul3A_1270 : vector<32x512xf32>
    %get3A_1272 = arith.constant 832 : index
    %get3A_1273 = arith.constant 0 : index
    %get3A_1274 = vector.load %arg8[%get3A_1272, %get3A_1273] : memref<2048x2048xf32, #tpu.memory_space<vmem>>, vector<32x2048xf32>
    %convert_element_type3A_1275 = arith.truncf %mul3A_1270 : vector<32x512xf32> to vector<32x512xbf16>
    %dot_general3A_1276 = arith.constant dense<0.000000e+00> : vector<32x2048xf32>
    %dot_general3A_1277 = tpu.matmul %convert_element_type3A_1275, %get3A_27, %dot_general3A_1276 {dimension_numbers = #tpu.dot_dimension_numbers<[1], [0], [0], [1], [0, 0, 1, 1], [], []>, transpose_lhs_hint = false} : vector<32x512xbf16>, vector<512x2048xbf16>, vector<32x2048xf32> -> vector<32x2048xf32>
    %add3A_1278 = arith.addf %get3A_1274, %dot_general3A_1277 : vector<32x2048xf32>
    %slice3A_1279 = vector.extract_strided_slice %add3A_1278 {offsets = [0, 0], sizes = [32, 512], strides = [1, 1]} : vector<32x2048xf32> to vector<32x512xf32>
    %mul3A_1280 = arith.constant 5.000000e-01 : f32
    %mul3A_1281 = vector.broadcast %mul3A_1280 : f32 to vector<32x512xf32>
    %mul3A_1282 = arith.mulf %mul3A_1281, %slice3A_1279 : vector<32x512xf32>
    %tanh3A_1283 = math.tanh %mul3A_1282 : vector<32x512xf32>
    %mul3A_1284 = arith.constant 5.000000e-01 : f32
    %mul3A_1285 = vector.broadcast %mul3A_1284 : f32 to vector<32x512xf32>
    %mul3A_1286 = arith.mulf %mul3A_1285, %tanh3A_1283 : vector<32x512xf32>
    %add3A_1287 = arith.constant 5.000000e-01 : f32
    %add3A_1288 = vector.broadcast %add3A_1287 : f32 to vector<32x512xf32>
    %add3A_1289 = arith.addf %mul3A_1286, %add3A_1288 : vector<32x512xf32>
    %slice3A_1290 = vector.extract_strided_slice %add3A_1278 {offsets = [0, 512], sizes = [32, 512], strides = [1, 1]} : vector<32x2048xf32> to vector<32x512xf32>
    %mul3A_1291 = arith.constant 5.000000e-01 : f32
    %mul3A_1292 = vector.broadcast %mul3A_1291 : f32 to vector<32x512xf32>
    %mul3A_1293 = arith.mulf %mul3A_1292, %slice3A_1290 : vector<32x512xf32>
    %tanh3A_1294 = math.tanh %mul3A_1293 : vector<32x512xf32>
    %mul3A_1295 = arith.constant 5.000000e-01 : f32
    %mul3A_1296 = vector.broadcast %mul3A_1295 : f32 to vector<32x512xf32>
    %mul3A_1297 = arith.mulf %mul3A_1296, %tanh3A_1294 : vector<32x512xf32>
    %add3A_1298 = arith.constant 5.000000e-01 : f32
    %add3A_1299 = vector.broadcast %add3A_1298 : f32 to vector<32x512xf32>
    %add3A_1300 = arith.addf %mul3A_1297, %add3A_1299 : vector<32x512xf32>
    %slice3A_1301 = vector.extract_strided_slice %add3A_1278 {offsets = [0, 1024], sizes = [32, 512], strides = [1, 1]} : vector<32x2048xf32> to vector<32x512xf32>
    %tanh3A_1302 = math.tanh %slice3A_1301 : vector<32x512xf32>
    %slice3A_1303 = vector.extract_strided_slice %add3A_1278 {offsets = [0, 1536], sizes = [32, 512], strides = [1, 1]} : vector<32x2048xf32> to vector<32x512xf32>
    %mul3A_1304 = arith.constant 5.000000e-01 : f32
    %mul3A_1305 = vector.broadcast %mul3A_1304 : f32 to vector<32x512xf32>
    %mul3A_1306 = arith.mulf %mul3A_1305, %slice3A_1303 : vector<32x512xf32>
    %tanh3A_1307 = math.tanh %mul3A_1306 : vector<32x512xf32>
    %mul3A_1308 = arith.constant 5.000000e-01 : f32
    %mul3A_1309 = vector.broadcast %mul3A_1308 : f32 to vector<32x512xf32>
    %mul3A_1310 = arith.mulf %mul3A_1309, %tanh3A_1307 : vector<32x512xf32>
    %add3A_1311 = arith.constant 5.000000e-01 : f32
    %add3A_1312 = vector.broadcast %add3A_1311 : f32 to vector<32x512xf32>
    %add3A_1313 = arith.addf %mul3A_1310, %add3A_1312 : vector<32x512xf32>
    %mul3A_1314 = arith.mulf %add3A_1300, %add3A_1268 : vector<32x512xf32>
    %mul3A_1315 = arith.mulf %add3A_1289, %tanh3A_1302 : vector<32x512xf32>
    %add3A_1316 = arith.addf %mul3A_1314, %mul3A_1315 : vector<32x512xf32>
    %tanh3A_1317 = math.tanh %add3A_1316 : vector<32x512xf32>
    %mul3A_1318 = arith.mulf %add3A_1313, %tanh3A_1317 : vector<32x512xf32>
    %max3A_1319 = arith.maximumf %max3A_1271, %mul3A_1318 : vector<32x512xf32>
    %get3A_1320 = arith.constant 864 : index
    %get3A_1321 = arith.constant 0 : index
    %get3A_1322 = vector.load %arg8[%get3A_1320, %get3A_1321] : memref<2048x2048xf32, #tpu.memory_space<vmem>>, vector<32x2048xf32>
    %convert_element_type3A_1323 = arith.truncf %mul3A_1318 : vector<32x512xf32> to vector<32x512xbf16>
    %dot_general3A_1324 = arith.constant dense<0.000000e+00> : vector<32x2048xf32>
    %dot_general3A_1325 = tpu.matmul %convert_element_type3A_1323, %get3A_27, %dot_general3A_1324 {dimension_numbers = #tpu.dot_dimension_numbers<[1], [0], [0], [1], [0, 0, 1, 1], [], []>, transpose_lhs_hint = false} : vector<32x512xbf16>, vector<512x2048xbf16>, vector<32x2048xf32> -> vector<32x2048xf32>
    %add3A_1326 = arith.addf %get3A_1322, %dot_general3A_1325 : vector<32x2048xf32>
    %slice3A_1327 = vector.extract_strided_slice %add3A_1326 {offsets = [0, 0], sizes = [32, 512], strides = [1, 1]} : vector<32x2048xf32> to vector<32x512xf32>
    %mul3A_1328 = arith.constant 5.000000e-01 : f32
    %mul3A_1329 = vector.broadcast %mul3A_1328 : f32 to vector<32x512xf32>
    %mul3A_1330 = arith.mulf %mul3A_1329, %slice3A_1327 : vector<32x512xf32>
    %tanh3A_1331 = math.tanh %mul3A_1330 : vector<32x512xf32>
    %mul3A_1332 = arith.constant 5.000000e-01 : f32
    %mul3A_1333 = vector.broadcast %mul3A_1332 : f32 to vector<32x512xf32>
    %mul3A_1334 = arith.mulf %mul3A_1333, %tanh3A_1331 : vector<32x512xf32>
    %add3A_1335 = arith.constant 5.000000e-01 : f32
    %add3A_1336 = vector.broadcast %add3A_1335 : f32 to vector<32x512xf32>
    %add3A_1337 = arith.addf %mul3A_1334, %add3A_1336 : vector<32x512xf32>
    %slice3A_1338 = vector.extract_strided_slice %add3A_1326 {offsets = [0, 512], sizes = [32, 512], strides = [1, 1]} : vector<32x2048xf32> to vector<32x512xf32>
    %mul3A_1339 = arith.constant 5.000000e-01 : f32
    %mul3A_1340 = vector.broadcast %mul3A_1339 : f32 to vector<32x512xf32>
    %mul3A_1341 = arith.mulf %mul3A_1340, %slice3A_1338 : vector<32x512xf32>
    %tanh3A_1342 = math.tanh %mul3A_1341 : vector<32x512xf32>
    %mul3A_1343 = arith.constant 5.000000e-01 : f32
    %mul3A_1344 = vector.broadcast %mul3A_1343 : f32 to vector<32x512xf32>
    %mul3A_1345 = arith.mulf %mul3A_1344, %tanh3A_1342 : vector<32x512xf32>
    %add3A_1346 = arith.constant 5.000000e-01 : f32
    %add3A_1347 = vector.broadcast %add3A_1346 : f32 to vector<32x512xf32>
    %add3A_1348 = arith.addf %mul3A_1345, %add3A_1347 : vector<32x512xf32>
    %slice3A_1349 = vector.extract_strided_slice %add3A_1326 {offsets = [0, 1024], sizes = [32, 512], strides = [1, 1]} : vector<32x2048xf32> to vector<32x512xf32>
    %tanh3A_1350 = math.tanh %slice3A_1349 : vector<32x512xf32>
    %slice3A_1351 = vector.extract_strided_slice %add3A_1326 {offsets = [0, 1536], sizes = [32, 512], strides = [1, 1]} : vector<32x2048xf32> to vector<32x512xf32>
    %mul3A_1352 = arith.constant 5.000000e-01 : f32
    %mul3A_1353 = vector.broadcast %mul3A_1352 : f32 to vector<32x512xf32>
    %mul3A_1354 = arith.mulf %mul3A_1353, %slice3A_1351 : vector<32x512xf32>
    %tanh3A_1355 = math.tanh %mul3A_1354 : vector<32x512xf32>
    %mul3A_1356 = arith.constant 5.000000e-01 : f32
    %mul3A_1357 = vector.broadcast %mul3A_1356 : f32 to vector<32x512xf32>
    %mul3A_1358 = arith.mulf %mul3A_1357, %tanh3A_1355 : vector<32x512xf32>
    %add3A_1359 = arith.constant 5.000000e-01 : f32
    %add3A_1360 = vector.broadcast %add3A_1359 : f32 to vector<32x512xf32>
    %add3A_1361 = arith.addf %mul3A_1358, %add3A_1360 : vector<32x512xf32>
    %mul3A_1362 = arith.mulf %add3A_1348, %add3A_1316 : vector<32x512xf32>
    %mul3A_1363 = arith.mulf %add3A_1337, %tanh3A_1350 : vector<32x512xf32>
    %add3A_1364 = arith.addf %mul3A_1362, %mul3A_1363 : vector<32x512xf32>
    %tanh3A_1365 = math.tanh %add3A_1364 : vector<32x512xf32>
    %mul3A_1366 = arith.mulf %add3A_1361, %tanh3A_1365 : vector<32x512xf32>
    %max3A_1367 = arith.maximumf %max3A_1319, %mul3A_1366 : vector<32x512xf32>
    %get3A_1368 = arith.constant 896 : index
    %get3A_1369 = arith.constant 0 : index
    %get3A_1370 = vector.load %arg8[%get3A_1368, %get3A_1369] : memref<2048x2048xf32, #tpu.memory_space<vmem>>, vector<32x2048xf32>
    %convert_element_type3A_1371 = arith.truncf %mul3A_1366 : vector<32x512xf32> to vector<32x512xbf16>
    %dot_general3A_1372 = arith.constant dense<0.000000e+00> : vector<32x2048xf32>
    %dot_general3A_1373 = tpu.matmul %convert_element_type3A_1371, %get3A_27, %dot_general3A_1372 {dimension_numbers = #tpu.dot_dimension_numbers<[1], [0], [0], [1], [0, 0, 1, 1], [], []>, transpose_lhs_hint = false} : vector<32x512xbf16>, vector<512x2048xbf16>, vector<32x2048xf32> -> vector<32x2048xf32>
    %add3A_1374 = arith.addf %get3A_1370, %dot_general3A_1373 : vector<32x2048xf32>
    %slice3A_1375 = vector.extract_strided_slice %add3A_1374 {offsets = [0, 0], sizes = [32, 512], strides = [1, 1]} : vector<32x2048xf32> to vector<32x512xf32>
    %mul3A_1376 = arith.constant 5.000000e-01 : f32
    %mul3A_1377 = vector.broadcast %mul3A_1376 : f32 to vector<32x512xf32>
    %mul3A_1378 = arith.mulf %mul3A_1377, %slice3A_1375 : vector<32x512xf32>
    %tanh3A_1379 = math.tanh %mul3A_1378 : vector<32x512xf32>
    %mul3A_1380 = arith.constant 5.000000e-01 : f32
    %mul3A_1381 = vector.broadcast %mul3A_1380 : f32 to vector<32x512xf32>
    %mul3A_1382 = arith.mulf %mul3A_1381, %tanh3A_1379 : vector<32x512xf32>
    %add3A_1383 = arith.constant 5.000000e-01 : f32
    %add3A_1384 = vector.broadcast %add3A_1383 : f32 to vector<32x512xf32>
    %add3A_1385 = arith.addf %mul3A_1382, %add3A_1384 : vector<32x512xf32>
    %slice3A_1386 = vector.extract_strided_slice %add3A_1374 {offsets = [0, 512], sizes = [32, 512], strides = [1, 1]} : vector<32x2048xf32> to vector<32x512xf32>
    %mul3A_1387 = arith.constant 5.000000e-01 : f32
    %mul3A_1388 = vector.broadcast %mul3A_1387 : f32 to vector<32x512xf32>
    %mul3A_1389 = arith.mulf %mul3A_1388, %slice3A_1386 : vector<32x512xf32>
    %tanh3A_1390 = math.tanh %mul3A_1389 : vector<32x512xf32>
    %mul3A_1391 = arith.constant 5.000000e-01 : f32
    %mul3A_1392 = vector.broadcast %mul3A_1391 : f32 to vector<32x512xf32>
    %mul3A_1393 = arith.mulf %mul3A_1392, %tanh3A_1390 : vector<32x512xf32>
    %add3A_1394 = arith.constant 5.000000e-01 : f32
    %add3A_1395 = vector.broadcast %add3A_1394 : f32 to vector<32x512xf32>
    %add3A_1396 = arith.addf %mul3A_1393, %add3A_1395 : vector<32x512xf32>
    %slice3A_1397 = vector.extract_strided_slice %add3A_1374 {offsets = [0, 1024], sizes = [32, 512], strides = [1, 1]} : vector<32x2048xf32> to vector<32x512xf32>
    %tanh3A_1398 = math.tanh %slice3A_1397 : vector<32x512xf32>
    %slice3A_1399 = vector.extract_strided_slice %add3A_1374 {offsets = [0, 1536], sizes = [32, 512], strides = [1, 1]} : vector<32x2048xf32> to vector<32x512xf32>
    %mul3A_1400 = arith.constant 5.000000e-01 : f32
    %mul3A_1401 = vector.broadcast %mul3A_1400 : f32 to vector<32x512xf32>
    %mul3A_1402 = arith.mulf %mul3A_1401, %slice3A_1399 : vector<32x512xf32>
    %tanh3A_1403 = math.tanh %mul3A_1402 : vector<32x512xf32>
    %mul3A_1404 = arith.constant 5.000000e-01 : f32
    %mul3A_1405 = vector.broadcast %mul3A_1404 : f32 to vector<32x512xf32>
    %mul3A_1406 = arith.mulf %mul3A_1405, %tanh3A_1403 : vector<32x512xf32>
    %add3A_1407 = arith.constant 5.000000e-01 : f32
    %add3A_1408 = vector.broadcast %add3A_1407 : f32 to vector<32x512xf32>
    %add3A_1409 = arith.addf %mul3A_1406, %add3A_1408 : vector<32x512xf32>
    %mul3A_1410 = arith.mulf %add3A_1396, %add3A_1364 : vector<32x512xf32>
    %mul3A_1411 = arith.mulf %add3A_1385, %tanh3A_1398 : vector<32x512xf32>
    %add3A_1412 = arith.addf %mul3A_1410, %mul3A_1411 : vector<32x512xf32>
    %tanh3A_1413 = math.tanh %add3A_1412 : vector<32x512xf32>
    %mul3A_1414 = arith.mulf %add3A_1409, %tanh3A_1413 : vector<32x512xf32>
    %max3A_1415 = arith.maximumf %max3A_1367, %mul3A_1414 : vector<32x512xf32>
    %get3A_1416 = arith.constant 928 : index
    %get3A_1417 = arith.constant 0 : index
    %get3A_1418 = vector.load %arg8[%get3A_1416, %get3A_1417] : memref<2048x2048xf32, #tpu.memory_space<vmem>>, vector<32x2048xf32>
    %convert_element_type3A_1419 = arith.truncf %mul3A_1414 : vector<32x512xf32> to vector<32x512xbf16>
    %dot_general3A_1420 = arith.constant dense<0.000000e+00> : vector<32x2048xf32>
    %dot_general3A_1421 = tpu.matmul %convert_element_type3A_1419, %get3A_27, %dot_general3A_1420 {dimension_numbers = #tpu.dot_dimension_numbers<[1], [0], [0], [1], [0, 0, 1, 1], [], []>, transpose_lhs_hint = false} : vector<32x512xbf16>, vector<512x2048xbf16>, vector<32x2048xf32> -> vector<32x2048xf32>
    %add3A_1422 = arith.addf %get3A_1418, %dot_general3A_1421 : vector<32x2048xf32>
    %slice3A_1423 = vector.extract_strided_slice %add3A_1422 {offsets = [0, 0], sizes = [32, 512], strides = [1, 1]} : vector<32x2048xf32> to vector<32x512xf32>
    %mul3A_1424 = arith.constant 5.000000e-01 : f32
    %mul3A_1425 = vector.broadcast %mul3A_1424 : f32 to vector<32x512xf32>
    %mul3A_1426 = arith.mulf %mul3A_1425, %slice3A_1423 : vector<32x512xf32>
    %tanh3A_1427 = math.tanh %mul3A_1426 : vector<32x512xf32>
    %mul3A_1428 = arith.constant 5.000000e-01 : f32
    %mul3A_1429 = vector.broadcast %mul3A_1428 : f32 to vector<32x512xf32>
    %mul3A_1430 = arith.mulf %mul3A_1429, %tanh3A_1427 : vector<32x512xf32>
    %add3A_1431 = arith.constant 5.000000e-01 : f32
    %add3A_1432 = vector.broadcast %add3A_1431 : f32 to vector<32x512xf32>
    %add3A_1433 = arith.addf %mul3A_1430, %add3A_1432 : vector<32x512xf32>
    %slice3A_1434 = vector.extract_strided_slice %add3A_1422 {offsets = [0, 512], sizes = [32, 512], strides = [1, 1]} : vector<32x2048xf32> to vector<32x512xf32>
    %mul3A_1435 = arith.constant 5.000000e-01 : f32
    %mul3A_1436 = vector.broadcast %mul3A_1435 : f32 to vector<32x512xf32>
    %mul3A_1437 = arith.mulf %mul3A_1436, %slice3A_1434 : vector<32x512xf32>
    %tanh3A_1438 = math.tanh %mul3A_1437 : vector<32x512xf32>
    %mul3A_1439 = arith.constant 5.000000e-01 : f32
    %mul3A_1440 = vector.broadcast %mul3A_1439 : f32 to vector<32x512xf32>
    %mul3A_1441 = arith.mulf %mul3A_1440, %tanh3A_1438 : vector<32x512xf32>
    %add3A_1442 = arith.constant 5.000000e-01 : f32
    %add3A_1443 = vector.broadcast %add3A_1442 : f32 to vector<32x512xf32>
    %add3A_1444 = arith.addf %mul3A_1441, %add3A_1443 : vector<32x512xf32>
    %slice3A_1445 = vector.extract_strided_slice %add3A_1422 {offsets = [0, 1024], sizes = [32, 512], strides = [1, 1]} : vector<32x2048xf32> to vector<32x512xf32>
    %tanh3A_1446 = math.tanh %slice3A_1445 : vector<32x512xf32>
    %slice3A_1447 = vector.extract_strided_slice %add3A_1422 {offsets = [0, 1536], sizes = [32, 512], strides = [1, 1]} : vector<32x2048xf32> to vector<32x512xf32>
    %mul3A_1448 = arith.constant 5.000000e-01 : f32
    %mul3A_1449 = vector.broadcast %mul3A_1448 : f32 to vector<32x512xf32>
    %mul3A_1450 = arith.mulf %mul3A_1449, %slice3A_1447 : vector<32x512xf32>
    %tanh3A_1451 = math.tanh %mul3A_1450 : vector<32x512xf32>
    %mul3A_1452 = arith.constant 5.000000e-01 : f32
    %mul3A_1453 = vector.broadcast %mul3A_1452 : f32 to vector<32x512xf32>
    %mul3A_1454 = arith.mulf %mul3A_1453, %tanh3A_1451 : vector<32x512xf32>
    %add3A_1455 = arith.constant 5.000000e-01 : f32
    %add3A_1456 = vector.broadcast %add3A_1455 : f32 to vector<32x512xf32>
    %add3A_1457 = arith.addf %mul3A_1454, %add3A_1456 : vector<32x512xf32>
    %mul3A_1458 = arith.mulf %add3A_1444, %add3A_1412 : vector<32x512xf32>
    %mul3A_1459 = arith.mulf %add3A_1433, %tanh3A_1446 : vector<32x512xf32>
    %add3A_1460 = arith.addf %mul3A_1458, %mul3A_1459 : vector<32x512xf32>
    %tanh3A_1461 = math.tanh %add3A_1460 : vector<32x512xf32>
    %mul3A_1462 = arith.mulf %add3A_1457, %tanh3A_1461 : vector<32x512xf32>
    %max3A_1463 = arith.maximumf %max3A_1415, %mul3A_1462 : vector<32x512xf32>
    %get3A_1464 = arith.constant 960 : index
    %get3A_1465 = arith.constant 0 : index
    %get3A_1466 = vector.load %arg8[%get3A_1464, %get3A_1465] : memref<2048x2048xf32, #tpu.memory_space<vmem>>, vector<32x2048xf32>
    %convert_element_type3A_1467 = arith.truncf %mul3A_1462 : vector<32x512xf32> to vector<32x512xbf16>
    %dot_general3A_1468 = arith.constant dense<0.000000e+00> : vector<32x2048xf32>
    %dot_general3A_1469 = tpu.matmul %convert_element_type3A_1467, %get3A_27, %dot_general3A_1468 {dimension_numbers = #tpu.dot_dimension_numbers<[1], [0], [0], [1], [0, 0, 1, 1], [], []>, transpose_lhs_hint = false} : vector<32x512xbf16>, vector<512x2048xbf16>, vector<32x2048xf32> -> vector<32x2048xf32>
    %add3A_1470 = arith.addf %get3A_1466, %dot_general3A_1469 : vector<32x2048xf32>
    %slice3A_1471 = vector.extract_strided_slice %add3A_1470 {offsets = [0, 0], sizes = [32, 512], strides = [1, 1]} : vector<32x2048xf32> to vector<32x512xf32>
    %mul3A_1472 = arith.constant 5.000000e-01 : f32
    %mul3A_1473 = vector.broadcast %mul3A_1472 : f32 to vector<32x512xf32>
    %mul3A_1474 = arith.mulf %mul3A_1473, %slice3A_1471 : vector<32x512xf32>
    %tanh3A_1475 = math.tanh %mul3A_1474 : vector<32x512xf32>
    %mul3A_1476 = arith.constant 5.000000e-01 : f32
    %mul3A_1477 = vector.broadcast %mul3A_1476 : f32 to vector<32x512xf32>
    %mul3A_1478 = arith.mulf %mul3A_1477, %tanh3A_1475 : vector<32x512xf32>
    %add3A_1479 = arith.constant 5.000000e-01 : f32
    %add3A_1480 = vector.broadcast %add3A_1479 : f32 to vector<32x512xf32>
    %add3A_1481 = arith.addf %mul3A_1478, %add3A_1480 : vector<32x512xf32>
    %slice3A_1482 = vector.extract_strided_slice %add3A_1470 {offsets = [0, 512], sizes = [32, 512], strides = [1, 1]} : vector<32x2048xf32> to vector<32x512xf32>
    %mul3A_1483 = arith.constant 5.000000e-01 : f32
    %mul3A_1484 = vector.broadcast %mul3A_1483 : f32 to vector<32x512xf32>
    %mul3A_1485 = arith.mulf %mul3A_1484, %slice3A_1482 : vector<32x512xf32>
    %tanh3A_1486 = math.tanh %mul3A_1485 : vector<32x512xf32>
    %mul3A_1487 = arith.constant 5.000000e-01 : f32
    %mul3A_1488 = vector.broadcast %mul3A_1487 : f32 to vector<32x512xf32>
    %mul3A_1489 = arith.mulf %mul3A_1488, %tanh3A_1486 : vector<32x512xf32>
    %add3A_1490 = arith.constant 5.000000e-01 : f32
    %add3A_1491 = vector.broadcast %add3A_1490 : f32 to vector<32x512xf32>
    %add3A_1492 = arith.addf %mul3A_1489, %add3A_1491 : vector<32x512xf32>
    %slice3A_1493 = vector.extract_strided_slice %add3A_1470 {offsets = [0, 1024], sizes = [32, 512], strides = [1, 1]} : vector<32x2048xf32> to vector<32x512xf32>
    %tanh3A_1494 = math.tanh %slice3A_1493 : vector<32x512xf32>
    %slice3A_1495 = vector.extract_strided_slice %add3A_1470 {offsets = [0, 1536], sizes = [32, 512], strides = [1, 1]} : vector<32x2048xf32> to vector<32x512xf32>
    %mul3A_1496 = arith.constant 5.000000e-01 : f32
    %mul3A_1497 = vector.broadcast %mul3A_1496 : f32 to vector<32x512xf32>
    %mul3A_1498 = arith.mulf %mul3A_1497, %slice3A_1495 : vector<32x512xf32>
    %tanh3A_1499 = math.tanh %mul3A_1498 : vector<32x512xf32>
    %mul3A_1500 = arith.constant 5.000000e-01 : f32
    %mul3A_1501 = vector.broadcast %mul3A_1500 : f32 to vector<32x512xf32>
    %mul3A_1502 = arith.mulf %mul3A_1501, %tanh3A_1499 : vector<32x512xf32>
    %add3A_1503 = arith.constant 5.000000e-01 : f32
    %add3A_1504 = vector.broadcast %add3A_1503 : f32 to vector<32x512xf32>
    %add3A_1505 = arith.addf %mul3A_1502, %add3A_1504 : vector<32x512xf32>
    %mul3A_1506 = arith.mulf %add3A_1492, %add3A_1460 : vector<32x512xf32>
    %mul3A_1507 = arith.mulf %add3A_1481, %tanh3A_1494 : vector<32x512xf32>
    %add3A_1508 = arith.addf %mul3A_1506, %mul3A_1507 : vector<32x512xf32>
    %tanh3A_1509 = math.tanh %add3A_1508 : vector<32x512xf32>
    %mul3A_1510 = arith.mulf %add3A_1505, %tanh3A_1509 : vector<32x512xf32>
    %max3A_1511 = arith.maximumf %max3A_1463, %mul3A_1510 : vector<32x512xf32>
    %get3A_1512 = arith.constant 992 : index
    %get3A_1513 = arith.constant 0 : index
    %get3A_1514 = vector.load %arg8[%get3A_1512, %get3A_1513] : memref<2048x2048xf32, #tpu.memory_space<vmem>>, vector<32x2048xf32>
    %convert_element_type3A_1515 = arith.truncf %mul3A_1510 : vector<32x512xf32> to vector<32x512xbf16>
    %dot_general3A_1516 = arith.constant dense<0.000000e+00> : vector<32x2048xf32>
    %dot_general3A_1517 = tpu.matmul %convert_element_type3A_1515, %get3A_27, %dot_general3A_1516 {dimension_numbers = #tpu.dot_dimension_numbers<[1], [0], [0], [1], [0, 0, 1, 1], [], []>, transpose_lhs_hint = false} : vector<32x512xbf16>, vector<512x2048xbf16>, vector<32x2048xf32> -> vector<32x2048xf32>
    %add3A_1518 = arith.addf %get3A_1514, %dot_general3A_1517 : vector<32x2048xf32>
    %slice3A_1519 = vector.extract_strided_slice %add3A_1518 {offsets = [0, 0], sizes = [32, 512], strides = [1, 1]} : vector<32x2048xf32> to vector<32x512xf32>
    %mul3A_1520 = arith.constant 5.000000e-01 : f32
    %mul3A_1521 = vector.broadcast %mul3A_1520 : f32 to vector<32x512xf32>
    %mul3A_1522 = arith.mulf %mul3A_1521, %slice3A_1519 : vector<32x512xf32>
    %tanh3A_1523 = math.tanh %mul3A_1522 : vector<32x512xf32>
    %mul3A_1524 = arith.constant 5.000000e-01 : f32
    %mul3A_1525 = vector.broadcast %mul3A_1524 : f32 to vector<32x512xf32>
    %mul3A_1526 = arith.mulf %mul3A_1525, %tanh3A_1523 : vector<32x512xf32>
    %add3A_1527 = arith.constant 5.000000e-01 : f32
    %add3A_1528 = vector.broadcast %add3A_1527 : f32 to vector<32x512xf32>
    %add3A_1529 = arith.addf %mul3A_1526, %add3A_1528 : vector<32x512xf32>
    %slice3A_1530 = vector.extract_strided_slice %add3A_1518 {offsets = [0, 512], sizes = [32, 512], strides = [1, 1]} : vector<32x2048xf32> to vector<32x512xf32>
    %mul3A_1531 = arith.constant 5.000000e-01 : f32
    %mul3A_1532 = vector.broadcast %mul3A_1531 : f32 to vector<32x512xf32>
    %mul3A_1533 = arith.mulf %mul3A_1532, %slice3A_1530 : vector<32x512xf32>
    %tanh3A_1534 = math.tanh %mul3A_1533 : vector<32x512xf32>
    %mul3A_1535 = arith.constant 5.000000e-01 : f32
    %mul3A_1536 = vector.broadcast %mul3A_1535 : f32 to vector<32x512xf32>
    %mul3A_1537 = arith.mulf %mul3A_1536, %tanh3A_1534 : vector<32x512xf32>
    %add3A_1538 = arith.constant 5.000000e-01 : f32
    %add3A_1539 = vector.broadcast %add3A_1538 : f32 to vector<32x512xf32>
    %add3A_1540 = arith.addf %mul3A_1537, %add3A_1539 : vector<32x512xf32>
    %slice3A_1541 = vector.extract_strided_slice %add3A_1518 {offsets = [0, 1024], sizes = [32, 512], strides = [1, 1]} : vector<32x2048xf32> to vector<32x512xf32>
    %tanh3A_1542 = math.tanh %slice3A_1541 : vector<32x512xf32>
    %slice3A_1543 = vector.extract_strided_slice %add3A_1518 {offsets = [0, 1536], sizes = [32, 512], strides = [1, 1]} : vector<32x2048xf32> to vector<32x512xf32>
    %mul3A_1544 = arith.constant 5.000000e-01 : f32
    %mul3A_1545 = vector.broadcast %mul3A_1544 : f32 to vector<32x512xf32>
    %mul3A_1546 = arith.mulf %mul3A_1545, %slice3A_1543 : vector<32x512xf32>
    %tanh3A_1547 = math.tanh %mul3A_1546 : vector<32x512xf32>
    %mul3A_1548 = arith.constant 5.000000e-01 : f32
    %mul3A_1549 = vector.broadcast %mul3A_1548 : f32 to vector<32x512xf32>
    %mul3A_1550 = arith.mulf %mul3A_1549, %tanh3A_1547 : vector<32x512xf32>
    %add3A_1551 = arith.constant 5.000000e-01 : f32
    %add3A_1552 = vector.broadcast %add3A_1551 : f32 to vector<32x512xf32>
    %add3A_1553 = arith.addf %mul3A_1550, %add3A_1552 : vector<32x512xf32>
    %mul3A_1554 = arith.mulf %add3A_1540, %add3A_1508 : vector<32x512xf32>
    %mul3A_1555 = arith.mulf %add3A_1529, %tanh3A_1542 : vector<32x512xf32>
    %add3A_1556 = arith.addf %mul3A_1554, %mul3A_1555 : vector<32x512xf32>
    %tanh3A_1557 = math.tanh %add3A_1556 : vector<32x512xf32>
    %mul3A_1558 = arith.mulf %add3A_1553, %tanh3A_1557 : vector<32x512xf32>
    %max3A_1559 = arith.maximumf %max3A_1511, %mul3A_1558 : vector<32x512xf32>
    %get3A_1560 = arith.constant 1024 : index
    %get3A_1561 = arith.constant 0 : index
    %get3A_1562 = vector.load %arg8[%get3A_1560, %get3A_1561] : memref<2048x2048xf32, #tpu.memory_space<vmem>>, vector<32x2048xf32>
    %convert_element_type3A_1563 = arith.truncf %mul3A_1558 : vector<32x512xf32> to vector<32x512xbf16>
    %dot_general3A_1564 = arith.constant dense<0.000000e+00> : vector<32x2048xf32>
    %dot_general3A_1565 = tpu.matmul %convert_element_type3A_1563, %get3A_27, %dot_general3A_1564 {dimension_numbers = #tpu.dot_dimension_numbers<[1], [0], [0], [1], [0, 0, 1, 1], [], []>, transpose_lhs_hint = false} : vector<32x512xbf16>, vector<512x2048xbf16>, vector<32x2048xf32> -> vector<32x2048xf32>
    %add3A_1566 = arith.addf %get3A_1562, %dot_general3A_1565 : vector<32x2048xf32>
    %slice3A_1567 = vector.extract_strided_slice %add3A_1566 {offsets = [0, 0], sizes = [32, 512], strides = [1, 1]} : vector<32x2048xf32> to vector<32x512xf32>
    %mul3A_1568 = arith.constant 5.000000e-01 : f32
    %mul3A_1569 = vector.broadcast %mul3A_1568 : f32 to vector<32x512xf32>
    %mul3A_1570 = arith.mulf %mul3A_1569, %slice3A_1567 : vector<32x512xf32>
    %tanh3A_1571 = math.tanh %mul3A_1570 : vector<32x512xf32>
    %mul3A_1572 = arith.constant 5.000000e-01 : f32
    %mul3A_1573 = vector.broadcast %mul3A_1572 : f32 to vector<32x512xf32>
    %mul3A_1574 = arith.mulf %mul3A_1573, %tanh3A_1571 : vector<32x512xf32>
    %add3A_1575 = arith.constant 5.000000e-01 : f32
    %add3A_1576 = vector.broadcast %add3A_1575 : f32 to vector<32x512xf32>
    %add3A_1577 = arith.addf %mul3A_1574, %add3A_1576 : vector<32x512xf32>
    %slice3A_1578 = vector.extract_strided_slice %add3A_1566 {offsets = [0, 512], sizes = [32, 512], strides = [1, 1]} : vector<32x2048xf32> to vector<32x512xf32>
    %mul3A_1579 = arith.constant 5.000000e-01 : f32
    %mul3A_1580 = vector.broadcast %mul3A_1579 : f32 to vector<32x512xf32>
    %mul3A_1581 = arith.mulf %mul3A_1580, %slice3A_1578 : vector<32x512xf32>
    %tanh3A_1582 = math.tanh %mul3A_1581 : vector<32x512xf32>
    %mul3A_1583 = arith.constant 5.000000e-01 : f32
    %mul3A_1584 = vector.broadcast %mul3A_1583 : f32 to vector<32x512xf32>
    %mul3A_1585 = arith.mulf %mul3A_1584, %tanh3A_1582 : vector<32x512xf32>
    %add3A_1586 = arith.constant 5.000000e-01 : f32
    %add3A_1587 = vector.broadcast %add3A_1586 : f32 to vector<32x512xf32>
    %add3A_1588 = arith.addf %mul3A_1585, %add3A_1587 : vector<32x512xf32>
    %slice3A_1589 = vector.extract_strided_slice %add3A_1566 {offsets = [0, 1024], sizes = [32, 512], strides = [1, 1]} : vector<32x2048xf32> to vector<32x512xf32>
    %tanh3A_1590 = math.tanh %slice3A_1589 : vector<32x512xf32>
    %slice3A_1591 = vector.extract_strided_slice %add3A_1566 {offsets = [0, 1536], sizes = [32, 512], strides = [1, 1]} : vector<32x2048xf32> to vector<32x512xf32>
    %mul3A_1592 = arith.constant 5.000000e-01 : f32
    %mul3A_1593 = vector.broadcast %mul3A_1592 : f32 to vector<32x512xf32>
    %mul3A_1594 = arith.mulf %mul3A_1593, %slice3A_1591 : vector<32x512xf32>
    %tanh3A_1595 = math.tanh %mul3A_1594 : vector<32x512xf32>
    %mul3A_1596 = arith.constant 5.000000e-01 : f32
    %mul3A_1597 = vector.broadcast %mul3A_1596 : f32 to vector<32x512xf32>
    %mul3A_1598 = arith.mulf %mul3A_1597, %tanh3A_1595 : vector<32x512xf32>
    %add3A_1599 = arith.constant 5.000000e-01 : f32
    %add3A_1600 = vector.broadcast %add3A_1599 : f32 to vector<32x512xf32>
    %add3A_1601 = arith.addf %mul3A_1598, %add3A_1600 : vector<32x512xf32>
    %mul3A_1602 = arith.mulf %add3A_1588, %add3A_1556 : vector<32x512xf32>
    %mul3A_1603 = arith.mulf %add3A_1577, %tanh3A_1590 : vector<32x512xf32>
    %add3A_1604 = arith.addf %mul3A_1602, %mul3A_1603 : vector<32x512xf32>
    %tanh3A_1605 = math.tanh %add3A_1604 : vector<32x512xf32>
    %mul3A_1606 = arith.mulf %add3A_1601, %tanh3A_1605 : vector<32x512xf32>
    %max3A_1607 = arith.maximumf %max3A_1559, %mul3A_1606 : vector<32x512xf32>
    %get3A_1608 = arith.constant 1056 : index
    %get3A_1609 = arith.constant 0 : index
    %get3A_1610 = vector.load %arg8[%get3A_1608, %get3A_1609] : memref<2048x2048xf32, #tpu.memory_space<vmem>>, vector<32x2048xf32>
    %convert_element_type3A_1611 = arith.truncf %mul3A_1606 : vector<32x512xf32> to vector<32x512xbf16>
    %dot_general3A_1612 = arith.constant dense<0.000000e+00> : vector<32x2048xf32>
    %dot_general3A_1613 = tpu.matmul %convert_element_type3A_1611, %get3A_27, %dot_general3A_1612 {dimension_numbers = #tpu.dot_dimension_numbers<[1], [0], [0], [1], [0, 0, 1, 1], [], []>, transpose_lhs_hint = false} : vector<32x512xbf16>, vector<512x2048xbf16>, vector<32x2048xf32> -> vector<32x2048xf32>
    %add3A_1614 = arith.addf %get3A_1610, %dot_general3A_1613 : vector<32x2048xf32>
    %slice3A_1615 = vector.extract_strided_slice %add3A_1614 {offsets = [0, 0], sizes = [32, 512], strides = [1, 1]} : vector<32x2048xf32> to vector<32x512xf32>
    %mul3A_1616 = arith.constant 5.000000e-01 : f32
    %mul3A_1617 = vector.broadcast %mul3A_1616 : f32 to vector<32x512xf32>
    %mul3A_1618 = arith.mulf %mul3A_1617, %slice3A_1615 : vector<32x512xf32>
    %tanh3A_1619 = math.tanh %mul3A_1618 : vector<32x512xf32>
    %mul3A_1620 = arith.constant 5.000000e-01 : f32
    %mul3A_1621 = vector.broadcast %mul3A_1620 : f32 to vector<32x512xf32>
    %mul3A_1622 = arith.mulf %mul3A_1621, %tanh3A_1619 : vector<32x512xf32>
    %add3A_1623 = arith.constant 5.000000e-01 : f32
    %add3A_1624 = vector.broadcast %add3A_1623 : f32 to vector<32x512xf32>
    %add3A_1625 = arith.addf %mul3A_1622, %add3A_1624 : vector<32x512xf32>
    %slice3A_1626 = vector.extract_strided_slice %add3A_1614 {offsets = [0, 512], sizes = [32, 512], strides = [1, 1]} : vector<32x2048xf32> to vector<32x512xf32>
    %mul3A_1627 = arith.constant 5.000000e-01 : f32
    %mul3A_1628 = vector.broadcast %mul3A_1627 : f32 to vector<32x512xf32>
    %mul3A_1629 = arith.mulf %mul3A_1628, %slice3A_1626 : vector<32x512xf32>
    %tanh3A_1630 = math.tanh %mul3A_1629 : vector<32x512xf32>
    %mul3A_1631 = arith.constant 5.000000e-01 : f32
    %mul3A_1632 = vector.broadcast %mul3A_1631 : f32 to vector<32x512xf32>
    %mul3A_1633 = arith.mulf %mul3A_1632, %tanh3A_1630 : vector<32x512xf32>
    %add3A_1634 = arith.constant 5.000000e-01 : f32
    %add3A_1635 = vector.broadcast %add3A_1634 : f32 to vector<32x512xf32>
    %add3A_1636 = arith.addf %mul3A_1633, %add3A_1635 : vector<32x512xf32>
    %slice3A_1637 = vector.extract_strided_slice %add3A_1614 {offsets = [0, 1024], sizes = [32, 512], strides = [1, 1]} : vector<32x2048xf32> to vector<32x512xf32>
    %tanh3A_1638 = math.tanh %slice3A_1637 : vector<32x512xf32>
    %slice3A_1639 = vector.extract_strided_slice %add3A_1614 {offsets = [0, 1536], sizes = [32, 512], strides = [1, 1]} : vector<32x2048xf32> to vector<32x512xf32>
    %mul3A_1640 = arith.constant 5.000000e-01 : f32
    %mul3A_1641 = vector.broadcast %mul3A_1640 : f32 to vector<32x512xf32>
    %mul3A_1642 = arith.mulf %mul3A_1641, %slice3A_1639 : vector<32x512xf32>
    %tanh3A_1643 = math.tanh %mul3A_1642 : vector<32x512xf32>
    %mul3A_1644 = arith.constant 5.000000e-01 : f32
    %mul3A_1645 = vector.broadcast %mul3A_1644 : f32 to vector<32x512xf32>
    %mul3A_1646 = arith.mulf %mul3A_1645, %tanh3A_1643 : vector<32x512xf32>
    %add3A_1647 = arith.constant 5.000000e-01 : f32
    %add3A_1648 = vector.broadcast %add3A_1647 : f32 to vector<32x512xf32>
    %add3A_1649 = arith.addf %mul3A_1646, %add3A_1648 : vector<32x512xf32>
    %mul3A_1650 = arith.mulf %add3A_1636, %add3A_1604 : vector<32x512xf32>
    %mul3A_1651 = arith.mulf %add3A_1625, %tanh3A_1638 : vector<32x512xf32>
    %add3A_1652 = arith.addf %mul3A_1650, %mul3A_1651 : vector<32x512xf32>
    %tanh3A_1653 = math.tanh %add3A_1652 : vector<32x512xf32>
    %mul3A_1654 = arith.mulf %add3A_1649, %tanh3A_1653 : vector<32x512xf32>
    %max3A_1655 = arith.maximumf %max3A_1607, %mul3A_1654 : vector<32x512xf32>
    %get3A_1656 = arith.constant 1088 : index
    %get3A_1657 = arith.constant 0 : index
    %get3A_1658 = vector.load %arg8[%get3A_1656, %get3A_1657] : memref<2048x2048xf32, #tpu.memory_space<vmem>>, vector<32x2048xf32>
    %convert_element_type3A_1659 = arith.truncf %mul3A_1654 : vector<32x512xf32> to vector<32x512xbf16>
    %dot_general3A_1660 = arith.constant dense<0.000000e+00> : vector<32x2048xf32>
    %dot_general3A_1661 = tpu.matmul %convert_element_type3A_1659, %get3A_27, %dot_general3A_1660 {dimension_numbers = #tpu.dot_dimension_numbers<[1], [0], [0], [1], [0, 0, 1, 1], [], []>, transpose_lhs_hint = false} : vector<32x512xbf16>, vector<512x2048xbf16>, vector<32x2048xf32> -> vector<32x2048xf32>
    %add3A_1662 = arith.addf %get3A_1658, %dot_general3A_1661 : vector<32x2048xf32>
    %slice3A_1663 = vector.extract_strided_slice %add3A_1662 {offsets = [0, 0], sizes = [32, 512], strides = [1, 1]} : vector<32x2048xf32> to vector<32x512xf32>
    %mul3A_1664 = arith.constant 5.000000e-01 : f32
    %mul3A_1665 = vector.broadcast %mul3A_1664 : f32 to vector<32x512xf32>
    %mul3A_1666 = arith.mulf %mul3A_1665, %slice3A_1663 : vector<32x512xf32>
    %tanh3A_1667 = math.tanh %mul3A_1666 : vector<32x512xf32>
    %mul3A_1668 = arith.constant 5.000000e-01 : f32
    %mul3A_1669 = vector.broadcast %mul3A_1668 : f32 to vector<32x512xf32>
    %mul3A_1670 = arith.mulf %mul3A_1669, %tanh3A_1667 : vector<32x512xf32>
    %add3A_1671 = arith.constant 5.000000e-01 : f32
    %add3A_1672 = vector.broadcast %add3A_1671 : f32 to vector<32x512xf32>
    %add3A_1673 = arith.addf %mul3A_1670, %add3A_1672 : vector<32x512xf32>
    %slice3A_1674 = vector.extract_strided_slice %add3A_1662 {offsets = [0, 512], sizes = [32, 512], strides = [1, 1]} : vector<32x2048xf32> to vector<32x512xf32>
    %mul3A_1675 = arith.constant 5.000000e-01 : f32
    %mul3A_1676 = vector.broadcast %mul3A_1675 : f32 to vector<32x512xf32>
    %mul3A_1677 = arith.mulf %mul3A_1676, %slice3A_1674 : vector<32x512xf32>
    %tanh3A_1678 = math.tanh %mul3A_1677 : vector<32x512xf32>
    %mul3A_1679 = arith.constant 5.000000e-01 : f32
    %mul3A_1680 = vector.broadcast %mul3A_1679 : f32 to vector<32x512xf32>
    %mul3A_1681 = arith.mulf %mul3A_1680, %tanh3A_1678 : vector<32x512xf32>
    %add3A_1682 = arith.constant 5.000000e-01 : f32
    %add3A_1683 = vector.broadcast %add3A_1682 : f32 to vector<32x512xf32>
    %add3A_1684 = arith.addf %mul3A_1681, %add3A_1683 : vector<32x512xf32>
    %slice3A_1685 = vector.extract_strided_slice %add3A_1662 {offsets = [0, 1024], sizes = [32, 512], strides = [1, 1]} : vector<32x2048xf32> to vector<32x512xf32>
    %tanh3A_1686 = math.tanh %slice3A_1685 : vector<32x512xf32>
    %slice3A_1687 = vector.extract_strided_slice %add3A_1662 {offsets = [0, 1536], sizes = [32, 512], strides = [1, 1]} : vector<32x2048xf32> to vector<32x512xf32>
    %mul3A_1688 = arith.constant 5.000000e-01 : f32
    %mul3A_1689 = vector.broadcast %mul3A_1688 : f32 to vector<32x512xf32>
    %mul3A_1690 = arith.mulf %mul3A_1689, %slice3A_1687 : vector<32x512xf32>
    %tanh3A_1691 = math.tanh %mul3A_1690 : vector<32x512xf32>
    %mul3A_1692 = arith.constant 5.000000e-01 : f32
    %mul3A_1693 = vector.broadcast %mul3A_1692 : f32 to vector<32x512xf32>
    %mul3A_1694 = arith.mulf %mul3A_1693, %tanh3A_1691 : vector<32x512xf32>
    %add3A_1695 = arith.constant 5.000000e-01 : f32
    %add3A_1696 = vector.broadcast %add3A_1695 : f32 to vector<32x512xf32>
    %add3A_1697 = arith.addf %mul3A_1694, %add3A_1696 : vector<32x512xf32>
    %mul3A_1698 = arith.mulf %add3A_1684, %add3A_1652 : vector<32x512xf32>
    %mul3A_1699 = arith.mulf %add3A_1673, %tanh3A_1686 : vector<32x512xf32>
    %add3A_1700 = arith.addf %mul3A_1698, %mul3A_1699 : vector<32x512xf32>
    %tanh3A_1701 = math.tanh %add3A_1700 : vector<32x512xf32>
    %mul3A_1702 = arith.mulf %add3A_1697, %tanh3A_1701 : vector<32x512xf32>
    %max3A_1703 = arith.maximumf %max3A_1655, %mul3A_1702 : vector<32x512xf32>
    %get3A_1704 = arith.constant 1120 : index
    %get3A_1705 = arith.constant 0 : index
    %get3A_1706 = vector.load %arg8[%get3A_1704, %get3A_1705] : memref<2048x2048xf32, #tpu.memory_space<vmem>>, vector<32x2048xf32>
    %convert_element_type3A_1707 = arith.truncf %mul3A_1702 : vector<32x512xf32> to vector<32x512xbf16>
    %dot_general3A_1708 = arith.constant dense<0.000000e+00> : vector<32x2048xf32>
    %dot_general3A_1709 = tpu.matmul %convert_element_type3A_1707, %get3A_27, %dot_general3A_1708 {dimension_numbers = #tpu.dot_dimension_numbers<[1], [0], [0], [1], [0, 0, 1, 1], [], []>, transpose_lhs_hint = false} : vector<32x512xbf16>, vector<512x2048xbf16>, vector<32x2048xf32> -> vector<32x2048xf32>
    %add3A_1710 = arith.addf %get3A_1706, %dot_general3A_1709 : vector<32x2048xf32>
    %slice3A_1711 = vector.extract_strided_slice %add3A_1710 {offsets = [0, 0], sizes = [32, 512], strides = [1, 1]} : vector<32x2048xf32> to vector<32x512xf32>
    %mul3A_1712 = arith.constant 5.000000e-01 : f32
    %mul3A_1713 = vector.broadcast %mul3A_1712 : f32 to vector<32x512xf32>
    %mul3A_1714 = arith.mulf %mul3A_1713, %slice3A_1711 : vector<32x512xf32>
    %tanh3A_1715 = math.tanh %mul3A_1714 : vector<32x512xf32>
    %mul3A_1716 = arith.constant 5.000000e-01 : f32
    %mul3A_1717 = vector.broadcast %mul3A_1716 : f32 to vector<32x512xf32>
    %mul3A_1718 = arith.mulf %mul3A_1717, %tanh3A_1715 : vector<32x512xf32>
    %add3A_1719 = arith.constant 5.000000e-01 : f32
    %add3A_1720 = vector.broadcast %add3A_1719 : f32 to vector<32x512xf32>
    %add3A_1721 = arith.addf %mul3A_1718, %add3A_1720 : vector<32x512xf32>
    %slice3A_1722 = vector.extract_strided_slice %add3A_1710 {offsets = [0, 512], sizes = [32, 512], strides = [1, 1]} : vector<32x2048xf32> to vector<32x512xf32>
    %mul3A_1723 = arith.constant 5.000000e-01 : f32
    %mul3A_1724 = vector.broadcast %mul3A_1723 : f32 to vector<32x512xf32>
    %mul3A_1725 = arith.mulf %mul3A_1724, %slice3A_1722 : vector<32x512xf32>
    %tanh3A_1726 = math.tanh %mul3A_1725 : vector<32x512xf32>
    %mul3A_1727 = arith.constant 5.000000e-01 : f32
    %mul3A_1728 = vector.broadcast %mul3A_1727 : f32 to vector<32x512xf32>
    %mul3A_1729 = arith.mulf %mul3A_1728, %tanh3A_1726 : vector<32x512xf32>
    %add3A_1730 = arith.constant 5.000000e-01 : f32
    %add3A_1731 = vector.broadcast %add3A_1730 : f32 to vector<32x512xf32>
    %add3A_1732 = arith.addf %mul3A_1729, %add3A_1731 : vector<32x512xf32>
    %slice3A_1733 = vector.extract_strided_slice %add3A_1710 {offsets = [0, 1024], sizes = [32, 512], strides = [1, 1]} : vector<32x2048xf32> to vector<32x512xf32>
    %tanh3A_1734 = math.tanh %slice3A_1733 : vector<32x512xf32>
    %slice3A_1735 = vector.extract_strided_slice %add3A_1710 {offsets = [0, 1536], sizes = [32, 512], strides = [1, 1]} : vector<32x2048xf32> to vector<32x512xf32>
    %mul3A_1736 = arith.constant 5.000000e-01 : f32
    %mul3A_1737 = vector.broadcast %mul3A_1736 : f32 to vector<32x512xf32>
    %mul3A_1738 = arith.mulf %mul3A_1737, %slice3A_1735 : vector<32x512xf32>
    %tanh3A_1739 = math.tanh %mul3A_1738 : vector<32x512xf32>
    %mul3A_1740 = arith.constant 5.000000e-01 : f32
    %mul3A_1741 = vector.broadcast %mul3A_1740 : f32 to vector<32x512xf32>
    %mul3A_1742 = arith.mulf %mul3A_1741, %tanh3A_1739 : vector<32x512xf32>
    %add3A_1743 = arith.constant 5.000000e-01 : f32
    %add3A_1744 = vector.broadcast %add3A_1743 : f32 to vector<32x512xf32>
    %add3A_1745 = arith.addf %mul3A_1742, %add3A_1744 : vector<32x512xf32>
    %mul3A_1746 = arith.mulf %add3A_1732, %add3A_1700 : vector<32x512xf32>
    %mul3A_1747 = arith.mulf %add3A_1721, %tanh3A_1734 : vector<32x512xf32>
    %add3A_1748 = arith.addf %mul3A_1746, %mul3A_1747 : vector<32x512xf32>
    %tanh3A_1749 = math.tanh %add3A_1748 : vector<32x512xf32>
    %mul3A_1750 = arith.mulf %add3A_1745, %tanh3A_1749 : vector<32x512xf32>
    %max3A_1751 = arith.maximumf %max3A_1703, %mul3A_1750 : vector<32x512xf32>
    %get3A_1752 = arith.constant 1152 : index
    %get3A_1753 = arith.constant 0 : index
    %get3A_1754 = vector.load %arg8[%get3A_1752, %get3A_1753] : memref<2048x2048xf32, #tpu.memory_space<vmem>>, vector<32x2048xf32>
    %convert_element_type3A_1755 = arith.truncf %mul3A_1750 : vector<32x512xf32> to vector<32x512xbf16>
    %dot_general3A_1756 = arith.constant dense<0.000000e+00> : vector<32x2048xf32>
    %dot_general3A_1757 = tpu.matmul %convert_element_type3A_1755, %get3A_27, %dot_general3A_1756 {dimension_numbers = #tpu.dot_dimension_numbers<[1], [0], [0], [1], [0, 0, 1, 1], [], []>, transpose_lhs_hint = false} : vector<32x512xbf16>, vector<512x2048xbf16>, vector<32x2048xf32> -> vector<32x2048xf32>
    %add3A_1758 = arith.addf %get3A_1754, %dot_general3A_1757 : vector<32x2048xf32>
    %slice3A_1759 = vector.extract_strided_slice %add3A_1758 {offsets = [0, 0], sizes = [32, 512], strides = [1, 1]} : vector<32x2048xf32> to vector<32x512xf32>
    %mul3A_1760 = arith.constant 5.000000e-01 : f32
    %mul3A_1761 = vector.broadcast %mul3A_1760 : f32 to vector<32x512xf32>
    %mul3A_1762 = arith.mulf %mul3A_1761, %slice3A_1759 : vector<32x512xf32>
    %tanh3A_1763 = math.tanh %mul3A_1762 : vector<32x512xf32>
    %mul3A_1764 = arith.constant 5.000000e-01 : f32
    %mul3A_1765 = vector.broadcast %mul3A_1764 : f32 to vector<32x512xf32>
    %mul3A_1766 = arith.mulf %mul3A_1765, %tanh3A_1763 : vector<32x512xf32>
    %add3A_1767 = arith.constant 5.000000e-01 : f32
    %add3A_1768 = vector.broadcast %add3A_1767 : f32 to vector<32x512xf32>
    %add3A_1769 = arith.addf %mul3A_1766, %add3A_1768 : vector<32x512xf32>
    %slice3A_1770 = vector.extract_strided_slice %add3A_1758 {offsets = [0, 512], sizes = [32, 512], strides = [1, 1]} : vector<32x2048xf32> to vector<32x512xf32>
    %mul3A_1771 = arith.constant 5.000000e-01 : f32
    %mul3A_1772 = vector.broadcast %mul3A_1771 : f32 to vector<32x512xf32>
    %mul3A_1773 = arith.mulf %mul3A_1772, %slice3A_1770 : vector<32x512xf32>
    %tanh3A_1774 = math.tanh %mul3A_1773 : vector<32x512xf32>
    %mul3A_1775 = arith.constant 5.000000e-01 : f32
    %mul3A_1776 = vector.broadcast %mul3A_1775 : f32 to vector<32x512xf32>
    %mul3A_1777 = arith.mulf %mul3A_1776, %tanh3A_1774 : vector<32x512xf32>
    %add3A_1778 = arith.constant 5.000000e-01 : f32
    %add3A_1779 = vector.broadcast %add3A_1778 : f32 to vector<32x512xf32>
    %add3A_1780 = arith.addf %mul3A_1777, %add3A_1779 : vector<32x512xf32>
    %slice3A_1781 = vector.extract_strided_slice %add3A_1758 {offsets = [0, 1024], sizes = [32, 512], strides = [1, 1]} : vector<32x2048xf32> to vector<32x512xf32>
    %tanh3A_1782 = math.tanh %slice3A_1781 : vector<32x512xf32>
    %slice3A_1783 = vector.extract_strided_slice %add3A_1758 {offsets = [0, 1536], sizes = [32, 512], strides = [1, 1]} : vector<32x2048xf32> to vector<32x512xf32>
    %mul3A_1784 = arith.constant 5.000000e-01 : f32
    %mul3A_1785 = vector.broadcast %mul3A_1784 : f32 to vector<32x512xf32>
    %mul3A_1786 = arith.mulf %mul3A_1785, %slice3A_1783 : vector<32x512xf32>
    %tanh3A_1787 = math.tanh %mul3A_1786 : vector<32x512xf32>
    %mul3A_1788 = arith.constant 5.000000e-01 : f32
    %mul3A_1789 = vector.broadcast %mul3A_1788 : f32 to vector<32x512xf32>
    %mul3A_1790 = arith.mulf %mul3A_1789, %tanh3A_1787 : vector<32x512xf32>
    %add3A_1791 = arith.constant 5.000000e-01 : f32
    %add3A_1792 = vector.broadcast %add3A_1791 : f32 to vector<32x512xf32>
    %add3A_1793 = arith.addf %mul3A_1790, %add3A_1792 : vector<32x512xf32>
    %mul3A_1794 = arith.mulf %add3A_1780, %add3A_1748 : vector<32x512xf32>
    %mul3A_1795 = arith.mulf %add3A_1769, %tanh3A_1782 : vector<32x512xf32>
    %add3A_1796 = arith.addf %mul3A_1794, %mul3A_1795 : vector<32x512xf32>
    %tanh3A_1797 = math.tanh %add3A_1796 : vector<32x512xf32>
    %mul3A_1798 = arith.mulf %add3A_1793, %tanh3A_1797 : vector<32x512xf32>
    %max3A_1799 = arith.maximumf %max3A_1751, %mul3A_1798 : vector<32x512xf32>
    %get3A_1800 = arith.constant 1184 : index
    %get3A_1801 = arith.constant 0 : index
    %get3A_1802 = vector.load %arg8[%get3A_1800, %get3A_1801] : memref<2048x2048xf32, #tpu.memory_space<vmem>>, vector<32x2048xf32>
    %convert_element_type3A_1803 = arith.truncf %mul3A_1798 : vector<32x512xf32> to vector<32x512xbf16>
    %dot_general3A_1804 = arith.constant dense<0.000000e+00> : vector<32x2048xf32>
    %dot_general3A_1805 = tpu.matmul %convert_element_type3A_1803, %get3A_27, %dot_general3A_1804 {dimension_numbers = #tpu.dot_dimension_numbers<[1], [0], [0], [1], [0, 0, 1, 1], [], []>, transpose_lhs_hint = false} : vector<32x512xbf16>, vector<512x2048xbf16>, vector<32x2048xf32> -> vector<32x2048xf32>
    %add3A_1806 = arith.addf %get3A_1802, %dot_general3A_1805 : vector<32x2048xf32>
    %slice3A_1807 = vector.extract_strided_slice %add3A_1806 {offsets = [0, 0], sizes = [32, 512], strides = [1, 1]} : vector<32x2048xf32> to vector<32x512xf32>
    %mul3A_1808 = arith.constant 5.000000e-01 : f32
    %mul3A_1809 = vector.broadcast %mul3A_1808 : f32 to vector<32x512xf32>
    %mul3A_1810 = arith.mulf %mul3A_1809, %slice3A_1807 : vector<32x512xf32>
    %tanh3A_1811 = math.tanh %mul3A_1810 : vector<32x512xf32>
    %mul3A_1812 = arith.constant 5.000000e-01 : f32
    %mul3A_1813 = vector.broadcast %mul3A_1812 : f32 to vector<32x512xf32>
    %mul3A_1814 = arith.mulf %mul3A_1813, %tanh3A_1811 : vector<32x512xf32>
    %add3A_1815 = arith.constant 5.000000e-01 : f32
    %add3A_1816 = vector.broadcast %add3A_1815 : f32 to vector<32x512xf32>
    %add3A_1817 = arith.addf %mul3A_1814, %add3A_1816 : vector<32x512xf32>
    %slice3A_1818 = vector.extract_strided_slice %add3A_1806 {offsets = [0, 512], sizes = [32, 512], strides = [1, 1]} : vector<32x2048xf32> to vector<32x512xf32>
    %mul3A_1819 = arith.constant 5.000000e-01 : f32
    %mul3A_1820 = vector.broadcast %mul3A_1819 : f32 to vector<32x512xf32>
    %mul3A_1821 = arith.mulf %mul3A_1820, %slice3A_1818 : vector<32x512xf32>
    %tanh3A_1822 = math.tanh %mul3A_1821 : vector<32x512xf32>
    %mul3A_1823 = arith.constant 5.000000e-01 : f32
    %mul3A_1824 = vector.broadcast %mul3A_1823 : f32 to vector<32x512xf32>
    %mul3A_1825 = arith.mulf %mul3A_1824, %tanh3A_1822 : vector<32x512xf32>
    %add3A_1826 = arith.constant 5.000000e-01 : f32
    %add3A_1827 = vector.broadcast %add3A_1826 : f32 to vector<32x512xf32>
    %add3A_1828 = arith.addf %mul3A_1825, %add3A_1827 : vector<32x512xf32>
    %slice3A_1829 = vector.extract_strided_slice %add3A_1806 {offsets = [0, 1024], sizes = [32, 512], strides = [1, 1]} : vector<32x2048xf32> to vector<32x512xf32>
    %tanh3A_1830 = math.tanh %slice3A_1829 : vector<32x512xf32>
    %slice3A_1831 = vector.extract_strided_slice %add3A_1806 {offsets = [0, 1536], sizes = [32, 512], strides = [1, 1]} : vector<32x2048xf32> to vector<32x512xf32>
    %mul3A_1832 = arith.constant 5.000000e-01 : f32
    %mul3A_1833 = vector.broadcast %mul3A_1832 : f32 to vector<32x512xf32>
    %mul3A_1834 = arith.mulf %mul3A_1833, %slice3A_1831 : vector<32x512xf32>
    %tanh3A_1835 = math.tanh %mul3A_1834 : vector<32x512xf32>
    %mul3A_1836 = arith.constant 5.000000e-01 : f32
    %mul3A_1837 = vector.broadcast %mul3A_1836 : f32 to vector<32x512xf32>
    %mul3A_1838 = arith.mulf %mul3A_1837, %tanh3A_1835 : vector<32x512xf32>
    %add3A_1839 = arith.constant 5.000000e-01 : f32
    %add3A_1840 = vector.broadcast %add3A_1839 : f32 to vector<32x512xf32>
    %add3A_1841 = arith.addf %mul3A_1838, %add3A_1840 : vector<32x512xf32>
    %mul3A_1842 = arith.mulf %add3A_1828, %add3A_1796 : vector<32x512xf32>
    %mul3A_1843 = arith.mulf %add3A_1817, %tanh3A_1830 : vector<32x512xf32>
    %add3A_1844 = arith.addf %mul3A_1842, %mul3A_1843 : vector<32x512xf32>
    %tanh3A_1845 = math.tanh %add3A_1844 : vector<32x512xf32>
    %mul3A_1846 = arith.mulf %add3A_1841, %tanh3A_1845 : vector<32x512xf32>
    %max3A_1847 = arith.maximumf %max3A_1799, %mul3A_1846 : vector<32x512xf32>
    %get3A_1848 = arith.constant 1216 : index
    %get3A_1849 = arith.constant 0 : index
    %get3A_1850 = vector.load %arg8[%get3A_1848, %get3A_1849] : memref<2048x2048xf32, #tpu.memory_space<vmem>>, vector<32x2048xf32>
    %convert_element_type3A_1851 = arith.truncf %mul3A_1846 : vector<32x512xf32> to vector<32x512xbf16>
    %dot_general3A_1852 = arith.constant dense<0.000000e+00> : vector<32x2048xf32>
    %dot_general3A_1853 = tpu.matmul %convert_element_type3A_1851, %get3A_27, %dot_general3A_1852 {dimension_numbers = #tpu.dot_dimension_numbers<[1], [0], [0], [1], [0, 0, 1, 1], [], []>, transpose_lhs_hint = false} : vector<32x512xbf16>, vector<512x2048xbf16>, vector<32x2048xf32> -> vector<32x2048xf32>
    %add3A_1854 = arith.addf %get3A_1850, %dot_general3A_1853 : vector<32x2048xf32>
    %slice3A_1855 = vector.extract_strided_slice %add3A_1854 {offsets = [0, 0], sizes = [32, 512], strides = [1, 1]} : vector<32x2048xf32> to vector<32x512xf32>
    %mul3A_1856 = arith.constant 5.000000e-01 : f32
    %mul3A_1857 = vector.broadcast %mul3A_1856 : f32 to vector<32x512xf32>
    %mul3A_1858 = arith.mulf %mul3A_1857, %slice3A_1855 : vector<32x512xf32>
    %tanh3A_1859 = math.tanh %mul3A_1858 : vector<32x512xf32>
    %mul3A_1860 = arith.constant 5.000000e-01 : f32
    %mul3A_1861 = vector.broadcast %mul3A_1860 : f32 to vector<32x512xf32>
    %mul3A_1862 = arith.mulf %mul3A_1861, %tanh3A_1859 : vector<32x512xf32>
    %add3A_1863 = arith.constant 5.000000e-01 : f32
    %add3A_1864 = vector.broadcast %add3A_1863 : f32 to vector<32x512xf32>
    %add3A_1865 = arith.addf %mul3A_1862, %add3A_1864 : vector<32x512xf32>
    %slice3A_1866 = vector.extract_strided_slice %add3A_1854 {offsets = [0, 512], sizes = [32, 512], strides = [1, 1]} : vector<32x2048xf32> to vector<32x512xf32>
    %mul3A_1867 = arith.constant 5.000000e-01 : f32
    %mul3A_1868 = vector.broadcast %mul3A_1867 : f32 to vector<32x512xf32>
    %mul3A_1869 = arith.mulf %mul3A_1868, %slice3A_1866 : vector<32x512xf32>
    %tanh3A_1870 = math.tanh %mul3A_1869 : vector<32x512xf32>
    %mul3A_1871 = arith.constant 5.000000e-01 : f32
    %mul3A_1872 = vector.broadcast %mul3A_1871 : f32 to vector<32x512xf32>
    %mul3A_1873 = arith.mulf %mul3A_1872, %tanh3A_1870 : vector<32x512xf32>
    %add3A_1874 = arith.constant 5.000000e-01 : f32
    %add3A_1875 = vector.broadcast %add3A_1874 : f32 to vector<32x512xf32>
    %add3A_1876 = arith.addf %mul3A_1873, %add3A_1875 : vector<32x512xf32>
    %slice3A_1877 = vector.extract_strided_slice %add3A_1854 {offsets = [0, 1024], sizes = [32, 512], strides = [1, 1]} : vector<32x2048xf32> to vector<32x512xf32>
    %tanh3A_1878 = math.tanh %slice3A_1877 : vector<32x512xf32>
    %slice3A_1879 = vector.extract_strided_slice %add3A_1854 {offsets = [0, 1536], sizes = [32, 512], strides = [1, 1]} : vector<32x2048xf32> to vector<32x512xf32>
    %mul3A_1880 = arith.constant 5.000000e-01 : f32
    %mul3A_1881 = vector.broadcast %mul3A_1880 : f32 to vector<32x512xf32>
    %mul3A_1882 = arith.mulf %mul3A_1881, %slice3A_1879 : vector<32x512xf32>
    %tanh3A_1883 = math.tanh %mul3A_1882 : vector<32x512xf32>
    %mul3A_1884 = arith.constant 5.000000e-01 : f32
    %mul3A_1885 = vector.broadcast %mul3A_1884 : f32 to vector<32x512xf32>
    %mul3A_1886 = arith.mulf %mul3A_1885, %tanh3A_1883 : vector<32x512xf32>
    %add3A_1887 = arith.constant 5.000000e-01 : f32
    %add3A_1888 = vector.broadcast %add3A_1887 : f32 to vector<32x512xf32>
    %add3A_1889 = arith.addf %mul3A_1886, %add3A_1888 : vector<32x512xf32>
    %mul3A_1890 = arith.mulf %add3A_1876, %add3A_1844 : vector<32x512xf32>
    %mul3A_1891 = arith.mulf %add3A_1865, %tanh3A_1878 : vector<32x512xf32>
    %add3A_1892 = arith.addf %mul3A_1890, %mul3A_1891 : vector<32x512xf32>
    %tanh3A_1893 = math.tanh %add3A_1892 : vector<32x512xf32>
    %mul3A_1894 = arith.mulf %add3A_1889, %tanh3A_1893 : vector<32x512xf32>
    %max3A_1895 = arith.maximumf %max3A_1847, %mul3A_1894 : vector<32x512xf32>
    %get3A_1896 = arith.constant 1248 : index
    %get3A_1897 = arith.constant 0 : index
    %get3A_1898 = vector.load %arg8[%get3A_1896, %get3A_1897] : memref<2048x2048xf32, #tpu.memory_space<vmem>>, vector<32x2048xf32>
    %convert_element_type3A_1899 = arith.truncf %mul3A_1894 : vector<32x512xf32> to vector<32x512xbf16>
    %dot_general3A_1900 = arith.constant dense<0.000000e+00> : vector<32x2048xf32>
    %dot_general3A_1901 = tpu.matmul %convert_element_type3A_1899, %get3A_27, %dot_general3A_1900 {dimension_numbers = #tpu.dot_dimension_numbers<[1], [0], [0], [1], [0, 0, 1, 1], [], []>, transpose_lhs_hint = false} : vector<32x512xbf16>, vector<512x2048xbf16>, vector<32x2048xf32> -> vector<32x2048xf32>
    %add3A_1902 = arith.addf %get3A_1898, %dot_general3A_1901 : vector<32x2048xf32>
    %slice3A_1903 = vector.extract_strided_slice %add3A_1902 {offsets = [0, 0], sizes = [32, 512], strides = [1, 1]} : vector<32x2048xf32> to vector<32x512xf32>
    %mul3A_1904 = arith.constant 5.000000e-01 : f32
    %mul3A_1905 = vector.broadcast %mul3A_1904 : f32 to vector<32x512xf32>
    %mul3A_1906 = arith.mulf %mul3A_1905, %slice3A_1903 : vector<32x512xf32>
    %tanh3A_1907 = math.tanh %mul3A_1906 : vector<32x512xf32>
    %mul3A_1908 = arith.constant 5.000000e-01 : f32
    %mul3A_1909 = vector.broadcast %mul3A_1908 : f32 to vector<32x512xf32>
    %mul3A_1910 = arith.mulf %mul3A_1909, %tanh3A_1907 : vector<32x512xf32>
    %add3A_1911 = arith.constant 5.000000e-01 : f32
    %add3A_1912 = vector.broadcast %add3A_1911 : f32 to vector<32x512xf32>
    %add3A_1913 = arith.addf %mul3A_1910, %add3A_1912 : vector<32x512xf32>
    %slice3A_1914 = vector.extract_strided_slice %add3A_1902 {offsets = [0, 512], sizes = [32, 512], strides = [1, 1]} : vector<32x2048xf32> to vector<32x512xf32>
    %mul3A_1915 = arith.constant 5.000000e-01 : f32
    %mul3A_1916 = vector.broadcast %mul3A_1915 : f32 to vector<32x512xf32>
    %mul3A_1917 = arith.mulf %mul3A_1916, %slice3A_1914 : vector<32x512xf32>
    %tanh3A_1918 = math.tanh %mul3A_1917 : vector<32x512xf32>
    %mul3A_1919 = arith.constant 5.000000e-01 : f32
    %mul3A_1920 = vector.broadcast %mul3A_1919 : f32 to vector<32x512xf32>
    %mul3A_1921 = arith.mulf %mul3A_1920, %tanh3A_1918 : vector<32x512xf32>
    %add3A_1922 = arith.constant 5.000000e-01 : f32
    %add3A_1923 = vector.broadcast %add3A_1922 : f32 to vector<32x512xf32>
    %add3A_1924 = arith.addf %mul3A_1921, %add3A_1923 : vector<32x512xf32>
    %slice3A_1925 = vector.extract_strided_slice %add3A_1902 {offsets = [0, 1024], sizes = [32, 512], strides = [1, 1]} : vector<32x2048xf32> to vector<32x512xf32>
    %tanh3A_1926 = math.tanh %slice3A_1925 : vector<32x512xf32>
    %slice3A_1927 = vector.extract_strided_slice %add3A_1902 {offsets = [0, 1536], sizes = [32, 512], strides = [1, 1]} : vector<32x2048xf32> to vector<32x512xf32>
    %mul3A_1928 = arith.constant 5.000000e-01 : f32
    %mul3A_1929 = vector.broadcast %mul3A_1928 : f32 to vector<32x512xf32>
    %mul3A_1930 = arith.mulf %mul3A_1929, %slice3A_1927 : vector<32x512xf32>
    %tanh3A_1931 = math.tanh %mul3A_1930 : vector<32x512xf32>
    %mul3A_1932 = arith.constant 5.000000e-01 : f32
    %mul3A_1933 = vector.broadcast %mul3A_1932 : f32 to vector<32x512xf32>
    %mul3A_1934 = arith.mulf %mul3A_1933, %tanh3A_1931 : vector<32x512xf32>
    %add3A_1935 = arith.constant 5.000000e-01 : f32
    %add3A_1936 = vector.broadcast %add3A_1935 : f32 to vector<32x512xf32>
    %add3A_1937 = arith.addf %mul3A_1934, %add3A_1936 : vector<32x512xf32>
    %mul3A_1938 = arith.mulf %add3A_1924, %add3A_1892 : vector<32x512xf32>
    %mul3A_1939 = arith.mulf %add3A_1913, %tanh3A_1926 : vector<32x512xf32>
    %add3A_1940 = arith.addf %mul3A_1938, %mul3A_1939 : vector<32x512xf32>
    %tanh3A_1941 = math.tanh %add3A_1940 : vector<32x512xf32>
    %mul3A_1942 = arith.mulf %add3A_1937, %tanh3A_1941 : vector<32x512xf32>
    %max3A_1943 = arith.maximumf %max3A_1895, %mul3A_1942 : vector<32x512xf32>
    %get3A_1944 = arith.constant 1280 : index
    %get3A_1945 = arith.constant 0 : index
    %get3A_1946 = vector.load %arg8[%get3A_1944, %get3A_1945] : memref<2048x2048xf32, #tpu.memory_space<vmem>>, vector<32x2048xf32>
    %convert_element_type3A_1947 = arith.truncf %mul3A_1942 : vector<32x512xf32> to vector<32x512xbf16>
    %dot_general3A_1948 = arith.constant dense<0.000000e+00> : vector<32x2048xf32>
    %dot_general3A_1949 = tpu.matmul %convert_element_type3A_1947, %get3A_27, %dot_general3A_1948 {dimension_numbers = #tpu.dot_dimension_numbers<[1], [0], [0], [1], [0, 0, 1, 1], [], []>, transpose_lhs_hint = false} : vector<32x512xbf16>, vector<512x2048xbf16>, vector<32x2048xf32> -> vector<32x2048xf32>
    %add3A_1950 = arith.addf %get3A_1946, %dot_general3A_1949 : vector<32x2048xf32>
    %slice3A_1951 = vector.extract_strided_slice %add3A_1950 {offsets = [0, 0], sizes = [32, 512], strides = [1, 1]} : vector<32x2048xf32> to vector<32x512xf32>
    %mul3A_1952 = arith.constant 5.000000e-01 : f32
    %mul3A_1953 = vector.broadcast %mul3A_1952 : f32 to vector<32x512xf32>
    %mul3A_1954 = arith.mulf %mul3A_1953, %slice3A_1951 : vector<32x512xf32>
    %tanh3A_1955 = math.tanh %mul3A_1954 : vector<32x512xf32>
    %mul3A_1956 = arith.constant 5.000000e-01 : f32
    %mul3A_1957 = vector.broadcast %mul3A_1956 : f32 to vector<32x512xf32>
    %mul3A_1958 = arith.mulf %mul3A_1957, %tanh3A_1955 : vector<32x512xf32>
    %add3A_1959 = arith.constant 5.000000e-01 : f32
    %add3A_1960 = vector.broadcast %add3A_1959 : f32 to vector<32x512xf32>
    %add3A_1961 = arith.addf %mul3A_1958, %add3A_1960 : vector<32x512xf32>
    %slice3A_1962 = vector.extract_strided_slice %add3A_1950 {offsets = [0, 512], sizes = [32, 512], strides = [1, 1]} : vector<32x2048xf32> to vector<32x512xf32>
    %mul3A_1963 = arith.constant 5.000000e-01 : f32
    %mul3A_1964 = vector.broadcast %mul3A_1963 : f32 to vector<32x512xf32>
    %mul3A_1965 = arith.mulf %mul3A_1964, %slice3A_1962 : vector<32x512xf32>
    %tanh3A_1966 = math.tanh %mul3A_1965 : vector<32x512xf32>
    %mul3A_1967 = arith.constant 5.000000e-01 : f32
    %mul3A_1968 = vector.broadcast %mul3A_1967 : f32 to vector<32x512xf32>
    %mul3A_1969 = arith.mulf %mul3A_1968, %tanh3A_1966 : vector<32x512xf32>
    %add3A_1970 = arith.constant 5.000000e-01 : f32
    %add3A_1971 = vector.broadcast %add3A_1970 : f32 to vector<32x512xf32>
    %add3A_1972 = arith.addf %mul3A_1969, %add3A_1971 : vector<32x512xf32>
    %slice3A_1973 = vector.extract_strided_slice %add3A_1950 {offsets = [0, 1024], sizes = [32, 512], strides = [1, 1]} : vector<32x2048xf32> to vector<32x512xf32>
    %tanh3A_1974 = math.tanh %slice3A_1973 : vector<32x512xf32>
    %slice3A_1975 = vector.extract_strided_slice %add3A_1950 {offsets = [0, 1536], sizes = [32, 512], strides = [1, 1]} : vector<32x2048xf32> to vector<32x512xf32>
    %mul3A_1976 = arith.constant 5.000000e-01 : f32
    %mul3A_1977 = vector.broadcast %mul3A_1976 : f32 to vector<32x512xf32>
    %mul3A_1978 = arith.mulf %mul3A_1977, %slice3A_1975 : vector<32x512xf32>
    %tanh3A_1979 = math.tanh %mul3A_1978 : vector<32x512xf32>
    %mul3A_1980 = arith.constant 5.000000e-01 : f32
    %mul3A_1981 = vector.broadcast %mul3A_1980 : f32 to vector<32x512xf32>
    %mul3A_1982 = arith.mulf %mul3A_1981, %tanh3A_1979 : vector<32x512xf32>
    %add3A_1983 = arith.constant 5.000000e-01 : f32
    %add3A_1984 = vector.broadcast %add3A_1983 : f32 to vector<32x512xf32>
    %add3A_1985 = arith.addf %mul3A_1982, %add3A_1984 : vector<32x512xf32>
    %mul3A_1986 = arith.mulf %add3A_1972, %add3A_1940 : vector<32x512xf32>
    %mul3A_1987 = arith.mulf %add3A_1961, %tanh3A_1974 : vector<32x512xf32>
    %add3A_1988 = arith.addf %mul3A_1986, %mul3A_1987 : vector<32x512xf32>
    %tanh3A_1989 = math.tanh %add3A_1988 : vector<32x512xf32>
    %mul3A_1990 = arith.mulf %add3A_1985, %tanh3A_1989 : vector<32x512xf32>
    %max3A_1991 = arith.maximumf %max3A_1943, %mul3A_1990 : vector<32x512xf32>
    %get3A_1992 = arith.constant 1312 : index
    %get3A_1993 = arith.constant 0 : index
    %get3A_1994 = vector.load %arg8[%get3A_1992, %get3A_1993] : memref<2048x2048xf32, #tpu.memory_space<vmem>>, vector<32x2048xf32>
    %convert_element_type3A_1995 = arith.truncf %mul3A_1990 : vector<32x512xf32> to vector<32x512xbf16>
    %dot_general3A_1996 = arith.constant dense<0.000000e+00> : vector<32x2048xf32>
    %dot_general3A_1997 = tpu.matmul %convert_element_type3A_1995, %get3A_27, %dot_general3A_1996 {dimension_numbers = #tpu.dot_dimension_numbers<[1], [0], [0], [1], [0, 0, 1, 1], [], []>, transpose_lhs_hint = false} : vector<32x512xbf16>, vector<512x2048xbf16>, vector<32x2048xf32> -> vector<32x2048xf32>
    %add3A_1998 = arith.addf %get3A_1994, %dot_general3A_1997 : vector<32x2048xf32>
    %slice3A_1999 = vector.extract_strided_slice %add3A_1998 {offsets = [0, 0], sizes = [32, 512], strides = [1, 1]} : vector<32x2048xf32> to vector<32x512xf32>
    %mul3A_2000 = arith.constant 5.000000e-01 : f32
    %mul3A_2001 = vector.broadcast %mul3A_2000 : f32 to vector<32x512xf32>
    %mul3A_2002 = arith.mulf %mul3A_2001, %slice3A_1999 : vector<32x512xf32>
    %tanh3A_2003 = math.tanh %mul3A_2002 : vector<32x512xf32>
    %mul3A_2004 = arith.constant 5.000000e-01 : f32
    %mul3A_2005 = vector.broadcast %mul3A_2004 : f32 to vector<32x512xf32>
    %mul3A_2006 = arith.mulf %mul3A_2005, %tanh3A_2003 : vector<32x512xf32>
    %add3A_2007 = arith.constant 5.000000e-01 : f32
    %add3A_2008 = vector.broadcast %add3A_2007 : f32 to vector<32x512xf32>
    %add3A_2009 = arith.addf %mul3A_2006, %add3A_2008 : vector<32x512xf32>
    %slice3A_2010 = vector.extract_strided_slice %add3A_1998 {offsets = [0, 512], sizes = [32, 512], strides = [1, 1]} : vector<32x2048xf32> to vector<32x512xf32>
    %mul3A_2011 = arith.constant 5.000000e-01 : f32
    %mul3A_2012 = vector.broadcast %mul3A_2011 : f32 to vector<32x512xf32>
    %mul3A_2013 = arith.mulf %mul3A_2012, %slice3A_2010 : vector<32x512xf32>
    %tanh3A_2014 = math.tanh %mul3A_2013 : vector<32x512xf32>
    %mul3A_2015 = arith.constant 5.000000e-01 : f32
    %mul3A_2016 = vector.broadcast %mul3A_2015 : f32 to vector<32x512xf32>
    %mul3A_2017 = arith.mulf %mul3A_2016, %tanh3A_2014 : vector<32x512xf32>
    %add3A_2018 = arith.constant 5.000000e-01 : f32
    %add3A_2019 = vector.broadcast %add3A_2018 : f32 to vector<32x512xf32>
    %add3A_2020 = arith.addf %mul3A_2017, %add3A_2019 : vector<32x512xf32>
    %slice3A_2021 = vector.extract_strided_slice %add3A_1998 {offsets = [0, 1024], sizes = [32, 512], strides = [1, 1]} : vector<32x2048xf32> to vector<32x512xf32>
    %tanh3A_2022 = math.tanh %slice3A_2021 : vector<32x512xf32>
    %slice3A_2023 = vector.extract_strided_slice %add3A_1998 {offsets = [0, 1536], sizes = [32, 512], strides = [1, 1]} : vector<32x2048xf32> to vector<32x512xf32>
    %mul3A_2024 = arith.constant 5.000000e-01 : f32
    %mul3A_2025 = vector.broadcast %mul3A_2024 : f32 to vector<32x512xf32>
    %mul3A_2026 = arith.mulf %mul3A_2025, %slice3A_2023 : vector<32x512xf32>
    %tanh3A_2027 = math.tanh %mul3A_2026 : vector<32x512xf32>
    %mul3A_2028 = arith.constant 5.000000e-01 : f32
    %mul3A_2029 = vector.broadcast %mul3A_2028 : f32 to vector<32x512xf32>
    %mul3A_2030 = arith.mulf %mul3A_2029, %tanh3A_2027 : vector<32x512xf32>
    %add3A_2031 = arith.constant 5.000000e-01 : f32
    %add3A_2032 = vector.broadcast %add3A_2031 : f32 to vector<32x512xf32>
    %add3A_2033 = arith.addf %mul3A_2030, %add3A_2032 : vector<32x512xf32>
    %mul3A_2034 = arith.mulf %add3A_2020, %add3A_1988 : vector<32x512xf32>
    %mul3A_2035 = arith.mulf %add3A_2009, %tanh3A_2022 : vector<32x512xf32>
    %add3A_2036 = arith.addf %mul3A_2034, %mul3A_2035 : vector<32x512xf32>
    %tanh3A_2037 = math.tanh %add3A_2036 : vector<32x512xf32>
    %mul3A_2038 = arith.mulf %add3A_2033, %tanh3A_2037 : vector<32x512xf32>
    %max3A_2039 = arith.maximumf %max3A_1991, %mul3A_2038 : vector<32x512xf32>
    %get3A_2040 = arith.constant 1344 : index
    %get3A_2041 = arith.constant 0 : index
    %get3A_2042 = vector.load %arg8[%get3A_2040, %get3A_2041] : memref<2048x2048xf32, #tpu.memory_space<vmem>>, vector<32x2048xf32>
    %convert_element_type3A_2043 = arith.truncf %mul3A_2038 : vector<32x512xf32> to vector<32x512xbf16>
    %dot_general3A_2044 = arith.constant dense<0.000000e+00> : vector<32x2048xf32>
    %dot_general3A_2045 = tpu.matmul %convert_element_type3A_2043, %get3A_27, %dot_general3A_2044 {dimension_numbers = #tpu.dot_dimension_numbers<[1], [0], [0], [1], [0, 0, 1, 1], [], []>, transpose_lhs_hint = false} : vector<32x512xbf16>, vector<512x2048xbf16>, vector<32x2048xf32> -> vector<32x2048xf32>
    %add3A_2046 = arith.addf %get3A_2042, %dot_general3A_2045 : vector<32x2048xf32>
    %slice3A_2047 = vector.extract_strided_slice %add3A_2046 {offsets = [0, 0], sizes = [32, 512], strides = [1, 1]} : vector<32x2048xf32> to vector<32x512xf32>
    %mul3A_2048 = arith.constant 5.000000e-01 : f32
    %mul3A_2049 = vector.broadcast %mul3A_2048 : f32 to vector<32x512xf32>
    %mul3A_2050 = arith.mulf %mul3A_2049, %slice3A_2047 : vector<32x512xf32>
    %tanh3A_2051 = math.tanh %mul3A_2050 : vector<32x512xf32>
    %mul3A_2052 = arith.constant 5.000000e-01 : f32
    %mul3A_2053 = vector.broadcast %mul3A_2052 : f32 to vector<32x512xf32>
    %mul3A_2054 = arith.mulf %mul3A_2053, %tanh3A_2051 : vector<32x512xf32>
    %add3A_2055 = arith.constant 5.000000e-01 : f32
    %add3A_2056 = vector.broadcast %add3A_2055 : f32 to vector<32x512xf32>
    %add3A_2057 = arith.addf %mul3A_2054, %add3A_2056 : vector<32x512xf32>
    %slice3A_2058 = vector.extract_strided_slice %add3A_2046 {offsets = [0, 512], sizes = [32, 512], strides = [1, 1]} : vector<32x2048xf32> to vector<32x512xf32>
    %mul3A_2059 = arith.constant 5.000000e-01 : f32
    %mul3A_2060 = vector.broadcast %mul3A_2059 : f32 to vector<32x512xf32>
    %mul3A_2061 = arith.mulf %mul3A_2060, %slice3A_2058 : vector<32x512xf32>
    %tanh3A_2062 = math.tanh %mul3A_2061 : vector<32x512xf32>
    %mul3A_2063 = arith.constant 5.000000e-01 : f32
    %mul3A_2064 = vector.broadcast %mul3A_2063 : f32 to vector<32x512xf32>
    %mul3A_2065 = arith.mulf %mul3A_2064, %tanh3A_2062 : vector<32x512xf32>
    %add3A_2066 = arith.constant 5.000000e-01 : f32
    %add3A_2067 = vector.broadcast %add3A_2066 : f32 to vector<32x512xf32>
    %add3A_2068 = arith.addf %mul3A_2065, %add3A_2067 : vector<32x512xf32>
    %slice3A_2069 = vector.extract_strided_slice %add3A_2046 {offsets = [0, 1024], sizes = [32, 512], strides = [1, 1]} : vector<32x2048xf32> to vector<32x512xf32>
    %tanh3A_2070 = math.tanh %slice3A_2069 : vector<32x512xf32>
    %slice3A_2071 = vector.extract_strided_slice %add3A_2046 {offsets = [0, 1536], sizes = [32, 512], strides = [1, 1]} : vector<32x2048xf32> to vector<32x512xf32>
    %mul3A_2072 = arith.constant 5.000000e-01 : f32
    %mul3A_2073 = vector.broadcast %mul3A_2072 : f32 to vector<32x512xf32>
    %mul3A_2074 = arith.mulf %mul3A_2073, %slice3A_2071 : vector<32x512xf32>
    %tanh3A_2075 = math.tanh %mul3A_2074 : vector<32x512xf32>
    %mul3A_2076 = arith.constant 5.000000e-01 : f32
    %mul3A_2077 = vector.broadcast %mul3A_2076 : f32 to vector<32x512xf32>
    %mul3A_2078 = arith.mulf %mul3A_2077, %tanh3A_2075 : vector<32x512xf32>
    %add3A_2079 = arith.constant 5.000000e-01 : f32
    %add3A_2080 = vector.broadcast %add3A_2079 : f32 to vector<32x512xf32>
    %add3A_2081 = arith.addf %mul3A_2078, %add3A_2080 : vector<32x512xf32>
    %mul3A_2082 = arith.mulf %add3A_2068, %add3A_2036 : vector<32x512xf32>
    %mul3A_2083 = arith.mulf %add3A_2057, %tanh3A_2070 : vector<32x512xf32>
    %add3A_2084 = arith.addf %mul3A_2082, %mul3A_2083 : vector<32x512xf32>
    %tanh3A_2085 = math.tanh %add3A_2084 : vector<32x512xf32>
    %mul3A_2086 = arith.mulf %add3A_2081, %tanh3A_2085 : vector<32x512xf32>
    %max3A_2087 = arith.maximumf %max3A_2039, %mul3A_2086 : vector<32x512xf32>
    %get3A_2088 = arith.constant 1376 : index
    %get3A_2089 = arith.constant 0 : index
    %get3A_2090 = vector.load %arg8[%get3A_2088, %get3A_2089] : memref<2048x2048xf32, #tpu.memory_space<vmem>>, vector<32x2048xf32>
    %convert_element_type3A_2091 = arith.truncf %mul3A_2086 : vector<32x512xf32> to vector<32x512xbf16>
    %dot_general3A_2092 = arith.constant dense<0.000000e+00> : vector<32x2048xf32>
    %dot_general3A_2093 = tpu.matmul %convert_element_type3A_2091, %get3A_27, %dot_general3A_2092 {dimension_numbers = #tpu.dot_dimension_numbers<[1], [0], [0], [1], [0, 0, 1, 1], [], []>, transpose_lhs_hint = false} : vector<32x512xbf16>, vector<512x2048xbf16>, vector<32x2048xf32> -> vector<32x2048xf32>
    %add3A_2094 = arith.addf %get3A_2090, %dot_general3A_2093 : vector<32x2048xf32>
    %slice3A_2095 = vector.extract_strided_slice %add3A_2094 {offsets = [0, 0], sizes = [32, 512], strides = [1, 1]} : vector<32x2048xf32> to vector<32x512xf32>
    %mul3A_2096 = arith.constant 5.000000e-01 : f32
    %mul3A_2097 = vector.broadcast %mul3A_2096 : f32 to vector<32x512xf32>
    %mul3A_2098 = arith.mulf %mul3A_2097, %slice3A_2095 : vector<32x512xf32>
    %tanh3A_2099 = math.tanh %mul3A_2098 : vector<32x512xf32>
    %mul3A_2100 = arith.constant 5.000000e-01 : f32
    %mul3A_2101 = vector.broadcast %mul3A_2100 : f32 to vector<32x512xf32>
    %mul3A_2102 = arith.mulf %mul3A_2101, %tanh3A_2099 : vector<32x512xf32>
    %add3A_2103 = arith.constant 5.000000e-01 : f32
    %add3A_2104 = vector.broadcast %add3A_2103 : f32 to vector<32x512xf32>
    %add3A_2105 = arith.addf %mul3A_2102, %add3A_2104 : vector<32x512xf32>
    %slice3A_2106 = vector.extract_strided_slice %add3A_2094 {offsets = [0, 512], sizes = [32, 512], strides = [1, 1]} : vector<32x2048xf32> to vector<32x512xf32>
    %mul3A_2107 = arith.constant 5.000000e-01 : f32
    %mul3A_2108 = vector.broadcast %mul3A_2107 : f32 to vector<32x512xf32>
    %mul3A_2109 = arith.mulf %mul3A_2108, %slice3A_2106 : vector<32x512xf32>
    %tanh3A_2110 = math.tanh %mul3A_2109 : vector<32x512xf32>
    %mul3A_2111 = arith.constant 5.000000e-01 : f32
    %mul3A_2112 = vector.broadcast %mul3A_2111 : f32 to vector<32x512xf32>
    %mul3A_2113 = arith.mulf %mul3A_2112, %tanh3A_2110 : vector<32x512xf32>
    %add3A_2114 = arith.constant 5.000000e-01 : f32
    %add3A_2115 = vector.broadcast %add3A_2114 : f32 to vector<32x512xf32>
    %add3A_2116 = arith.addf %mul3A_2113, %add3A_2115 : vector<32x512xf32>
    %slice3A_2117 = vector.extract_strided_slice %add3A_2094 {offsets = [0, 1024], sizes = [32, 512], strides = [1, 1]} : vector<32x2048xf32> to vector<32x512xf32>
    %tanh3A_2118 = math.tanh %slice3A_2117 : vector<32x512xf32>
    %slice3A_2119 = vector.extract_strided_slice %add3A_2094 {offsets = [0, 1536], sizes = [32, 512], strides = [1, 1]} : vector<32x2048xf32> to vector<32x512xf32>
    %mul3A_2120 = arith.constant 5.000000e-01 : f32
    %mul3A_2121 = vector.broadcast %mul3A_2120 : f32 to vector<32x512xf32>
    %mul3A_2122 = arith.mulf %mul3A_2121, %slice3A_2119 : vector<32x512xf32>
    %tanh3A_2123 = math.tanh %mul3A_2122 : vector<32x512xf32>
    %mul3A_2124 = arith.constant 5.000000e-01 : f32
    %mul3A_2125 = vector.broadcast %mul3A_2124 : f32 to vector<32x512xf32>
    %mul3A_2126 = arith.mulf %mul3A_2125, %tanh3A_2123 : vector<32x512xf32>
    %add3A_2127 = arith.constant 5.000000e-01 : f32
    %add3A_2128 = vector.broadcast %add3A_2127 : f32 to vector<32x512xf32>
    %add3A_2129 = arith.addf %mul3A_2126, %add3A_2128 : vector<32x512xf32>
    %mul3A_2130 = arith.mulf %add3A_2116, %add3A_2084 : vector<32x512xf32>
    %mul3A_2131 = arith.mulf %add3A_2105, %tanh3A_2118 : vector<32x512xf32>
    %add3A_2132 = arith.addf %mul3A_2130, %mul3A_2131 : vector<32x512xf32>
    %tanh3A_2133 = math.tanh %add3A_2132 : vector<32x512xf32>
    %mul3A_2134 = arith.mulf %add3A_2129, %tanh3A_2133 : vector<32x512xf32>
    %max3A_2135 = arith.maximumf %max3A_2087, %mul3A_2134 : vector<32x512xf32>
    %get3A_2136 = arith.constant 1408 : index
    %get3A_2137 = arith.constant 0 : index
    %get3A_2138 = vector.load %arg8[%get3A_2136, %get3A_2137] : memref<2048x2048xf32, #tpu.memory_space<vmem>>, vector<32x2048xf32>
    %convert_element_type3A_2139 = arith.truncf %mul3A_2134 : vector<32x512xf32> to vector<32x512xbf16>
    %dot_general3A_2140 = arith.constant dense<0.000000e+00> : vector<32x2048xf32>
    %dot_general3A_2141 = tpu.matmul %convert_element_type3A_2139, %get3A_27, %dot_general3A_2140 {dimension_numbers = #tpu.dot_dimension_numbers<[1], [0], [0], [1], [0, 0, 1, 1], [], []>, transpose_lhs_hint = false} : vector<32x512xbf16>, vector<512x2048xbf16>, vector<32x2048xf32> -> vector<32x2048xf32>
    %add3A_2142 = arith.addf %get3A_2138, %dot_general3A_2141 : vector<32x2048xf32>
    %slice3A_2143 = vector.extract_strided_slice %add3A_2142 {offsets = [0, 0], sizes = [32, 512], strides = [1, 1]} : vector<32x2048xf32> to vector<32x512xf32>
    %mul3A_2144 = arith.constant 5.000000e-01 : f32
    %mul3A_2145 = vector.broadcast %mul3A_2144 : f32 to vector<32x512xf32>
    %mul3A_2146 = arith.mulf %mul3A_2145, %slice3A_2143 : vector<32x512xf32>
    %tanh3A_2147 = math.tanh %mul3A_2146 : vector<32x512xf32>
    %mul3A_2148 = arith.constant 5.000000e-01 : f32
    %mul3A_2149 = vector.broadcast %mul3A_2148 : f32 to vector<32x512xf32>
    %mul3A_2150 = arith.mulf %mul3A_2149, %tanh3A_2147 : vector<32x512xf32>
    %add3A_2151 = arith.constant 5.000000e-01 : f32
    %add3A_2152 = vector.broadcast %add3A_2151 : f32 to vector<32x512xf32>
    %add3A_2153 = arith.addf %mul3A_2150, %add3A_2152 : vector<32x512xf32>
    %slice3A_2154 = vector.extract_strided_slice %add3A_2142 {offsets = [0, 512], sizes = [32, 512], strides = [1, 1]} : vector<32x2048xf32> to vector<32x512xf32>
    %mul3A_2155 = arith.constant 5.000000e-01 : f32
    %mul3A_2156 = vector.broadcast %mul3A_2155 : f32 to vector<32x512xf32>
    %mul3A_2157 = arith.mulf %mul3A_2156, %slice3A_2154 : vector<32x512xf32>
    %tanh3A_2158 = math.tanh %mul3A_2157 : vector<32x512xf32>
    %mul3A_2159 = arith.constant 5.000000e-01 : f32
    %mul3A_2160 = vector.broadcast %mul3A_2159 : f32 to vector<32x512xf32>
    %mul3A_2161 = arith.mulf %mul3A_2160, %tanh3A_2158 : vector<32x512xf32>
    %add3A_2162 = arith.constant 5.000000e-01 : f32
    %add3A_2163 = vector.broadcast %add3A_2162 : f32 to vector<32x512xf32>
    %add3A_2164 = arith.addf %mul3A_2161, %add3A_2163 : vector<32x512xf32>
    %slice3A_2165 = vector.extract_strided_slice %add3A_2142 {offsets = [0, 1024], sizes = [32, 512], strides = [1, 1]} : vector<32x2048xf32> to vector<32x512xf32>
    %tanh3A_2166 = math.tanh %slice3A_2165 : vector<32x512xf32>
    %slice3A_2167 = vector.extract_strided_slice %add3A_2142 {offsets = [0, 1536], sizes = [32, 512], strides = [1, 1]} : vector<32x2048xf32> to vector<32x512xf32>
    %mul3A_2168 = arith.constant 5.000000e-01 : f32
    %mul3A_2169 = vector.broadcast %mul3A_2168 : f32 to vector<32x512xf32>
    %mul3A_2170 = arith.mulf %mul3A_2169, %slice3A_2167 : vector<32x512xf32>
    %tanh3A_2171 = math.tanh %mul3A_2170 : vector<32x512xf32>
    %mul3A_2172 = arith.constant 5.000000e-01 : f32
    %mul3A_2173 = vector.broadcast %mul3A_2172 : f32 to vector<32x512xf32>
    %mul3A_2174 = arith.mulf %mul3A_2173, %tanh3A_2171 : vector<32x512xf32>
    %add3A_2175 = arith.constant 5.000000e-01 : f32
    %add3A_2176 = vector.broadcast %add3A_2175 : f32 to vector<32x512xf32>
    %add3A_2177 = arith.addf %mul3A_2174, %add3A_2176 : vector<32x512xf32>
    %mul3A_2178 = arith.mulf %add3A_2164, %add3A_2132 : vector<32x512xf32>
    %mul3A_2179 = arith.mulf %add3A_2153, %tanh3A_2166 : vector<32x512xf32>
    %add3A_2180 = arith.addf %mul3A_2178, %mul3A_2179 : vector<32x512xf32>
    %tanh3A_2181 = math.tanh %add3A_2180 : vector<32x512xf32>
    %mul3A_2182 = arith.mulf %add3A_2177, %tanh3A_2181 : vector<32x512xf32>
    %max3A_2183 = arith.maximumf %max3A_2135, %mul3A_2182 : vector<32x512xf32>
    %get3A_2184 = arith.constant 1440 : index
    %get3A_2185 = arith.constant 0 : index
    %get3A_2186 = vector.load %arg8[%get3A_2184, %get3A_2185] : memref<2048x2048xf32, #tpu.memory_space<vmem>>, vector<32x2048xf32>
    %convert_element_type3A_2187 = arith.truncf %mul3A_2182 : vector<32x512xf32> to vector<32x512xbf16>
    %dot_general3A_2188 = arith.constant dense<0.000000e+00> : vector<32x2048xf32>
    %dot_general3A_2189 = tpu.matmul %convert_element_type3A_2187, %get3A_27, %dot_general3A_2188 {dimension_numbers = #tpu.dot_dimension_numbers<[1], [0], [0], [1], [0, 0, 1, 1], [], []>, transpose_lhs_hint = false} : vector<32x512xbf16>, vector<512x2048xbf16>, vector<32x2048xf32> -> vector<32x2048xf32>
    %add3A_2190 = arith.addf %get3A_2186, %dot_general3A_2189 : vector<32x2048xf32>
    %slice3A_2191 = vector.extract_strided_slice %add3A_2190 {offsets = [0, 0], sizes = [32, 512], strides = [1, 1]} : vector<32x2048xf32> to vector<32x512xf32>
    %mul3A_2192 = arith.constant 5.000000e-01 : f32
    %mul3A_2193 = vector.broadcast %mul3A_2192 : f32 to vector<32x512xf32>
    %mul3A_2194 = arith.mulf %mul3A_2193, %slice3A_2191 : vector<32x512xf32>
    %tanh3A_2195 = math.tanh %mul3A_2194 : vector<32x512xf32>
    %mul3A_2196 = arith.constant 5.000000e-01 : f32
    %mul3A_2197 = vector.broadcast %mul3A_2196 : f32 to vector<32x512xf32>
    %mul3A_2198 = arith.mulf %mul3A_2197, %tanh3A_2195 : vector<32x512xf32>
    %add3A_2199 = arith.constant 5.000000e-01 : f32
    %add3A_2200 = vector.broadcast %add3A_2199 : f32 to vector<32x512xf32>
    %add3A_2201 = arith.addf %mul3A_2198, %add3A_2200 : vector<32x512xf32>
    %slice3A_2202 = vector.extract_strided_slice %add3A_2190 {offsets = [0, 512], sizes = [32, 512], strides = [1, 1]} : vector<32x2048xf32> to vector<32x512xf32>
    %mul3A_2203 = arith.constant 5.000000e-01 : f32
    %mul3A_2204 = vector.broadcast %mul3A_2203 : f32 to vector<32x512xf32>
    %mul3A_2205 = arith.mulf %mul3A_2204, %slice3A_2202 : vector<32x512xf32>
    %tanh3A_2206 = math.tanh %mul3A_2205 : vector<32x512xf32>
    %mul3A_2207 = arith.constant 5.000000e-01 : f32
    %mul3A_2208 = vector.broadcast %mul3A_2207 : f32 to vector<32x512xf32>
    %mul3A_2209 = arith.mulf %mul3A_2208, %tanh3A_2206 : vector<32x512xf32>
    %add3A_2210 = arith.constant 5.000000e-01 : f32
    %add3A_2211 = vector.broadcast %add3A_2210 : f32 to vector<32x512xf32>
    %add3A_2212 = arith.addf %mul3A_2209, %add3A_2211 : vector<32x512xf32>
    %slice3A_2213 = vector.extract_strided_slice %add3A_2190 {offsets = [0, 1024], sizes = [32, 512], strides = [1, 1]} : vector<32x2048xf32> to vector<32x512xf32>
    %tanh3A_2214 = math.tanh %slice3A_2213 : vector<32x512xf32>
    %slice3A_2215 = vector.extract_strided_slice %add3A_2190 {offsets = [0, 1536], sizes = [32, 512], strides = [1, 1]} : vector<32x2048xf32> to vector<32x512xf32>
    %mul3A_2216 = arith.constant 5.000000e-01 : f32
    %mul3A_2217 = vector.broadcast %mul3A_2216 : f32 to vector<32x512xf32>
    %mul3A_2218 = arith.mulf %mul3A_2217, %slice3A_2215 : vector<32x512xf32>
    %tanh3A_2219 = math.tanh %mul3A_2218 : vector<32x512xf32>
    %mul3A_2220 = arith.constant 5.000000e-01 : f32
    %mul3A_2221 = vector.broadcast %mul3A_2220 : f32 to vector<32x512xf32>
    %mul3A_2222 = arith.mulf %mul3A_2221, %tanh3A_2219 : vector<32x512xf32>
    %add3A_2223 = arith.constant 5.000000e-01 : f32
    %add3A_2224 = vector.broadcast %add3A_2223 : f32 to vector<32x512xf32>
    %add3A_2225 = arith.addf %mul3A_2222, %add3A_2224 : vector<32x512xf32>
    %mul3A_2226 = arith.mulf %add3A_2212, %add3A_2180 : vector<32x512xf32>
    %mul3A_2227 = arith.mulf %add3A_2201, %tanh3A_2214 : vector<32x512xf32>
    %add3A_2228 = arith.addf %mul3A_2226, %mul3A_2227 : vector<32x512xf32>
    %tanh3A_2229 = math.tanh %add3A_2228 : vector<32x512xf32>
    %mul3A_2230 = arith.mulf %add3A_2225, %tanh3A_2229 : vector<32x512xf32>
    %max3A_2231 = arith.maximumf %max3A_2183, %mul3A_2230 : vector<32x512xf32>
    %get3A_2232 = arith.constant 1472 : index
    %get3A_2233 = arith.constant 0 : index
    %get3A_2234 = vector.load %arg8[%get3A_2232, %get3A_2233] : memref<2048x2048xf32, #tpu.memory_space<vmem>>, vector<32x2048xf32>
    %convert_element_type3A_2235 = arith.truncf %mul3A_2230 : vector<32x512xf32> to vector<32x512xbf16>
    %dot_general3A_2236 = arith.constant dense<0.000000e+00> : vector<32x2048xf32>
    %dot_general3A_2237 = tpu.matmul %convert_element_type3A_2235, %get3A_27, %dot_general3A_2236 {dimension_numbers = #tpu.dot_dimension_numbers<[1], [0], [0], [1], [0, 0, 1, 1], [], []>, transpose_lhs_hint = false} : vector<32x512xbf16>, vector<512x2048xbf16>, vector<32x2048xf32> -> vector<32x2048xf32>
    %add3A_2238 = arith.addf %get3A_2234, %dot_general3A_2237 : vector<32x2048xf32>
    %slice3A_2239 = vector.extract_strided_slice %add3A_2238 {offsets = [0, 0], sizes = [32, 512], strides = [1, 1]} : vector<32x2048xf32> to vector<32x512xf32>
    %mul3A_2240 = arith.constant 5.000000e-01 : f32
    %mul3A_2241 = vector.broadcast %mul3A_2240 : f32 to vector<32x512xf32>
    %mul3A_2242 = arith.mulf %mul3A_2241, %slice3A_2239 : vector<32x512xf32>
    %tanh3A_2243 = math.tanh %mul3A_2242 : vector<32x512xf32>
    %mul3A_2244 = arith.constant 5.000000e-01 : f32
    %mul3A_2245 = vector.broadcast %mul3A_2244 : f32 to vector<32x512xf32>
    %mul3A_2246 = arith.mulf %mul3A_2245, %tanh3A_2243 : vector<32x512xf32>
    %add3A_2247 = arith.constant 5.000000e-01 : f32
    %add3A_2248 = vector.broadcast %add3A_2247 : f32 to vector<32x512xf32>
    %add3A_2249 = arith.addf %mul3A_2246, %add3A_2248 : vector<32x512xf32>
    %slice3A_2250 = vector.extract_strided_slice %add3A_2238 {offsets = [0, 512], sizes = [32, 512], strides = [1, 1]} : vector<32x2048xf32> to vector<32x512xf32>
    %mul3A_2251 = arith.constant 5.000000e-01 : f32
    %mul3A_2252 = vector.broadcast %mul3A_2251 : f32 to vector<32x512xf32>
    %mul3A_2253 = arith.mulf %mul3A_2252, %slice3A_2250 : vector<32x512xf32>
    %tanh3A_2254 = math.tanh %mul3A_2253 : vector<32x512xf32>
    %mul3A_2255 = arith.constant 5.000000e-01 : f32
    %mul3A_2256 = vector.broadcast %mul3A_2255 : f32 to vector<32x512xf32>
    %mul3A_2257 = arith.mulf %mul3A_2256, %tanh3A_2254 : vector<32x512xf32>
    %add3A_2258 = arith.constant 5.000000e-01 : f32
    %add3A_2259 = vector.broadcast %add3A_2258 : f32 to vector<32x512xf32>
    %add3A_2260 = arith.addf %mul3A_2257, %add3A_2259 : vector<32x512xf32>
    %slice3A_2261 = vector.extract_strided_slice %add3A_2238 {offsets = [0, 1024], sizes = [32, 512], strides = [1, 1]} : vector<32x2048xf32> to vector<32x512xf32>
    %tanh3A_2262 = math.tanh %slice3A_2261 : vector<32x512xf32>
    %slice3A_2263 = vector.extract_strided_slice %add3A_2238 {offsets = [0, 1536], sizes = [32, 512], strides = [1, 1]} : vector<32x2048xf32> to vector<32x512xf32>
    %mul3A_2264 = arith.constant 5.000000e-01 : f32
    %mul3A_2265 = vector.broadcast %mul3A_2264 : f32 to vector<32x512xf32>
    %mul3A_2266 = arith.mulf %mul3A_2265, %slice3A_2263 : vector<32x512xf32>
    %tanh3A_2267 = math.tanh %mul3A_2266 : vector<32x512xf32>
    %mul3A_2268 = arith.constant 5.000000e-01 : f32
    %mul3A_2269 = vector.broadcast %mul3A_2268 : f32 to vector<32x512xf32>
    %mul3A_2270 = arith.mulf %mul3A_2269, %tanh3A_2267 : vector<32x512xf32>
    %add3A_2271 = arith.constant 5.000000e-01 : f32
    %add3A_2272 = vector.broadcast %add3A_2271 : f32 to vector<32x512xf32>
    %add3A_2273 = arith.addf %mul3A_2270, %add3A_2272 : vector<32x512xf32>
    %mul3A_2274 = arith.mulf %add3A_2260, %add3A_2228 : vector<32x512xf32>
    %mul3A_2275 = arith.mulf %add3A_2249, %tanh3A_2262 : vector<32x512xf32>
    %add3A_2276 = arith.addf %mul3A_2274, %mul3A_2275 : vector<32x512xf32>
    %tanh3A_2277 = math.tanh %add3A_2276 : vector<32x512xf32>
    %mul3A_2278 = arith.mulf %add3A_2273, %tanh3A_2277 : vector<32x512xf32>
    %max3A_2279 = arith.maximumf %max3A_2231, %mul3A_2278 : vector<32x512xf32>
    %get3A_2280 = arith.constant 1504 : index
    %get3A_2281 = arith.constant 0 : index
    %get3A_2282 = vector.load %arg8[%get3A_2280, %get3A_2281] : memref<2048x2048xf32, #tpu.memory_space<vmem>>, vector<32x2048xf32>
    %convert_element_type3A_2283 = arith.truncf %mul3A_2278 : vector<32x512xf32> to vector<32x512xbf16>
    %dot_general3A_2284 = arith.constant dense<0.000000e+00> : vector<32x2048xf32>
    %dot_general3A_2285 = tpu.matmul %convert_element_type3A_2283, %get3A_27, %dot_general3A_2284 {dimension_numbers = #tpu.dot_dimension_numbers<[1], [0], [0], [1], [0, 0, 1, 1], [], []>, transpose_lhs_hint = false} : vector<32x512xbf16>, vector<512x2048xbf16>, vector<32x2048xf32> -> vector<32x2048xf32>
    %add3A_2286 = arith.addf %get3A_2282, %dot_general3A_2285 : vector<32x2048xf32>
    %slice3A_2287 = vector.extract_strided_slice %add3A_2286 {offsets = [0, 0], sizes = [32, 512], strides = [1, 1]} : vector<32x2048xf32> to vector<32x512xf32>
    %mul3A_2288 = arith.constant 5.000000e-01 : f32
    %mul3A_2289 = vector.broadcast %mul3A_2288 : f32 to vector<32x512xf32>
    %mul3A_2290 = arith.mulf %mul3A_2289, %slice3A_2287 : vector<32x512xf32>
    %tanh3A_2291 = math.tanh %mul3A_2290 : vector<32x512xf32>
    %mul3A_2292 = arith.constant 5.000000e-01 : f32
    %mul3A_2293 = vector.broadcast %mul3A_2292 : f32 to vector<32x512xf32>
    %mul3A_2294 = arith.mulf %mul3A_2293, %tanh3A_2291 : vector<32x512xf32>
    %add3A_2295 = arith.constant 5.000000e-01 : f32
    %add3A_2296 = vector.broadcast %add3A_2295 : f32 to vector<32x512xf32>
    %add3A_2297 = arith.addf %mul3A_2294, %add3A_2296 : vector<32x512xf32>
    %slice3A_2298 = vector.extract_strided_slice %add3A_2286 {offsets = [0, 512], sizes = [32, 512], strides = [1, 1]} : vector<32x2048xf32> to vector<32x512xf32>
    %mul3A_2299 = arith.constant 5.000000e-01 : f32
    %mul3A_2300 = vector.broadcast %mul3A_2299 : f32 to vector<32x512xf32>
    %mul3A_2301 = arith.mulf %mul3A_2300, %slice3A_2298 : vector<32x512xf32>
    %tanh3A_2302 = math.tanh %mul3A_2301 : vector<32x512xf32>
    %mul3A_2303 = arith.constant 5.000000e-01 : f32
    %mul3A_2304 = vector.broadcast %mul3A_2303 : f32 to vector<32x512xf32>
    %mul3A_2305 = arith.mulf %mul3A_2304, %tanh3A_2302 : vector<32x512xf32>
    %add3A_2306 = arith.constant 5.000000e-01 : f32
    %add3A_2307 = vector.broadcast %add3A_2306 : f32 to vector<32x512xf32>
    %add3A_2308 = arith.addf %mul3A_2305, %add3A_2307 : vector<32x512xf32>
    %slice3A_2309 = vector.extract_strided_slice %add3A_2286 {offsets = [0, 1024], sizes = [32, 512], strides = [1, 1]} : vector<32x2048xf32> to vector<32x512xf32>
    %tanh3A_2310 = math.tanh %slice3A_2309 : vector<32x512xf32>
    %slice3A_2311 = vector.extract_strided_slice %add3A_2286 {offsets = [0, 1536], sizes = [32, 512], strides = [1, 1]} : vector<32x2048xf32> to vector<32x512xf32>
    %mul3A_2312 = arith.constant 5.000000e-01 : f32
    %mul3A_2313 = vector.broadcast %mul3A_2312 : f32 to vector<32x512xf32>
    %mul3A_2314 = arith.mulf %mul3A_2313, %slice3A_2311 : vector<32x512xf32>
    %tanh3A_2315 = math.tanh %mul3A_2314 : vector<32x512xf32>
    %mul3A_2316 = arith.constant 5.000000e-01 : f32
    %mul3A_2317 = vector.broadcast %mul3A_2316 : f32 to vector<32x512xf32>
    %mul3A_2318 = arith.mulf %mul3A_2317, %tanh3A_2315 : vector<32x512xf32>
    %add3A_2319 = arith.constant 5.000000e-01 : f32
    %add3A_2320 = vector.broadcast %add3A_2319 : f32 to vector<32x512xf32>
    %add3A_2321 = arith.addf %mul3A_2318, %add3A_2320 : vector<32x512xf32>
    %mul3A_2322 = arith.mulf %add3A_2308, %add3A_2276 : vector<32x512xf32>
    %mul3A_2323 = arith.mulf %add3A_2297, %tanh3A_2310 : vector<32x512xf32>
    %add3A_2324 = arith.addf %mul3A_2322, %mul3A_2323 : vector<32x512xf32>
    %tanh3A_2325 = math.tanh %add3A_2324 : vector<32x512xf32>
    %mul3A_2326 = arith.mulf %add3A_2321, %tanh3A_2325 : vector<32x512xf32>
    %max3A_2327 = arith.maximumf %max3A_2279, %mul3A_2326 : vector<32x512xf32>
    %get3A_2328 = arith.constant 1536 : index
    %get3A_2329 = arith.constant 0 : index
    %get3A_2330 = vector.load %arg8[%get3A_2328, %get3A_2329] : memref<2048x2048xf32, #tpu.memory_space<vmem>>, vector<32x2048xf32>
    %convert_element_type3A_2331 = arith.truncf %mul3A_2326 : vector<32x512xf32> to vector<32x512xbf16>
    %dot_general3A_2332 = arith.constant dense<0.000000e+00> : vector<32x2048xf32>
    %dot_general3A_2333 = tpu.matmul %convert_element_type3A_2331, %get3A_27, %dot_general3A_2332 {dimension_numbers = #tpu.dot_dimension_numbers<[1], [0], [0], [1], [0, 0, 1, 1], [], []>, transpose_lhs_hint = false} : vector<32x512xbf16>, vector<512x2048xbf16>, vector<32x2048xf32> -> vector<32x2048xf32>
    %add3A_2334 = arith.addf %get3A_2330, %dot_general3A_2333 : vector<32x2048xf32>
    %slice3A_2335 = vector.extract_strided_slice %add3A_2334 {offsets = [0, 0], sizes = [32, 512], strides = [1, 1]} : vector<32x2048xf32> to vector<32x512xf32>
    %mul3A_2336 = arith.constant 5.000000e-01 : f32
    %mul3A_2337 = vector.broadcast %mul3A_2336 : f32 to vector<32x512xf32>
    %mul3A_2338 = arith.mulf %mul3A_2337, %slice3A_2335 : vector<32x512xf32>
    %tanh3A_2339 = math.tanh %mul3A_2338 : vector<32x512xf32>
    %mul3A_2340 = arith.constant 5.000000e-01 : f32
    %mul3A_2341 = vector.broadcast %mul3A_2340 : f32 to vector<32x512xf32>
    %mul3A_2342 = arith.mulf %mul3A_2341, %tanh3A_2339 : vector<32x512xf32>
    %add3A_2343 = arith.constant 5.000000e-01 : f32
    %add3A_2344 = vector.broadcast %add3A_2343 : f32 to vector<32x512xf32>
    %add3A_2345 = arith.addf %mul3A_2342, %add3A_2344 : vector<32x512xf32>
    %slice3A_2346 = vector.extract_strided_slice %add3A_2334 {offsets = [0, 512], sizes = [32, 512], strides = [1, 1]} : vector<32x2048xf32> to vector<32x512xf32>
    %mul3A_2347 = arith.constant 5.000000e-01 : f32
    %mul3A_2348 = vector.broadcast %mul3A_2347 : f32 to vector<32x512xf32>
    %mul3A_2349 = arith.mulf %mul3A_2348, %slice3A_2346 : vector<32x512xf32>
    %tanh3A_2350 = math.tanh %mul3A_2349 : vector<32x512xf32>
    %mul3A_2351 = arith.constant 5.000000e-01 : f32
    %mul3A_2352 = vector.broadcast %mul3A_2351 : f32 to vector<32x512xf32>
    %mul3A_2353 = arith.mulf %mul3A_2352, %tanh3A_2350 : vector<32x512xf32>
    %add3A_2354 = arith.constant 5.000000e-01 : f32
    %add3A_2355 = vector.broadcast %add3A_2354 : f32 to vector<32x512xf32>
    %add3A_2356 = arith.addf %mul3A_2353, %add3A_2355 : vector<32x512xf32>
    %slice3A_2357 = vector.extract_strided_slice %add3A_2334 {offsets = [0, 1024], sizes = [32, 512], strides = [1, 1]} : vector<32x2048xf32> to vector<32x512xf32>
    %tanh3A_2358 = math.tanh %slice3A_2357 : vector<32x512xf32>
    %slice3A_2359 = vector.extract_strided_slice %add3A_2334 {offsets = [0, 1536], sizes = [32, 512], strides = [1, 1]} : vector<32x2048xf32> to vector<32x512xf32>
    %mul3A_2360 = arith.constant 5.000000e-01 : f32
    %mul3A_2361 = vector.broadcast %mul3A_2360 : f32 to vector<32x512xf32>
    %mul3A_2362 = arith.mulf %mul3A_2361, %slice3A_2359 : vector<32x512xf32>
    %tanh3A_2363 = math.tanh %mul3A_2362 : vector<32x512xf32>
    %mul3A_2364 = arith.constant 5.000000e-01 : f32
    %mul3A_2365 = vector.broadcast %mul3A_2364 : f32 to vector<32x512xf32>
    %mul3A_2366 = arith.mulf %mul3A_2365, %tanh3A_2363 : vector<32x512xf32>
    %add3A_2367 = arith.constant 5.000000e-01 : f32
    %add3A_2368 = vector.broadcast %add3A_2367 : f32 to vector<32x512xf32>
    %add3A_2369 = arith.addf %mul3A_2366, %add3A_2368 : vector<32x512xf32>
    %mul3A_2370 = arith.mulf %add3A_2356, %add3A_2324 : vector<32x512xf32>
    %mul3A_2371 = arith.mulf %add3A_2345, %tanh3A_2358 : vector<32x512xf32>
    %add3A_2372 = arith.addf %mul3A_2370, %mul3A_2371 : vector<32x512xf32>
    %tanh3A_2373 = math.tanh %add3A_2372 : vector<32x512xf32>
    %mul3A_2374 = arith.mulf %add3A_2369, %tanh3A_2373 : vector<32x512xf32>
    %max3A_2375 = arith.maximumf %max3A_2327, %mul3A_2374 : vector<32x512xf32>
    %get3A_2376 = arith.constant 1568 : index
    %get3A_2377 = arith.constant 0 : index
    %get3A_2378 = vector.load %arg8[%get3A_2376, %get3A_2377] : memref<2048x2048xf32, #tpu.memory_space<vmem>>, vector<32x2048xf32>
    %convert_element_type3A_2379 = arith.truncf %mul3A_2374 : vector<32x512xf32> to vector<32x512xbf16>
    %dot_general3A_2380 = arith.constant dense<0.000000e+00> : vector<32x2048xf32>
    %dot_general3A_2381 = tpu.matmul %convert_element_type3A_2379, %get3A_27, %dot_general3A_2380 {dimension_numbers = #tpu.dot_dimension_numbers<[1], [0], [0], [1], [0, 0, 1, 1], [], []>, transpose_lhs_hint = false} : vector<32x512xbf16>, vector<512x2048xbf16>, vector<32x2048xf32> -> vector<32x2048xf32>
    %add3A_2382 = arith.addf %get3A_2378, %dot_general3A_2381 : vector<32x2048xf32>
    %slice3A_2383 = vector.extract_strided_slice %add3A_2382 {offsets = [0, 0], sizes = [32, 512], strides = [1, 1]} : vector<32x2048xf32> to vector<32x512xf32>
    %mul3A_2384 = arith.constant 5.000000e-01 : f32
    %mul3A_2385 = vector.broadcast %mul3A_2384 : f32 to vector<32x512xf32>
    %mul3A_2386 = arith.mulf %mul3A_2385, %slice3A_2383 : vector<32x512xf32>
    %tanh3A_2387 = math.tanh %mul3A_2386 : vector<32x512xf32>
    %mul3A_2388 = arith.constant 5.000000e-01 : f32
    %mul3A_2389 = vector.broadcast %mul3A_2388 : f32 to vector<32x512xf32>
    %mul3A_2390 = arith.mulf %mul3A_2389, %tanh3A_2387 : vector<32x512xf32>
    %add3A_2391 = arith.constant 5.000000e-01 : f32
    %add3A_2392 = vector.broadcast %add3A_2391 : f32 to vector<32x512xf32>
    %add3A_2393 = arith.addf %mul3A_2390, %add3A_2392 : vector<32x512xf32>
    %slice3A_2394 = vector.extract_strided_slice %add3A_2382 {offsets = [0, 512], sizes = [32, 512], strides = [1, 1]} : vector<32x2048xf32> to vector<32x512xf32>
    %mul3A_2395 = arith.constant 5.000000e-01 : f32
    %mul3A_2396 = vector.broadcast %mul3A_2395 : f32 to vector<32x512xf32>
    %mul3A_2397 = arith.mulf %mul3A_2396, %slice3A_2394 : vector<32x512xf32>
    %tanh3A_2398 = math.tanh %mul3A_2397 : vector<32x512xf32>
    %mul3A_2399 = arith.constant 5.000000e-01 : f32
    %mul3A_2400 = vector.broadcast %mul3A_2399 : f32 to vector<32x512xf32>
    %mul3A_2401 = arith.mulf %mul3A_2400, %tanh3A_2398 : vector<32x512xf32>
    %add3A_2402 = arith.constant 5.000000e-01 : f32
    %add3A_2403 = vector.broadcast %add3A_2402 : f32 to vector<32x512xf32>
    %add3A_2404 = arith.addf %mul3A_2401, %add3A_2403 : vector<32x512xf32>
    %slice3A_2405 = vector.extract_strided_slice %add3A_2382 {offsets = [0, 1024], sizes = [32, 512], strides = [1, 1]} : vector<32x2048xf32> to vector<32x512xf32>
    %tanh3A_2406 = math.tanh %slice3A_2405 : vector<32x512xf32>
    %slice3A_2407 = vector.extract_strided_slice %add3A_2382 {offsets = [0, 1536], sizes = [32, 512], strides = [1, 1]} : vector<32x2048xf32> to vector<32x512xf32>
    %mul3A_2408 = arith.constant 5.000000e-01 : f32
    %mul3A_2409 = vector.broadcast %mul3A_2408 : f32 to vector<32x512xf32>
    %mul3A_2410 = arith.mulf %mul3A_2409, %slice3A_2407 : vector<32x512xf32>
    %tanh3A_2411 = math.tanh %mul3A_2410 : vector<32x512xf32>
    %mul3A_2412 = arith.constant 5.000000e-01 : f32
    %mul3A_2413 = vector.broadcast %mul3A_2412 : f32 to vector<32x512xf32>
    %mul3A_2414 = arith.mulf %mul3A_2413, %tanh3A_2411 : vector<32x512xf32>
    %add3A_2415 = arith.constant 5.000000e-01 : f32
    %add3A_2416 = vector.broadcast %add3A_2415 : f32 to vector<32x512xf32>
    %add3A_2417 = arith.addf %mul3A_2414, %add3A_2416 : vector<32x512xf32>
    %mul3A_2418 = arith.mulf %add3A_2404, %add3A_2372 : vector<32x512xf32>
    %mul3A_2419 = arith.mulf %add3A_2393, %tanh3A_2406 : vector<32x512xf32>
    %add3A_2420 = arith.addf %mul3A_2418, %mul3A_2419 : vector<32x512xf32>
    %tanh3A_2421 = math.tanh %add3A_2420 : vector<32x512xf32>
    %mul3A_2422 = arith.mulf %add3A_2417, %tanh3A_2421 : vector<32x512xf32>
    %max3A_2423 = arith.maximumf %max3A_2375, %mul3A_2422 : vector<32x512xf32>
    %get3A_2424 = arith.constant 1600 : index
    %get3A_2425 = arith.constant 0 : index
    %get3A_2426 = vector.load %arg8[%get3A_2424, %get3A_2425] : memref<2048x2048xf32, #tpu.memory_space<vmem>>, vector<32x2048xf32>
    %convert_element_type3A_2427 = arith.truncf %mul3A_2422 : vector<32x512xf32> to vector<32x512xbf16>
    %dot_general3A_2428 = arith.constant dense<0.000000e+00> : vector<32x2048xf32>
    %dot_general3A_2429 = tpu.matmul %convert_element_type3A_2427, %get3A_27, %dot_general3A_2428 {dimension_numbers = #tpu.dot_dimension_numbers<[1], [0], [0], [1], [0, 0, 1, 1], [], []>, transpose_lhs_hint = false} : vector<32x512xbf16>, vector<512x2048xbf16>, vector<32x2048xf32> -> vector<32x2048xf32>
    %add3A_2430 = arith.addf %get3A_2426, %dot_general3A_2429 : vector<32x2048xf32>
    %slice3A_2431 = vector.extract_strided_slice %add3A_2430 {offsets = [0, 0], sizes = [32, 512], strides = [1, 1]} : vector<32x2048xf32> to vector<32x512xf32>
    %mul3A_2432 = arith.constant 5.000000e-01 : f32
    %mul3A_2433 = vector.broadcast %mul3A_2432 : f32 to vector<32x512xf32>
    %mul3A_2434 = arith.mulf %mul3A_2433, %slice3A_2431 : vector<32x512xf32>
    %tanh3A_2435 = math.tanh %mul3A_2434 : vector<32x512xf32>
    %mul3A_2436 = arith.constant 5.000000e-01 : f32
    %mul3A_2437 = vector.broadcast %mul3A_2436 : f32 to vector<32x512xf32>
    %mul3A_2438 = arith.mulf %mul3A_2437, %tanh3A_2435 : vector<32x512xf32>
    %add3A_2439 = arith.constant 5.000000e-01 : f32
    %add3A_2440 = vector.broadcast %add3A_2439 : f32 to vector<32x512xf32>
    %add3A_2441 = arith.addf %mul3A_2438, %add3A_2440 : vector<32x512xf32>
    %slice3A_2442 = vector.extract_strided_slice %add3A_2430 {offsets = [0, 512], sizes = [32, 512], strides = [1, 1]} : vector<32x2048xf32> to vector<32x512xf32>
    %mul3A_2443 = arith.constant 5.000000e-01 : f32
    %mul3A_2444 = vector.broadcast %mul3A_2443 : f32 to vector<32x512xf32>
    %mul3A_2445 = arith.mulf %mul3A_2444, %slice3A_2442 : vector<32x512xf32>
    %tanh3A_2446 = math.tanh %mul3A_2445 : vector<32x512xf32>
    %mul3A_2447 = arith.constant 5.000000e-01 : f32
    %mul3A_2448 = vector.broadcast %mul3A_2447 : f32 to vector<32x512xf32>
    %mul3A_2449 = arith.mulf %mul3A_2448, %tanh3A_2446 : vector<32x512xf32>
    %add3A_2450 = arith.constant 5.000000e-01 : f32
    %add3A_2451 = vector.broadcast %add3A_2450 : f32 to vector<32x512xf32>
    %add3A_2452 = arith.addf %mul3A_2449, %add3A_2451 : vector<32x512xf32>
    %slice3A_2453 = vector.extract_strided_slice %add3A_2430 {offsets = [0, 1024], sizes = [32, 512], strides = [1, 1]} : vector<32x2048xf32> to vector<32x512xf32>
    %tanh3A_2454 = math.tanh %slice3A_2453 : vector<32x512xf32>
    %slice3A_2455 = vector.extract_strided_slice %add3A_2430 {offsets = [0, 1536], sizes = [32, 512], strides = [1, 1]} : vector<32x2048xf32> to vector<32x512xf32>
    %mul3A_2456 = arith.constant 5.000000e-01 : f32
    %mul3A_2457 = vector.broadcast %mul3A_2456 : f32 to vector<32x512xf32>
    %mul3A_2458 = arith.mulf %mul3A_2457, %slice3A_2455 : vector<32x512xf32>
    %tanh3A_2459 = math.tanh %mul3A_2458 : vector<32x512xf32>
    %mul3A_2460 = arith.constant 5.000000e-01 : f32
    %mul3A_2461 = vector.broadcast %mul3A_2460 : f32 to vector<32x512xf32>
    %mul3A_2462 = arith.mulf %mul3A_2461, %tanh3A_2459 : vector<32x512xf32>
    %add3A_2463 = arith.constant 5.000000e-01 : f32
    %add3A_2464 = vector.broadcast %add3A_2463 : f32 to vector<32x512xf32>
    %add3A_2465 = arith.addf %mul3A_2462, %add3A_2464 : vector<32x512xf32>
    %mul3A_2466 = arith.mulf %add3A_2452, %add3A_2420 : vector<32x512xf32>
    %mul3A_2467 = arith.mulf %add3A_2441, %tanh3A_2454 : vector<32x512xf32>
    %add3A_2468 = arith.addf %mul3A_2466, %mul3A_2467 : vector<32x512xf32>
    %tanh3A_2469 = math.tanh %add3A_2468 : vector<32x512xf32>
    %mul3A_2470 = arith.mulf %add3A_2465, %tanh3A_2469 : vector<32x512xf32>
    %max3A_2471 = arith.maximumf %max3A_2423, %mul3A_2470 : vector<32x512xf32>
    %get3A_2472 = arith.constant 1632 : index
    %get3A_2473 = arith.constant 0 : index
    %get3A_2474 = vector.load %arg8[%get3A_2472, %get3A_2473] : memref<2048x2048xf32, #tpu.memory_space<vmem>>, vector<32x2048xf32>
    %convert_element_type3A_2475 = arith.truncf %mul3A_2470 : vector<32x512xf32> to vector<32x512xbf16>
    %dot_general3A_2476 = arith.constant dense<0.000000e+00> : vector<32x2048xf32>
    %dot_general3A_2477 = tpu.matmul %convert_element_type3A_2475, %get3A_27, %dot_general3A_2476 {dimension_numbers = #tpu.dot_dimension_numbers<[1], [0], [0], [1], [0, 0, 1, 1], [], []>, transpose_lhs_hint = false} : vector<32x512xbf16>, vector<512x2048xbf16>, vector<32x2048xf32> -> vector<32x2048xf32>
    %add3A_2478 = arith.addf %get3A_2474, %dot_general3A_2477 : vector<32x2048xf32>
    %slice3A_2479 = vector.extract_strided_slice %add3A_2478 {offsets = [0, 0], sizes = [32, 512], strides = [1, 1]} : vector<32x2048xf32> to vector<32x512xf32>
    %mul3A_2480 = arith.constant 5.000000e-01 : f32
    %mul3A_2481 = vector.broadcast %mul3A_2480 : f32 to vector<32x512xf32>
    %mul3A_2482 = arith.mulf %mul3A_2481, %slice3A_2479 : vector<32x512xf32>
    %tanh3A_2483 = math.tanh %mul3A_2482 : vector<32x512xf32>
    %mul3A_2484 = arith.constant 5.000000e-01 : f32
    %mul3A_2485 = vector.broadcast %mul3A_2484 : f32 to vector<32x512xf32>
    %mul3A_2486 = arith.mulf %mul3A_2485, %tanh3A_2483 : vector<32x512xf32>
    %add3A_2487 = arith.constant 5.000000e-01 : f32
    %add3A_2488 = vector.broadcast %add3A_2487 : f32 to vector<32x512xf32>
    %add3A_2489 = arith.addf %mul3A_2486, %add3A_2488 : vector<32x512xf32>
    %slice3A_2490 = vector.extract_strided_slice %add3A_2478 {offsets = [0, 512], sizes = [32, 512], strides = [1, 1]} : vector<32x2048xf32> to vector<32x512xf32>
    %mul3A_2491 = arith.constant 5.000000e-01 : f32
    %mul3A_2492 = vector.broadcast %mul3A_2491 : f32 to vector<32x512xf32>
    %mul3A_2493 = arith.mulf %mul3A_2492, %slice3A_2490 : vector<32x512xf32>
    %tanh3A_2494 = math.tanh %mul3A_2493 : vector<32x512xf32>
    %mul3A_2495 = arith.constant 5.000000e-01 : f32
    %mul3A_2496 = vector.broadcast %mul3A_2495 : f32 to vector<32x512xf32>
    %mul3A_2497 = arith.mulf %mul3A_2496, %tanh3A_2494 : vector<32x512xf32>
    %add3A_2498 = arith.constant 5.000000e-01 : f32
    %add3A_2499 = vector.broadcast %add3A_2498 : f32 to vector<32x512xf32>
    %add3A_2500 = arith.addf %mul3A_2497, %add3A_2499 : vector<32x512xf32>
    %slice3A_2501 = vector.extract_strided_slice %add3A_2478 {offsets = [0, 1024], sizes = [32, 512], strides = [1, 1]} : vector<32x2048xf32> to vector<32x512xf32>
    %tanh3A_2502 = math.tanh %slice3A_2501 : vector<32x512xf32>
    %slice3A_2503 = vector.extract_strided_slice %add3A_2478 {offsets = [0, 1536], sizes = [32, 512], strides = [1, 1]} : vector<32x2048xf32> to vector<32x512xf32>
    %mul3A_2504 = arith.constant 5.000000e-01 : f32
    %mul3A_2505 = vector.broadcast %mul3A_2504 : f32 to vector<32x512xf32>
    %mul3A_2506 = arith.mulf %mul3A_2505, %slice3A_2503 : vector<32x512xf32>
    %tanh3A_2507 = math.tanh %mul3A_2506 : vector<32x512xf32>
    %mul3A_2508 = arith.constant 5.000000e-01 : f32
    %mul3A_2509 = vector.broadcast %mul3A_2508 : f32 to vector<32x512xf32>
    %mul3A_2510 = arith.mulf %mul3A_2509, %tanh3A_2507 : vector<32x512xf32>
    %add3A_2511 = arith.constant 5.000000e-01 : f32
    %add3A_2512 = vector.broadcast %add3A_2511 : f32 to vector<32x512xf32>
    %add3A_2513 = arith.addf %mul3A_2510, %add3A_2512 : vector<32x512xf32>
    %mul3A_2514 = arith.mulf %add3A_2500, %add3A_2468 : vector<32x512xf32>
    %mul3A_2515 = arith.mulf %add3A_2489, %tanh3A_2502 : vector<32x512xf32>
    %add3A_2516 = arith.addf %mul3A_2514, %mul3A_2515 : vector<32x512xf32>
    %tanh3A_2517 = math.tanh %add3A_2516 : vector<32x512xf32>
    %mul3A_2518 = arith.mulf %add3A_2513, %tanh3A_2517 : vector<32x512xf32>
    %max3A_2519 = arith.maximumf %max3A_2471, %mul3A_2518 : vector<32x512xf32>
    %get3A_2520 = arith.constant 1664 : index
    %get3A_2521 = arith.constant 0 : index
    %get3A_2522 = vector.load %arg8[%get3A_2520, %get3A_2521] : memref<2048x2048xf32, #tpu.memory_space<vmem>>, vector<32x2048xf32>
    %convert_element_type3A_2523 = arith.truncf %mul3A_2518 : vector<32x512xf32> to vector<32x512xbf16>
    %dot_general3A_2524 = arith.constant dense<0.000000e+00> : vector<32x2048xf32>
    %dot_general3A_2525 = tpu.matmul %convert_element_type3A_2523, %get3A_27, %dot_general3A_2524 {dimension_numbers = #tpu.dot_dimension_numbers<[1], [0], [0], [1], [0, 0, 1, 1], [], []>, transpose_lhs_hint = false} : vector<32x512xbf16>, vector<512x2048xbf16>, vector<32x2048xf32> -> vector<32x2048xf32>
    %add3A_2526 = arith.addf %get3A_2522, %dot_general3A_2525 : vector<32x2048xf32>
    %slice3A_2527 = vector.extract_strided_slice %add3A_2526 {offsets = [0, 0], sizes = [32, 512], strides = [1, 1]} : vector<32x2048xf32> to vector<32x512xf32>
    %mul3A_2528 = arith.constant 5.000000e-01 : f32
    %mul3A_2529 = vector.broadcast %mul3A_2528 : f32 to vector<32x512xf32>
    %mul3A_2530 = arith.mulf %mul3A_2529, %slice3A_2527 : vector<32x512xf32>
    %tanh3A_2531 = math.tanh %mul3A_2530 : vector<32x512xf32>
    %mul3A_2532 = arith.constant 5.000000e-01 : f32
    %mul3A_2533 = vector.broadcast %mul3A_2532 : f32 to vector<32x512xf32>
    %mul3A_2534 = arith.mulf %mul3A_2533, %tanh3A_2531 : vector<32x512xf32>
    %add3A_2535 = arith.constant 5.000000e-01 : f32
    %add3A_2536 = vector.broadcast %add3A_2535 : f32 to vector<32x512xf32>
    %add3A_2537 = arith.addf %mul3A_2534, %add3A_2536 : vector<32x512xf32>
    %slice3A_2538 = vector.extract_strided_slice %add3A_2526 {offsets = [0, 512], sizes = [32, 512], strides = [1, 1]} : vector<32x2048xf32> to vector<32x512xf32>
    %mul3A_2539 = arith.constant 5.000000e-01 : f32
    %mul3A_2540 = vector.broadcast %mul3A_2539 : f32 to vector<32x512xf32>
    %mul3A_2541 = arith.mulf %mul3A_2540, %slice3A_2538 : vector<32x512xf32>
    %tanh3A_2542 = math.tanh %mul3A_2541 : vector<32x512xf32>
    %mul3A_2543 = arith.constant 5.000000e-01 : f32
    %mul3A_2544 = vector.broadcast %mul3A_2543 : f32 to vector<32x512xf32>
    %mul3A_2545 = arith.mulf %mul3A_2544, %tanh3A_2542 : vector<32x512xf32>
    %add3A_2546 = arith.constant 5.000000e-01 : f32
    %add3A_2547 = vector.broadcast %add3A_2546 : f32 to vector<32x512xf32>
    %add3A_2548 = arith.addf %mul3A_2545, %add3A_2547 : vector<32x512xf32>
    %slice3A_2549 = vector.extract_strided_slice %add3A_2526 {offsets = [0, 1024], sizes = [32, 512], strides = [1, 1]} : vector<32x2048xf32> to vector<32x512xf32>
    %tanh3A_2550 = math.tanh %slice3A_2549 : vector<32x512xf32>
    %slice3A_2551 = vector.extract_strided_slice %add3A_2526 {offsets = [0, 1536], sizes = [32, 512], strides = [1, 1]} : vector<32x2048xf32> to vector<32x512xf32>
    %mul3A_2552 = arith.constant 5.000000e-01 : f32
    %mul3A_2553 = vector.broadcast %mul3A_2552 : f32 to vector<32x512xf32>
    %mul3A_2554 = arith.mulf %mul3A_2553, %slice3A_2551 : vector<32x512xf32>
    %tanh3A_2555 = math.tanh %mul3A_2554 : vector<32x512xf32>
    %mul3A_2556 = arith.constant 5.000000e-01 : f32
    %mul3A_2557 = vector.broadcast %mul3A_2556 : f32 to vector<32x512xf32>
    %mul3A_2558 = arith.mulf %mul3A_2557, %tanh3A_2555 : vector<32x512xf32>
    %add3A_2559 = arith.constant 5.000000e-01 : f32
    %add3A_2560 = vector.broadcast %add3A_2559 : f32 to vector<32x512xf32>
    %add3A_2561 = arith.addf %mul3A_2558, %add3A_2560 : vector<32x512xf32>
    %mul3A_2562 = arith.mulf %add3A_2548, %add3A_2516 : vector<32x512xf32>
    %mul3A_2563 = arith.mulf %add3A_2537, %tanh3A_2550 : vector<32x512xf32>
    %add3A_2564 = arith.addf %mul3A_2562, %mul3A_2563 : vector<32x512xf32>
    %tanh3A_2565 = math.tanh %add3A_2564 : vector<32x512xf32>
    %mul3A_2566 = arith.mulf %add3A_2561, %tanh3A_2565 : vector<32x512xf32>
    %max3A_2567 = arith.maximumf %max3A_2519, %mul3A_2566 : vector<32x512xf32>
    %get3A_2568 = arith.constant 1696 : index
    %get3A_2569 = arith.constant 0 : index
    %get3A_2570 = vector.load %arg8[%get3A_2568, %get3A_2569] : memref<2048x2048xf32, #tpu.memory_space<vmem>>, vector<32x2048xf32>
    %convert_element_type3A_2571 = arith.truncf %mul3A_2566 : vector<32x512xf32> to vector<32x512xbf16>
    %dot_general3A_2572 = arith.constant dense<0.000000e+00> : vector<32x2048xf32>
    %dot_general3A_2573 = tpu.matmul %convert_element_type3A_2571, %get3A_27, %dot_general3A_2572 {dimension_numbers = #tpu.dot_dimension_numbers<[1], [0], [0], [1], [0, 0, 1, 1], [], []>, transpose_lhs_hint = false} : vector<32x512xbf16>, vector<512x2048xbf16>, vector<32x2048xf32> -> vector<32x2048xf32>
    %add3A_2574 = arith.addf %get3A_2570, %dot_general3A_2573 : vector<32x2048xf32>
    %slice3A_2575 = vector.extract_strided_slice %add3A_2574 {offsets = [0, 0], sizes = [32, 512], strides = [1, 1]} : vector<32x2048xf32> to vector<32x512xf32>
    %mul3A_2576 = arith.constant 5.000000e-01 : f32
    %mul3A_2577 = vector.broadcast %mul3A_2576 : f32 to vector<32x512xf32>
    %mul3A_2578 = arith.mulf %mul3A_2577, %slice3A_2575 : vector<32x512xf32>
    %tanh3A_2579 = math.tanh %mul3A_2578 : vector<32x512xf32>
    %mul3A_2580 = arith.constant 5.000000e-01 : f32
    %mul3A_2581 = vector.broadcast %mul3A_2580 : f32 to vector<32x512xf32>
    %mul3A_2582 = arith.mulf %mul3A_2581, %tanh3A_2579 : vector<32x512xf32>
    %add3A_2583 = arith.constant 5.000000e-01 : f32
    %add3A_2584 = vector.broadcast %add3A_2583 : f32 to vector<32x512xf32>
    %add3A_2585 = arith.addf %mul3A_2582, %add3A_2584 : vector<32x512xf32>
    %slice3A_2586 = vector.extract_strided_slice %add3A_2574 {offsets = [0, 512], sizes = [32, 512], strides = [1, 1]} : vector<32x2048xf32> to vector<32x512xf32>
    %mul3A_2587 = arith.constant 5.000000e-01 : f32
    %mul3A_2588 = vector.broadcast %mul3A_2587 : f32 to vector<32x512xf32>
    %mul3A_2589 = arith.mulf %mul3A_2588, %slice3A_2586 : vector<32x512xf32>
    %tanh3A_2590 = math.tanh %mul3A_2589 : vector<32x512xf32>
    %mul3A_2591 = arith.constant 5.000000e-01 : f32
    %mul3A_2592 = vector.broadcast %mul3A_2591 : f32 to vector<32x512xf32>
    %mul3A_2593 = arith.mulf %mul3A_2592, %tanh3A_2590 : vector<32x512xf32>
    %add3A_2594 = arith.constant 5.000000e-01 : f32
    %add3A_2595 = vector.broadcast %add3A_2594 : f32 to vector<32x512xf32>
    %add3A_2596 = arith.addf %mul3A_2593, %add3A_2595 : vector<32x512xf32>
    %slice3A_2597 = vector.extract_strided_slice %add3A_2574 {offsets = [0, 1024], sizes = [32, 512], strides = [1, 1]} : vector<32x2048xf32> to vector<32x512xf32>
    %tanh3A_2598 = math.tanh %slice3A_2597 : vector<32x512xf32>
    %slice3A_2599 = vector.extract_strided_slice %add3A_2574 {offsets = [0, 1536], sizes = [32, 512], strides = [1, 1]} : vector<32x2048xf32> to vector<32x512xf32>
    %mul3A_2600 = arith.constant 5.000000e-01 : f32
    %mul3A_2601 = vector.broadcast %mul3A_2600 : f32 to vector<32x512xf32>
    %mul3A_2602 = arith.mulf %mul3A_2601, %slice3A_2599 : vector<32x512xf32>
    %tanh3A_2603 = math.tanh %mul3A_2602 : vector<32x512xf32>
    %mul3A_2604 = arith.constant 5.000000e-01 : f32
    %mul3A_2605 = vector.broadcast %mul3A_2604 : f32 to vector<32x512xf32>
    %mul3A_2606 = arith.mulf %mul3A_2605, %tanh3A_2603 : vector<32x512xf32>
    %add3A_2607 = arith.constant 5.000000e-01 : f32
    %add3A_2608 = vector.broadcast %add3A_2607 : f32 to vector<32x512xf32>
    %add3A_2609 = arith.addf %mul3A_2606, %add3A_2608 : vector<32x512xf32>
    %mul3A_2610 = arith.mulf %add3A_2596, %add3A_2564 : vector<32x512xf32>
    %mul3A_2611 = arith.mulf %add3A_2585, %tanh3A_2598 : vector<32x512xf32>
    %add3A_2612 = arith.addf %mul3A_2610, %mul3A_2611 : vector<32x512xf32>
    %tanh3A_2613 = math.tanh %add3A_2612 : vector<32x512xf32>
    %mul3A_2614 = arith.mulf %add3A_2609, %tanh3A_2613 : vector<32x512xf32>
    %max3A_2615 = arith.maximumf %max3A_2567, %mul3A_2614 : vector<32x512xf32>
    %get3A_2616 = arith.constant 1728 : index
    %get3A_2617 = arith.constant 0 : index
    %get3A_2618 = vector.load %arg8[%get3A_2616, %get3A_2617] : memref<2048x2048xf32, #tpu.memory_space<vmem>>, vector<32x2048xf32>
    %convert_element_type3A_2619 = arith.truncf %mul3A_2614 : vector<32x512xf32> to vector<32x512xbf16>
    %dot_general3A_2620 = arith.constant dense<0.000000e+00> : vector<32x2048xf32>
    %dot_general3A_2621 = tpu.matmul %convert_element_type3A_2619, %get3A_27, %dot_general3A_2620 {dimension_numbers = #tpu.dot_dimension_numbers<[1], [0], [0], [1], [0, 0, 1, 1], [], []>, transpose_lhs_hint = false} : vector<32x512xbf16>, vector<512x2048xbf16>, vector<32x2048xf32> -> vector<32x2048xf32>
    %add3A_2622 = arith.addf %get3A_2618, %dot_general3A_2621 : vector<32x2048xf32>
    %slice3A_2623 = vector.extract_strided_slice %add3A_2622 {offsets = [0, 0], sizes = [32, 512], strides = [1, 1]} : vector<32x2048xf32> to vector<32x512xf32>
    %mul3A_2624 = arith.constant 5.000000e-01 : f32
    %mul3A_2625 = vector.broadcast %mul3A_2624 : f32 to vector<32x512xf32>
    %mul3A_2626 = arith.mulf %mul3A_2625, %slice3A_2623 : vector<32x512xf32>
    %tanh3A_2627 = math.tanh %mul3A_2626 : vector<32x512xf32>
    %mul3A_2628 = arith.constant 5.000000e-01 : f32
    %mul3A_2629 = vector.broadcast %mul3A_2628 : f32 to vector<32x512xf32>
    %mul3A_2630 = arith.mulf %mul3A_2629, %tanh3A_2627 : vector<32x512xf32>
    %add3A_2631 = arith.constant 5.000000e-01 : f32
    %add3A_2632 = vector.broadcast %add3A_2631 : f32 to vector<32x512xf32>
    %add3A_2633 = arith.addf %mul3A_2630, %add3A_2632 : vector<32x512xf32>
    %slice3A_2634 = vector.extract_strided_slice %add3A_2622 {offsets = [0, 512], sizes = [32, 512], strides = [1, 1]} : vector<32x2048xf32> to vector<32x512xf32>
    %mul3A_2635 = arith.constant 5.000000e-01 : f32
    %mul3A_2636 = vector.broadcast %mul3A_2635 : f32 to vector<32x512xf32>
    %mul3A_2637 = arith.mulf %mul3A_2636, %slice3A_2634 : vector<32x512xf32>
    %tanh3A_2638 = math.tanh %mul3A_2637 : vector<32x512xf32>
    %mul3A_2639 = arith.constant 5.000000e-01 : f32
    %mul3A_2640 = vector.broadcast %mul3A_2639 : f32 to vector<32x512xf32>
    %mul3A_2641 = arith.mulf %mul3A_2640, %tanh3A_2638 : vector<32x512xf32>
    %add3A_2642 = arith.constant 5.000000e-01 : f32
    %add3A_2643 = vector.broadcast %add3A_2642 : f32 to vector<32x512xf32>
    %add3A_2644 = arith.addf %mul3A_2641, %add3A_2643 : vector<32x512xf32>
    %slice3A_2645 = vector.extract_strided_slice %add3A_2622 {offsets = [0, 1024], sizes = [32, 512], strides = [1, 1]} : vector<32x2048xf32> to vector<32x512xf32>
    %tanh3A_2646 = math.tanh %slice3A_2645 : vector<32x512xf32>
    %slice3A_2647 = vector.extract_strided_slice %add3A_2622 {offsets = [0, 1536], sizes = [32, 512], strides = [1, 1]} : vector<32x2048xf32> to vector<32x512xf32>
    %mul3A_2648 = arith.constant 5.000000e-01 : f32
    %mul3A_2649 = vector.broadcast %mul3A_2648 : f32 to vector<32x512xf32>
    %mul3A_2650 = arith.mulf %mul3A_2649, %slice3A_2647 : vector<32x512xf32>
    %tanh3A_2651 = math.tanh %mul3A_2650 : vector<32x512xf32>
    %mul3A_2652 = arith.constant 5.000000e-01 : f32
    %mul3A_2653 = vector.broadcast %mul3A_2652 : f32 to vector<32x512xf32>
    %mul3A_2654 = arith.mulf %mul3A_2653, %tanh3A_2651 : vector<32x512xf32>
    %add3A_2655 = arith.constant 5.000000e-01 : f32
    %add3A_2656 = vector.broadcast %add3A_2655 : f32 to vector<32x512xf32>
    %add3A_2657 = arith.addf %mul3A_2654, %add3A_2656 : vector<32x512xf32>
    %mul3A_2658 = arith.mulf %add3A_2644, %add3A_2612 : vector<32x512xf32>
    %mul3A_2659 = arith.mulf %add3A_2633, %tanh3A_2646 : vector<32x512xf32>
    %add3A_2660 = arith.addf %mul3A_2658, %mul3A_2659 : vector<32x512xf32>
    %tanh3A_2661 = math.tanh %add3A_2660 : vector<32x512xf32>
    %mul3A_2662 = arith.mulf %add3A_2657, %tanh3A_2661 : vector<32x512xf32>
    %max3A_2663 = arith.maximumf %max3A_2615, %mul3A_2662 : vector<32x512xf32>
    %get3A_2664 = arith.constant 1760 : index
    %get3A_2665 = arith.constant 0 : index
    %get3A_2666 = vector.load %arg8[%get3A_2664, %get3A_2665] : memref<2048x2048xf32, #tpu.memory_space<vmem>>, vector<32x2048xf32>
    %convert_element_type3A_2667 = arith.truncf %mul3A_2662 : vector<32x512xf32> to vector<32x512xbf16>
    %dot_general3A_2668 = arith.constant dense<0.000000e+00> : vector<32x2048xf32>
    %dot_general3A_2669 = tpu.matmul %convert_element_type3A_2667, %get3A_27, %dot_general3A_2668 {dimension_numbers = #tpu.dot_dimension_numbers<[1], [0], [0], [1], [0, 0, 1, 1], [], []>, transpose_lhs_hint = false} : vector<32x512xbf16>, vector<512x2048xbf16>, vector<32x2048xf32> -> vector<32x2048xf32>
    %add3A_2670 = arith.addf %get3A_2666, %dot_general3A_2669 : vector<32x2048xf32>
    %slice3A_2671 = vector.extract_strided_slice %add3A_2670 {offsets = [0, 0], sizes = [32, 512], strides = [1, 1]} : vector<32x2048xf32> to vector<32x512xf32>
    %mul3A_2672 = arith.constant 5.000000e-01 : f32
    %mul3A_2673 = vector.broadcast %mul3A_2672 : f32 to vector<32x512xf32>
    %mul3A_2674 = arith.mulf %mul3A_2673, %slice3A_2671 : vector<32x512xf32>
    %tanh3A_2675 = math.tanh %mul3A_2674 : vector<32x512xf32>
    %mul3A_2676 = arith.constant 5.000000e-01 : f32
    %mul3A_2677 = vector.broadcast %mul3A_2676 : f32 to vector<32x512xf32>
    %mul3A_2678 = arith.mulf %mul3A_2677, %tanh3A_2675 : vector<32x512xf32>
    %add3A_2679 = arith.constant 5.000000e-01 : f32
    %add3A_2680 = vector.broadcast %add3A_2679 : f32 to vector<32x512xf32>
    %add3A_2681 = arith.addf %mul3A_2678, %add3A_2680 : vector<32x512xf32>
    %slice3A_2682 = vector.extract_strided_slice %add3A_2670 {offsets = [0, 512], sizes = [32, 512], strides = [1, 1]} : vector<32x2048xf32> to vector<32x512xf32>
    %mul3A_2683 = arith.constant 5.000000e-01 : f32
    %mul3A_2684 = vector.broadcast %mul3A_2683 : f32 to vector<32x512xf32>
    %mul3A_2685 = arith.mulf %mul3A_2684, %slice3A_2682 : vector<32x512xf32>
    %tanh3A_2686 = math.tanh %mul3A_2685 : vector<32x512xf32>
    %mul3A_2687 = arith.constant 5.000000e-01 : f32
    %mul3A_2688 = vector.broadcast %mul3A_2687 : f32 to vector<32x512xf32>
    %mul3A_2689 = arith.mulf %mul3A_2688, %tanh3A_2686 : vector<32x512xf32>
    %add3A_2690 = arith.constant 5.000000e-01 : f32
    %add3A_2691 = vector.broadcast %add3A_2690 : f32 to vector<32x512xf32>
    %add3A_2692 = arith.addf %mul3A_2689, %add3A_2691 : vector<32x512xf32>
    %slice3A_2693 = vector.extract_strided_slice %add3A_2670 {offsets = [0, 1024], sizes = [32, 512], strides = [1, 1]} : vector<32x2048xf32> to vector<32x512xf32>
    %tanh3A_2694 = math.tanh %slice3A_2693 : vector<32x512xf32>
    %slice3A_2695 = vector.extract_strided_slice %add3A_2670 {offsets = [0, 1536], sizes = [32, 512], strides = [1, 1]} : vector<32x2048xf32> to vector<32x512xf32>
    %mul3A_2696 = arith.constant 5.000000e-01 : f32
    %mul3A_2697 = vector.broadcast %mul3A_2696 : f32 to vector<32x512xf32>
    %mul3A_2698 = arith.mulf %mul3A_2697, %slice3A_2695 : vector<32x512xf32>
    %tanh3A_2699 = math.tanh %mul3A_2698 : vector<32x512xf32>
    %mul3A_2700 = arith.constant 5.000000e-01 : f32
    %mul3A_2701 = vector.broadcast %mul3A_2700 : f32 to vector<32x512xf32>
    %mul3A_2702 = arith.mulf %mul3A_2701, %tanh3A_2699 : vector<32x512xf32>
    %add3A_2703 = arith.constant 5.000000e-01 : f32
    %add3A_2704 = vector.broadcast %add3A_2703 : f32 to vector<32x512xf32>
    %add3A_2705 = arith.addf %mul3A_2702, %add3A_2704 : vector<32x512xf32>
    %mul3A_2706 = arith.mulf %add3A_2692, %add3A_2660 : vector<32x512xf32>
    %mul3A_2707 = arith.mulf %add3A_2681, %tanh3A_2694 : vector<32x512xf32>
    %add3A_2708 = arith.addf %mul3A_2706, %mul3A_2707 : vector<32x512xf32>
    %tanh3A_2709 = math.tanh %add3A_2708 : vector<32x512xf32>
    %mul3A_2710 = arith.mulf %add3A_2705, %tanh3A_2709 : vector<32x512xf32>
    %max3A_2711 = arith.maximumf %max3A_2663, %mul3A_2710 : vector<32x512xf32>
    %get3A_2712 = arith.constant 1792 : index
    %get3A_2713 = arith.constant 0 : index
    %get3A_2714 = vector.load %arg8[%get3A_2712, %get3A_2713] : memref<2048x2048xf32, #tpu.memory_space<vmem>>, vector<32x2048xf32>
    %convert_element_type3A_2715 = arith.truncf %mul3A_2710 : vector<32x512xf32> to vector<32x512xbf16>
    %dot_general3A_2716 = arith.constant dense<0.000000e+00> : vector<32x2048xf32>
    %dot_general3A_2717 = tpu.matmul %convert_element_type3A_2715, %get3A_27, %dot_general3A_2716 {dimension_numbers = #tpu.dot_dimension_numbers<[1], [0], [0], [1], [0, 0, 1, 1], [], []>, transpose_lhs_hint = false} : vector<32x512xbf16>, vector<512x2048xbf16>, vector<32x2048xf32> -> vector<32x2048xf32>
    %add3A_2718 = arith.addf %get3A_2714, %dot_general3A_2717 : vector<32x2048xf32>
    %slice3A_2719 = vector.extract_strided_slice %add3A_2718 {offsets = [0, 0], sizes = [32, 512], strides = [1, 1]} : vector<32x2048xf32> to vector<32x512xf32>
    %mul3A_2720 = arith.constant 5.000000e-01 : f32
    %mul3A_2721 = vector.broadcast %mul3A_2720 : f32 to vector<32x512xf32>
    %mul3A_2722 = arith.mulf %mul3A_2721, %slice3A_2719 : vector<32x512xf32>
    %tanh3A_2723 = math.tanh %mul3A_2722 : vector<32x512xf32>
    %mul3A_2724 = arith.constant 5.000000e-01 : f32
    %mul3A_2725 = vector.broadcast %mul3A_2724 : f32 to vector<32x512xf32>
    %mul3A_2726 = arith.mulf %mul3A_2725, %tanh3A_2723 : vector<32x512xf32>
    %add3A_2727 = arith.constant 5.000000e-01 : f32
    %add3A_2728 = vector.broadcast %add3A_2727 : f32 to vector<32x512xf32>
    %add3A_2729 = arith.addf %mul3A_2726, %add3A_2728 : vector<32x512xf32>
    %slice3A_2730 = vector.extract_strided_slice %add3A_2718 {offsets = [0, 512], sizes = [32, 512], strides = [1, 1]} : vector<32x2048xf32> to vector<32x512xf32>
    %mul3A_2731 = arith.constant 5.000000e-01 : f32
    %mul3A_2732 = vector.broadcast %mul3A_2731 : f32 to vector<32x512xf32>
    %mul3A_2733 = arith.mulf %mul3A_2732, %slice3A_2730 : vector<32x512xf32>
    %tanh3A_2734 = math.tanh %mul3A_2733 : vector<32x512xf32>
    %mul3A_2735 = arith.constant 5.000000e-01 : f32
    %mul3A_2736 = vector.broadcast %mul3A_2735 : f32 to vector<32x512xf32>
    %mul3A_2737 = arith.mulf %mul3A_2736, %tanh3A_2734 : vector<32x512xf32>
    %add3A_2738 = arith.constant 5.000000e-01 : f32
    %add3A_2739 = vector.broadcast %add3A_2738 : f32 to vector<32x512xf32>
    %add3A_2740 = arith.addf %mul3A_2737, %add3A_2739 : vector<32x512xf32>
    %slice3A_2741 = vector.extract_strided_slice %add3A_2718 {offsets = [0, 1024], sizes = [32, 512], strides = [1, 1]} : vector<32x2048xf32> to vector<32x512xf32>
    %tanh3A_2742 = math.tanh %slice3A_2741 : vector<32x512xf32>
    %slice3A_2743 = vector.extract_strided_slice %add3A_2718 {offsets = [0, 1536], sizes = [32, 512], strides = [1, 1]} : vector<32x2048xf32> to vector<32x512xf32>
    %mul3A_2744 = arith.constant 5.000000e-01 : f32
    %mul3A_2745 = vector.broadcast %mul3A_2744 : f32 to vector<32x512xf32>
    %mul3A_2746 = arith.mulf %mul3A_2745, %slice3A_2743 : vector<32x512xf32>
    %tanh3A_2747 = math.tanh %mul3A_2746 : vector<32x512xf32>
    %mul3A_2748 = arith.constant 5.000000e-01 : f32
    %mul3A_2749 = vector.broadcast %mul3A_2748 : f32 to vector<32x512xf32>
    %mul3A_2750 = arith.mulf %mul3A_2749, %tanh3A_2747 : vector<32x512xf32>
    %add3A_2751 = arith.constant 5.000000e-01 : f32
    %add3A_2752 = vector.broadcast %add3A_2751 : f32 to vector<32x512xf32>
    %add3A_2753 = arith.addf %mul3A_2750, %add3A_2752 : vector<32x512xf32>
    %mul3A_2754 = arith.mulf %add3A_2740, %add3A_2708 : vector<32x512xf32>
    %mul3A_2755 = arith.mulf %add3A_2729, %tanh3A_2742 : vector<32x512xf32>
    %add3A_2756 = arith.addf %mul3A_2754, %mul3A_2755 : vector<32x512xf32>
    %tanh3A_2757 = math.tanh %add3A_2756 : vector<32x512xf32>
    %mul3A_2758 = arith.mulf %add3A_2753, %tanh3A_2757 : vector<32x512xf32>
    %max3A_2759 = arith.maximumf %max3A_2711, %mul3A_2758 : vector<32x512xf32>
    %get3A_2760 = arith.constant 1824 : index
    %get3A_2761 = arith.constant 0 : index
    %get3A_2762 = vector.load %arg8[%get3A_2760, %get3A_2761] : memref<2048x2048xf32, #tpu.memory_space<vmem>>, vector<32x2048xf32>
    %convert_element_type3A_2763 = arith.truncf %mul3A_2758 : vector<32x512xf32> to vector<32x512xbf16>
    %dot_general3A_2764 = arith.constant dense<0.000000e+00> : vector<32x2048xf32>
    %dot_general3A_2765 = tpu.matmul %convert_element_type3A_2763, %get3A_27, %dot_general3A_2764 {dimension_numbers = #tpu.dot_dimension_numbers<[1], [0], [0], [1], [0, 0, 1, 1], [], []>, transpose_lhs_hint = false} : vector<32x512xbf16>, vector<512x2048xbf16>, vector<32x2048xf32> -> vector<32x2048xf32>
    %add3A_2766 = arith.addf %get3A_2762, %dot_general3A_2765 : vector<32x2048xf32>
    %slice3A_2767 = vector.extract_strided_slice %add3A_2766 {offsets = [0, 0], sizes = [32, 512], strides = [1, 1]} : vector<32x2048xf32> to vector<32x512xf32>
    %mul3A_2768 = arith.constant 5.000000e-01 : f32
    %mul3A_2769 = vector.broadcast %mul3A_2768 : f32 to vector<32x512xf32>
    %mul3A_2770 = arith.mulf %mul3A_2769, %slice3A_2767 : vector<32x512xf32>
    %tanh3A_2771 = math.tanh %mul3A_2770 : vector<32x512xf32>
    %mul3A_2772 = arith.constant 5.000000e-01 : f32
    %mul3A_2773 = vector.broadcast %mul3A_2772 : f32 to vector<32x512xf32>
    %mul3A_2774 = arith.mulf %mul3A_2773, %tanh3A_2771 : vector<32x512xf32>
    %add3A_2775 = arith.constant 5.000000e-01 : f32
    %add3A_2776 = vector.broadcast %add3A_2775 : f32 to vector<32x512xf32>
    %add3A_2777 = arith.addf %mul3A_2774, %add3A_2776 : vector<32x512xf32>
    %slice3A_2778 = vector.extract_strided_slice %add3A_2766 {offsets = [0, 512], sizes = [32, 512], strides = [1, 1]} : vector<32x2048xf32> to vector<32x512xf32>
    %mul3A_2779 = arith.constant 5.000000e-01 : f32
    %mul3A_2780 = vector.broadcast %mul3A_2779 : f32 to vector<32x512xf32>
    %mul3A_2781 = arith.mulf %mul3A_2780, %slice3A_2778 : vector<32x512xf32>
    %tanh3A_2782 = math.tanh %mul3A_2781 : vector<32x512xf32>
    %mul3A_2783 = arith.constant 5.000000e-01 : f32
    %mul3A_2784 = vector.broadcast %mul3A_2783 : f32 to vector<32x512xf32>
    %mul3A_2785 = arith.mulf %mul3A_2784, %tanh3A_2782 : vector<32x512xf32>
    %add3A_2786 = arith.constant 5.000000e-01 : f32
    %add3A_2787 = vector.broadcast %add3A_2786 : f32 to vector<32x512xf32>
    %add3A_2788 = arith.addf %mul3A_2785, %add3A_2787 : vector<32x512xf32>
    %slice3A_2789 = vector.extract_strided_slice %add3A_2766 {offsets = [0, 1024], sizes = [32, 512], strides = [1, 1]} : vector<32x2048xf32> to vector<32x512xf32>
    %tanh3A_2790 = math.tanh %slice3A_2789 : vector<32x512xf32>
    %slice3A_2791 = vector.extract_strided_slice %add3A_2766 {offsets = [0, 1536], sizes = [32, 512], strides = [1, 1]} : vector<32x2048xf32> to vector<32x512xf32>
    %mul3A_2792 = arith.constant 5.000000e-01 : f32
    %mul3A_2793 = vector.broadcast %mul3A_2792 : f32 to vector<32x512xf32>
    %mul3A_2794 = arith.mulf %mul3A_2793, %slice3A_2791 : vector<32x512xf32>
    %tanh3A_2795 = math.tanh %mul3A_2794 : vector<32x512xf32>
    %mul3A_2796 = arith.constant 5.000000e-01 : f32
    %mul3A_2797 = vector.broadcast %mul3A_2796 : f32 to vector<32x512xf32>
    %mul3A_2798 = arith.mulf %mul3A_2797, %tanh3A_2795 : vector<32x512xf32>
    %add3A_2799 = arith.constant 5.000000e-01 : f32
    %add3A_2800 = vector.broadcast %add3A_2799 : f32 to vector<32x512xf32>
    %add3A_2801 = arith.addf %mul3A_2798, %add3A_2800 : vector<32x512xf32>
    %mul3A_2802 = arith.mulf %add3A_2788, %add3A_2756 : vector<32x512xf32>
    %mul3A_2803 = arith.mulf %add3A_2777, %tanh3A_2790 : vector<32x512xf32>
    %add3A_2804 = arith.addf %mul3A_2802, %mul3A_2803 : vector<32x512xf32>
    %tanh3A_2805 = math.tanh %add3A_2804 : vector<32x512xf32>
    %mul3A_2806 = arith.mulf %add3A_2801, %tanh3A_2805 : vector<32x512xf32>
    %max3A_2807 = arith.maximumf %max3A_2759, %mul3A_2806 : vector<32x512xf32>
    %get3A_2808 = arith.constant 1856 : index
    %get3A_2809 = arith.constant 0 : index
    %get3A_2810 = vector.load %arg8[%get3A_2808, %get3A_2809] : memref<2048x2048xf32, #tpu.memory_space<vmem>>, vector<32x2048xf32>
    %convert_element_type3A_2811 = arith.truncf %mul3A_2806 : vector<32x512xf32> to vector<32x512xbf16>
    %dot_general3A_2812 = arith.constant dense<0.000000e+00> : vector<32x2048xf32>
    %dot_general3A_2813 = tpu.matmul %convert_element_type3A_2811, %get3A_27, %dot_general3A_2812 {dimension_numbers = #tpu.dot_dimension_numbers<[1], [0], [0], [1], [0, 0, 1, 1], [], []>, transpose_lhs_hint = false} : vector<32x512xbf16>, vector<512x2048xbf16>, vector<32x2048xf32> -> vector<32x2048xf32>
    %add3A_2814 = arith.addf %get3A_2810, %dot_general3A_2813 : vector<32x2048xf32>
    %slice3A_2815 = vector.extract_strided_slice %add3A_2814 {offsets = [0, 0], sizes = [32, 512], strides = [1, 1]} : vector<32x2048xf32> to vector<32x512xf32>
    %mul3A_2816 = arith.constant 5.000000e-01 : f32
    %mul3A_2817 = vector.broadcast %mul3A_2816 : f32 to vector<32x512xf32>
    %mul3A_2818 = arith.mulf %mul3A_2817, %slice3A_2815 : vector<32x512xf32>
    %tanh3A_2819 = math.tanh %mul3A_2818 : vector<32x512xf32>
    %mul3A_2820 = arith.constant 5.000000e-01 : f32
    %mul3A_2821 = vector.broadcast %mul3A_2820 : f32 to vector<32x512xf32>
    %mul3A_2822 = arith.mulf %mul3A_2821, %tanh3A_2819 : vector<32x512xf32>
    %add3A_2823 = arith.constant 5.000000e-01 : f32
    %add3A_2824 = vector.broadcast %add3A_2823 : f32 to vector<32x512xf32>
    %add3A_2825 = arith.addf %mul3A_2822, %add3A_2824 : vector<32x512xf32>
    %slice3A_2826 = vector.extract_strided_slice %add3A_2814 {offsets = [0, 512], sizes = [32, 512], strides = [1, 1]} : vector<32x2048xf32> to vector<32x512xf32>
    %mul3A_2827 = arith.constant 5.000000e-01 : f32
    %mul3A_2828 = vector.broadcast %mul3A_2827 : f32 to vector<32x512xf32>
    %mul3A_2829 = arith.mulf %mul3A_2828, %slice3A_2826 : vector<32x512xf32>
    %tanh3A_2830 = math.tanh %mul3A_2829 : vector<32x512xf32>
    %mul3A_2831 = arith.constant 5.000000e-01 : f32
    %mul3A_2832 = vector.broadcast %mul3A_2831 : f32 to vector<32x512xf32>
    %mul3A_2833 = arith.mulf %mul3A_2832, %tanh3A_2830 : vector<32x512xf32>
    %add3A_2834 = arith.constant 5.000000e-01 : f32
    %add3A_2835 = vector.broadcast %add3A_2834 : f32 to vector<32x512xf32>
    %add3A_2836 = arith.addf %mul3A_2833, %add3A_2835 : vector<32x512xf32>
    %slice3A_2837 = vector.extract_strided_slice %add3A_2814 {offsets = [0, 1024], sizes = [32, 512], strides = [1, 1]} : vector<32x2048xf32> to vector<32x512xf32>
    %tanh3A_2838 = math.tanh %slice3A_2837 : vector<32x512xf32>
    %slice3A_2839 = vector.extract_strided_slice %add3A_2814 {offsets = [0, 1536], sizes = [32, 512], strides = [1, 1]} : vector<32x2048xf32> to vector<32x512xf32>
    %mul3A_2840 = arith.constant 5.000000e-01 : f32
    %mul3A_2841 = vector.broadcast %mul3A_2840 : f32 to vector<32x512xf32>
    %mul3A_2842 = arith.mulf %mul3A_2841, %slice3A_2839 : vector<32x512xf32>
    %tanh3A_2843 = math.tanh %mul3A_2842 : vector<32x512xf32>
    %mul3A_2844 = arith.constant 5.000000e-01 : f32
    %mul3A_2845 = vector.broadcast %mul3A_2844 : f32 to vector<32x512xf32>
    %mul3A_2846 = arith.mulf %mul3A_2845, %tanh3A_2843 : vector<32x512xf32>
    %add3A_2847 = arith.constant 5.000000e-01 : f32
    %add3A_2848 = vector.broadcast %add3A_2847 : f32 to vector<32x512xf32>
    %add3A_2849 = arith.addf %mul3A_2846, %add3A_2848 : vector<32x512xf32>
    %mul3A_2850 = arith.mulf %add3A_2836, %add3A_2804 : vector<32x512xf32>
    %mul3A_2851 = arith.mulf %add3A_2825, %tanh3A_2838 : vector<32x512xf32>
    %add3A_2852 = arith.addf %mul3A_2850, %mul3A_2851 : vector<32x512xf32>
    %tanh3A_2853 = math.tanh %add3A_2852 : vector<32x512xf32>
    %mul3A_2854 = arith.mulf %add3A_2849, %tanh3A_2853 : vector<32x512xf32>
    %max3A_2855 = arith.maximumf %max3A_2807, %mul3A_2854 : vector<32x512xf32>
    %get3A_2856 = arith.constant 1888 : index
    %get3A_2857 = arith.constant 0 : index
    %get3A_2858 = vector.load %arg8[%get3A_2856, %get3A_2857] : memref<2048x2048xf32, #tpu.memory_space<vmem>>, vector<32x2048xf32>
    %convert_element_type3A_2859 = arith.truncf %mul3A_2854 : vector<32x512xf32> to vector<32x512xbf16>
    %dot_general3A_2860 = arith.constant dense<0.000000e+00> : vector<32x2048xf32>
    %dot_general3A_2861 = tpu.matmul %convert_element_type3A_2859, %get3A_27, %dot_general3A_2860 {dimension_numbers = #tpu.dot_dimension_numbers<[1], [0], [0], [1], [0, 0, 1, 1], [], []>, transpose_lhs_hint = false} : vector<32x512xbf16>, vector<512x2048xbf16>, vector<32x2048xf32> -> vector<32x2048xf32>
    %add3A_2862 = arith.addf %get3A_2858, %dot_general3A_2861 : vector<32x2048xf32>
    %slice3A_2863 = vector.extract_strided_slice %add3A_2862 {offsets = [0, 0], sizes = [32, 512], strides = [1, 1]} : vector<32x2048xf32> to vector<32x512xf32>
    %mul3A_2864 = arith.constant 5.000000e-01 : f32
    %mul3A_2865 = vector.broadcast %mul3A_2864 : f32 to vector<32x512xf32>
    %mul3A_2866 = arith.mulf %mul3A_2865, %slice3A_2863 : vector<32x512xf32>
    %tanh3A_2867 = math.tanh %mul3A_2866 : vector<32x512xf32>
    %mul3A_2868 = arith.constant 5.000000e-01 : f32
    %mul3A_2869 = vector.broadcast %mul3A_2868 : f32 to vector<32x512xf32>
    %mul3A_2870 = arith.mulf %mul3A_2869, %tanh3A_2867 : vector<32x512xf32>
    %add3A_2871 = arith.constant 5.000000e-01 : f32
    %add3A_2872 = vector.broadcast %add3A_2871 : f32 to vector<32x512xf32>
    %add3A_2873 = arith.addf %mul3A_2870, %add3A_2872 : vector<32x512xf32>
    %slice3A_2874 = vector.extract_strided_slice %add3A_2862 {offsets = [0, 512], sizes = [32, 512], strides = [1, 1]} : vector<32x2048xf32> to vector<32x512xf32>
    %mul3A_2875 = arith.constant 5.000000e-01 : f32
    %mul3A_2876 = vector.broadcast %mul3A_2875 : f32 to vector<32x512xf32>
    %mul3A_2877 = arith.mulf %mul3A_2876, %slice3A_2874 : vector<32x512xf32>
    %tanh3A_2878 = math.tanh %mul3A_2877 : vector<32x512xf32>
    %mul3A_2879 = arith.constant 5.000000e-01 : f32
    %mul3A_2880 = vector.broadcast %mul3A_2879 : f32 to vector<32x512xf32>
    %mul3A_2881 = arith.mulf %mul3A_2880, %tanh3A_2878 : vector<32x512xf32>
    %add3A_2882 = arith.constant 5.000000e-01 : f32
    %add3A_2883 = vector.broadcast %add3A_2882 : f32 to vector<32x512xf32>
    %add3A_2884 = arith.addf %mul3A_2881, %add3A_2883 : vector<32x512xf32>
    %slice3A_2885 = vector.extract_strided_slice %add3A_2862 {offsets = [0, 1024], sizes = [32, 512], strides = [1, 1]} : vector<32x2048xf32> to vector<32x512xf32>
    %tanh3A_2886 = math.tanh %slice3A_2885 : vector<32x512xf32>
    %slice3A_2887 = vector.extract_strided_slice %add3A_2862 {offsets = [0, 1536], sizes = [32, 512], strides = [1, 1]} : vector<32x2048xf32> to vector<32x512xf32>
    %mul3A_2888 = arith.constant 5.000000e-01 : f32
    %mul3A_2889 = vector.broadcast %mul3A_2888 : f32 to vector<32x512xf32>
    %mul3A_2890 = arith.mulf %mul3A_2889, %slice3A_2887 : vector<32x512xf32>
    %tanh3A_2891 = math.tanh %mul3A_2890 : vector<32x512xf32>
    %mul3A_2892 = arith.constant 5.000000e-01 : f32
    %mul3A_2893 = vector.broadcast %mul3A_2892 : f32 to vector<32x512xf32>
    %mul3A_2894 = arith.mulf %mul3A_2893, %tanh3A_2891 : vector<32x512xf32>
    %add3A_2895 = arith.constant 5.000000e-01 : f32
    %add3A_2896 = vector.broadcast %add3A_2895 : f32 to vector<32x512xf32>
    %add3A_2897 = arith.addf %mul3A_2894, %add3A_2896 : vector<32x512xf32>
    %mul3A_2898 = arith.mulf %add3A_2884, %add3A_2852 : vector<32x512xf32>
    %mul3A_2899 = arith.mulf %add3A_2873, %tanh3A_2886 : vector<32x512xf32>
    %add3A_2900 = arith.addf %mul3A_2898, %mul3A_2899 : vector<32x512xf32>
    %tanh3A_2901 = math.tanh %add3A_2900 : vector<32x512xf32>
    %mul3A_2902 = arith.mulf %add3A_2897, %tanh3A_2901 : vector<32x512xf32>
    %max3A_2903 = arith.maximumf %max3A_2855, %mul3A_2902 : vector<32x512xf32>
    %get3A_2904 = arith.constant 1920 : index
    %get3A_2905 = arith.constant 0 : index
    %get3A_2906 = vector.load %arg8[%get3A_2904, %get3A_2905] : memref<2048x2048xf32, #tpu.memory_space<vmem>>, vector<32x2048xf32>
    %convert_element_type3A_2907 = arith.truncf %mul3A_2902 : vector<32x512xf32> to vector<32x512xbf16>
    %dot_general3A_2908 = arith.constant dense<0.000000e+00> : vector<32x2048xf32>
    %dot_general3A_2909 = tpu.matmul %convert_element_type3A_2907, %get3A_27, %dot_general3A_2908 {dimension_numbers = #tpu.dot_dimension_numbers<[1], [0], [0], [1], [0, 0, 1, 1], [], []>, transpose_lhs_hint = false} : vector<32x512xbf16>, vector<512x2048xbf16>, vector<32x2048xf32> -> vector<32x2048xf32>
    %add3A_2910 = arith.addf %get3A_2906, %dot_general3A_2909 : vector<32x2048xf32>
    %slice3A_2911 = vector.extract_strided_slice %add3A_2910 {offsets = [0, 0], sizes = [32, 512], strides = [1, 1]} : vector<32x2048xf32> to vector<32x512xf32>
    %mul3A_2912 = arith.constant 5.000000e-01 : f32
    %mul3A_2913 = vector.broadcast %mul3A_2912 : f32 to vector<32x512xf32>
    %mul3A_2914 = arith.mulf %mul3A_2913, %slice3A_2911 : vector<32x512xf32>
    %tanh3A_2915 = math.tanh %mul3A_2914 : vector<32x512xf32>
    %mul3A_2916 = arith.constant 5.000000e-01 : f32
    %mul3A_2917 = vector.broadcast %mul3A_2916 : f32 to vector<32x512xf32>
    %mul3A_2918 = arith.mulf %mul3A_2917, %tanh3A_2915 : vector<32x512xf32>
    %add3A_2919 = arith.constant 5.000000e-01 : f32
    %add3A_2920 = vector.broadcast %add3A_2919 : f32 to vector<32x512xf32>
    %add3A_2921 = arith.addf %mul3A_2918, %add3A_2920 : vector<32x512xf32>
    %slice3A_2922 = vector.extract_strided_slice %add3A_2910 {offsets = [0, 512], sizes = [32, 512], strides = [1, 1]} : vector<32x2048xf32> to vector<32x512xf32>
    %mul3A_2923 = arith.constant 5.000000e-01 : f32
    %mul3A_2924 = vector.broadcast %mul3A_2923 : f32 to vector<32x512xf32>
    %mul3A_2925 = arith.mulf %mul3A_2924, %slice3A_2922 : vector<32x512xf32>
    %tanh3A_2926 = math.tanh %mul3A_2925 : vector<32x512xf32>
    %mul3A_2927 = arith.constant 5.000000e-01 : f32
    %mul3A_2928 = vector.broadcast %mul3A_2927 : f32 to vector<32x512xf32>
    %mul3A_2929 = arith.mulf %mul3A_2928, %tanh3A_2926 : vector<32x512xf32>
    %add3A_2930 = arith.constant 5.000000e-01 : f32
    %add3A_2931 = vector.broadcast %add3A_2930 : f32 to vector<32x512xf32>
    %add3A_2932 = arith.addf %mul3A_2929, %add3A_2931 : vector<32x512xf32>
    %slice3A_2933 = vector.extract_strided_slice %add3A_2910 {offsets = [0, 1024], sizes = [32, 512], strides = [1, 1]} : vector<32x2048xf32> to vector<32x512xf32>
    %tanh3A_2934 = math.tanh %slice3A_2933 : vector<32x512xf32>
    %slice3A_2935 = vector.extract_strided_slice %add3A_2910 {offsets = [0, 1536], sizes = [32, 512], strides = [1, 1]} : vector<32x2048xf32> to vector<32x512xf32>
    %mul3A_2936 = arith.constant 5.000000e-01 : f32
    %mul3A_2937 = vector.broadcast %mul3A_2936 : f32 to vector<32x512xf32>
    %mul3A_2938 = arith.mulf %mul3A_2937, %slice3A_2935 : vector<32x512xf32>
    %tanh3A_2939 = math.tanh %mul3A_2938 : vector<32x512xf32>
    %mul3A_2940 = arith.constant 5.000000e-01 : f32
    %mul3A_2941 = vector.broadcast %mul3A_2940 : f32 to vector<32x512xf32>
    %mul3A_2942 = arith.mulf %mul3A_2941, %tanh3A_2939 : vector<32x512xf32>
    %add3A_2943 = arith.constant 5.000000e-01 : f32
    %add3A_2944 = vector.broadcast %add3A_2943 : f32 to vector<32x512xf32>
    %add3A_2945 = arith.addf %mul3A_2942, %add3A_2944 : vector<32x512xf32>
    %mul3A_2946 = arith.mulf %add3A_2932, %add3A_2900 : vector<32x512xf32>
    %mul3A_2947 = arith.mulf %add3A_2921, %tanh3A_2934 : vector<32x512xf32>
    %add3A_2948 = arith.addf %mul3A_2946, %mul3A_2947 : vector<32x512xf32>
    %tanh3A_2949 = math.tanh %add3A_2948 : vector<32x512xf32>
    %mul3A_2950 = arith.mulf %add3A_2945, %tanh3A_2949 : vector<32x512xf32>
    %max3A_2951 = arith.maximumf %max3A_2903, %mul3A_2950 : vector<32x512xf32>
    %get3A_2952 = arith.constant 1952 : index
    %get3A_2953 = arith.constant 0 : index
    %get3A_2954 = vector.load %arg8[%get3A_2952, %get3A_2953] : memref<2048x2048xf32, #tpu.memory_space<vmem>>, vector<32x2048xf32>
    %convert_element_type3A_2955 = arith.truncf %mul3A_2950 : vector<32x512xf32> to vector<32x512xbf16>
    %dot_general3A_2956 = arith.constant dense<0.000000e+00> : vector<32x2048xf32>
    %dot_general3A_2957 = tpu.matmul %convert_element_type3A_2955, %get3A_27, %dot_general3A_2956 {dimension_numbers = #tpu.dot_dimension_numbers<[1], [0], [0], [1], [0, 0, 1, 1], [], []>, transpose_lhs_hint = false} : vector<32x512xbf16>, vector<512x2048xbf16>, vector<32x2048xf32> -> vector<32x2048xf32>
    %add3A_2958 = arith.addf %get3A_2954, %dot_general3A_2957 : vector<32x2048xf32>
    %slice3A_2959 = vector.extract_strided_slice %add3A_2958 {offsets = [0, 0], sizes = [32, 512], strides = [1, 1]} : vector<32x2048xf32> to vector<32x512xf32>
    %mul3A_2960 = arith.constant 5.000000e-01 : f32
    %mul3A_2961 = vector.broadcast %mul3A_2960 : f32 to vector<32x512xf32>
    %mul3A_2962 = arith.mulf %mul3A_2961, %slice3A_2959 : vector<32x512xf32>
    %tanh3A_2963 = math.tanh %mul3A_2962 : vector<32x512xf32>
    %mul3A_2964 = arith.constant 5.000000e-01 : f32
    %mul3A_2965 = vector.broadcast %mul3A_2964 : f32 to vector<32x512xf32>
    %mul3A_2966 = arith.mulf %mul3A_2965, %tanh3A_2963 : vector<32x512xf32>
    %add3A_2967 = arith.constant 5.000000e-01 : f32
    %add3A_2968 = vector.broadcast %add3A_2967 : f32 to vector<32x512xf32>
    %add3A_2969 = arith.addf %mul3A_2966, %add3A_2968 : vector<32x512xf32>
    %slice3A_2970 = vector.extract_strided_slice %add3A_2958 {offsets = [0, 512], sizes = [32, 512], strides = [1, 1]} : vector<32x2048xf32> to vector<32x512xf32>
    %mul3A_2971 = arith.constant 5.000000e-01 : f32
    %mul3A_2972 = vector.broadcast %mul3A_2971 : f32 to vector<32x512xf32>
    %mul3A_2973 = arith.mulf %mul3A_2972, %slice3A_2970 : vector<32x512xf32>
    %tanh3A_2974 = math.tanh %mul3A_2973 : vector<32x512xf32>
    %mul3A_2975 = arith.constant 5.000000e-01 : f32
    %mul3A_2976 = vector.broadcast %mul3A_2975 : f32 to vector<32x512xf32>
    %mul3A_2977 = arith.mulf %mul3A_2976, %tanh3A_2974 : vector<32x512xf32>
    %add3A_2978 = arith.constant 5.000000e-01 : f32
    %add3A_2979 = vector.broadcast %add3A_2978 : f32 to vector<32x512xf32>
    %add3A_2980 = arith.addf %mul3A_2977, %add3A_2979 : vector<32x512xf32>
    %slice3A_2981 = vector.extract_strided_slice %add3A_2958 {offsets = [0, 1024], sizes = [32, 512], strides = [1, 1]} : vector<32x2048xf32> to vector<32x512xf32>
    %tanh3A_2982 = math.tanh %slice3A_2981 : vector<32x512xf32>
    %slice3A_2983 = vector.extract_strided_slice %add3A_2958 {offsets = [0, 1536], sizes = [32, 512], strides = [1, 1]} : vector<32x2048xf32> to vector<32x512xf32>
    %mul3A_2984 = arith.constant 5.000000e-01 : f32
    %mul3A_2985 = vector.broadcast %mul3A_2984 : f32 to vector<32x512xf32>
    %mul3A_2986 = arith.mulf %mul3A_2985, %slice3A_2983 : vector<32x512xf32>
    %tanh3A_2987 = math.tanh %mul3A_2986 : vector<32x512xf32>
    %mul3A_2988 = arith.constant 5.000000e-01 : f32
    %mul3A_2989 = vector.broadcast %mul3A_2988 : f32 to vector<32x512xf32>
    %mul3A_2990 = arith.mulf %mul3A_2989, %tanh3A_2987 : vector<32x512xf32>
    %add3A_2991 = arith.constant 5.000000e-01 : f32
    %add3A_2992 = vector.broadcast %add3A_2991 : f32 to vector<32x512xf32>
    %add3A_2993 = arith.addf %mul3A_2990, %add3A_2992 : vector<32x512xf32>
    %mul3A_2994 = arith.mulf %add3A_2980, %add3A_2948 : vector<32x512xf32>
    %mul3A_2995 = arith.mulf %add3A_2969, %tanh3A_2982 : vector<32x512xf32>
    %add3A_2996 = arith.addf %mul3A_2994, %mul3A_2995 : vector<32x512xf32>
    %tanh3A_2997 = math.tanh %add3A_2996 : vector<32x512xf32>
    %mul3A_2998 = arith.mulf %add3A_2993, %tanh3A_2997 : vector<32x512xf32>
    %max3A_2999 = arith.maximumf %max3A_2951, %mul3A_2998 : vector<32x512xf32>
    %get3A_3000 = arith.constant 1984 : index
    %get3A_3001 = arith.constant 0 : index
    %get3A_3002 = vector.load %arg8[%get3A_3000, %get3A_3001] : memref<2048x2048xf32, #tpu.memory_space<vmem>>, vector<32x2048xf32>
    %convert_element_type3A_3003 = arith.truncf %mul3A_2998 : vector<32x512xf32> to vector<32x512xbf16>
    %dot_general3A_3004 = arith.constant dense<0.000000e+00> : vector<32x2048xf32>
    %dot_general3A_3005 = tpu.matmul %convert_element_type3A_3003, %get3A_27, %dot_general3A_3004 {dimension_numbers = #tpu.dot_dimension_numbers<[1], [0], [0], [1], [0, 0, 1, 1], [], []>, transpose_lhs_hint = false} : vector<32x512xbf16>, vector<512x2048xbf16>, vector<32x2048xf32> -> vector<32x2048xf32>
    %add3A_3006 = arith.addf %get3A_3002, %dot_general3A_3005 : vector<32x2048xf32>
    %slice3A_3007 = vector.extract_strided_slice %add3A_3006 {offsets = [0, 0], sizes = [32, 512], strides = [1, 1]} : vector<32x2048xf32> to vector<32x512xf32>
    %mul3A_3008 = arith.constant 5.000000e-01 : f32
    %mul3A_3009 = vector.broadcast %mul3A_3008 : f32 to vector<32x512xf32>
    %mul3A_3010 = arith.mulf %mul3A_3009, %slice3A_3007 : vector<32x512xf32>
    %tanh3A_3011 = math.tanh %mul3A_3010 : vector<32x512xf32>
    %mul3A_3012 = arith.constant 5.000000e-01 : f32
    %mul3A_3013 = vector.broadcast %mul3A_3012 : f32 to vector<32x512xf32>
    %mul3A_3014 = arith.mulf %mul3A_3013, %tanh3A_3011 : vector<32x512xf32>
    %add3A_3015 = arith.constant 5.000000e-01 : f32
    %add3A_3016 = vector.broadcast %add3A_3015 : f32 to vector<32x512xf32>
    %add3A_3017 = arith.addf %mul3A_3014, %add3A_3016 : vector<32x512xf32>
    %slice3A_3018 = vector.extract_strided_slice %add3A_3006 {offsets = [0, 512], sizes = [32, 512], strides = [1, 1]} : vector<32x2048xf32> to vector<32x512xf32>
    %mul3A_3019 = arith.constant 5.000000e-01 : f32
    %mul3A_3020 = vector.broadcast %mul3A_3019 : f32 to vector<32x512xf32>
    %mul3A_3021 = arith.mulf %mul3A_3020, %slice3A_3018 : vector<32x512xf32>
    %tanh3A_3022 = math.tanh %mul3A_3021 : vector<32x512xf32>
    %mul3A_3023 = arith.constant 5.000000e-01 : f32
    %mul3A_3024 = vector.broadcast %mul3A_3023 : f32 to vector<32x512xf32>
    %mul3A_3025 = arith.mulf %mul3A_3024, %tanh3A_3022 : vector<32x512xf32>
    %add3A_3026 = arith.constant 5.000000e-01 : f32
    %add3A_3027 = vector.broadcast %add3A_3026 : f32 to vector<32x512xf32>
    %add3A_3028 = arith.addf %mul3A_3025, %add3A_3027 : vector<32x512xf32>
    %slice3A_3029 = vector.extract_strided_slice %add3A_3006 {offsets = [0, 1024], sizes = [32, 512], strides = [1, 1]} : vector<32x2048xf32> to vector<32x512xf32>
    %tanh3A_3030 = math.tanh %slice3A_3029 : vector<32x512xf32>
    %slice3A_3031 = vector.extract_strided_slice %add3A_3006 {offsets = [0, 1536], sizes = [32, 512], strides = [1, 1]} : vector<32x2048xf32> to vector<32x512xf32>
    %mul3A_3032 = arith.constant 5.000000e-01 : f32
    %mul3A_3033 = vector.broadcast %mul3A_3032 : f32 to vector<32x512xf32>
    %mul3A_3034 = arith.mulf %mul3A_3033, %slice3A_3031 : vector<32x512xf32>
    %tanh3A_3035 = math.tanh %mul3A_3034 : vector<32x512xf32>
    %mul3A_3036 = arith.constant 5.000000e-01 : f32
    %mul3A_3037 = vector.broadcast %mul3A_3036 : f32 to vector<32x512xf32>
    %mul3A_3038 = arith.mulf %mul3A_3037, %tanh3A_3035 : vector<32x512xf32>
    %add3A_3039 = arith.constant 5.000000e-01 : f32
    %add3A_3040 = vector.broadcast %add3A_3039 : f32 to vector<32x512xf32>
    %add3A_3041 = arith.addf %mul3A_3038, %add3A_3040 : vector<32x512xf32>
    %mul3A_3042 = arith.mulf %add3A_3028, %add3A_2996 : vector<32x512xf32>
    %mul3A_3043 = arith.mulf %add3A_3017, %tanh3A_3030 : vector<32x512xf32>
    %add3A_3044 = arith.addf %mul3A_3042, %mul3A_3043 : vector<32x512xf32>
    %tanh3A_3045 = math.tanh %add3A_3044 : vector<32x512xf32>
    %mul3A_3046 = arith.mulf %add3A_3041, %tanh3A_3045 : vector<32x512xf32>
    %max3A_3047 = arith.maximumf %max3A_2999, %mul3A_3046 : vector<32x512xf32>
    %get3A_3048 = arith.constant 2016 : index
    %get3A_3049 = arith.constant 0 : index
    %get3A_3050 = vector.load %arg8[%get3A_3048, %get3A_3049] : memref<2048x2048xf32, #tpu.memory_space<vmem>>, vector<32x2048xf32>
    %convert_element_type3A_3051 = arith.truncf %mul3A_3046 : vector<32x512xf32> to vector<32x512xbf16>
    %dot_general3A_3052 = arith.constant dense<0.000000e+00> : vector<32x2048xf32>
    %dot_general3A_3053 = tpu.matmul %convert_element_type3A_3051, %get3A_27, %dot_general3A_3052 {dimension_numbers = #tpu.dot_dimension_numbers<[1], [0], [0], [1], [0, 0, 1, 1], [], []>, transpose_lhs_hint = false} : vector<32x512xbf16>, vector<512x2048xbf16>, vector<32x2048xf32> -> vector<32x2048xf32>
    %add3A_3054 = arith.addf %get3A_3050, %dot_general3A_3053 : vector<32x2048xf32>
    %slice3A_3055 = vector.extract_strided_slice %add3A_3054 {offsets = [0, 0], sizes = [32, 512], strides = [1, 1]} : vector<32x2048xf32> to vector<32x512xf32>
    %mul3A_3056 = arith.constant 5.000000e-01 : f32
    %mul3A_3057 = vector.broadcast %mul3A_3056 : f32 to vector<32x512xf32>
    %mul3A_3058 = arith.mulf %mul3A_3057, %slice3A_3055 : vector<32x512xf32>
    %tanh3A_3059 = math.tanh %mul3A_3058 : vector<32x512xf32>
    %mul3A_3060 = arith.constant 5.000000e-01 : f32
    %mul3A_3061 = vector.broadcast %mul3A_3060 : f32 to vector<32x512xf32>
    %mul3A_3062 = arith.mulf %mul3A_3061, %tanh3A_3059 : vector<32x512xf32>
    %add3A_3063 = arith.constant 5.000000e-01 : f32
    %add3A_3064 = vector.broadcast %add3A_3063 : f32 to vector<32x512xf32>
    %add3A_3065 = arith.addf %mul3A_3062, %add3A_3064 : vector<32x512xf32>
    %slice3A_3066 = vector.extract_strided_slice %add3A_3054 {offsets = [0, 512], sizes = [32, 512], strides = [1, 1]} : vector<32x2048xf32> to vector<32x512xf32>
    %mul3A_3067 = arith.constant 5.000000e-01 : f32
    %mul3A_3068 = vector.broadcast %mul3A_3067 : f32 to vector<32x512xf32>
    %mul3A_3069 = arith.mulf %mul3A_3068, %slice3A_3066 : vector<32x512xf32>
    %tanh3A_3070 = math.tanh %mul3A_3069 : vector<32x512xf32>
    %mul3A_3071 = arith.constant 5.000000e-01 : f32
    %mul3A_3072 = vector.broadcast %mul3A_3071 : f32 to vector<32x512xf32>
    %mul3A_3073 = arith.mulf %mul3A_3072, %tanh3A_3070 : vector<32x512xf32>
    %add3A_3074 = arith.constant 5.000000e-01 : f32
    %add3A_3075 = vector.broadcast %add3A_3074 : f32 to vector<32x512xf32>
    %add3A_3076 = arith.addf %mul3A_3073, %add3A_3075 : vector<32x512xf32>
    %slice3A_3077 = vector.extract_strided_slice %add3A_3054 {offsets = [0, 1024], sizes = [32, 512], strides = [1, 1]} : vector<32x2048xf32> to vector<32x512xf32>
    %tanh3A_3078 = math.tanh %slice3A_3077 : vector<32x512xf32>
    %slice3A_3079 = vector.extract_strided_slice %add3A_3054 {offsets = [0, 1536], sizes = [32, 512], strides = [1, 1]} : vector<32x2048xf32> to vector<32x512xf32>
    %mul3A_3080 = arith.constant 5.000000e-01 : f32
    %mul3A_3081 = vector.broadcast %mul3A_3080 : f32 to vector<32x512xf32>
    %mul3A_3082 = arith.mulf %mul3A_3081, %slice3A_3079 : vector<32x512xf32>
    %tanh3A_3083 = math.tanh %mul3A_3082 : vector<32x512xf32>
    %mul3A_3084 = arith.constant 5.000000e-01 : f32
    %mul3A_3085 = vector.broadcast %mul3A_3084 : f32 to vector<32x512xf32>
    %mul3A_3086 = arith.mulf %mul3A_3085, %tanh3A_3083 : vector<32x512xf32>
    %add3A_3087 = arith.constant 5.000000e-01 : f32
    %add3A_3088 = vector.broadcast %add3A_3087 : f32 to vector<32x512xf32>
    %add3A_3089 = arith.addf %mul3A_3086, %add3A_3088 : vector<32x512xf32>
    %mul3A_3090 = arith.mulf %add3A_3076, %add3A_3044 : vector<32x512xf32>
    %mul3A_3091 = arith.mulf %add3A_3065, %tanh3A_3078 : vector<32x512xf32>
    %add3A_3092 = arith.addf %mul3A_3090, %mul3A_3091 : vector<32x512xf32>
    %tanh3A_3093 = math.tanh %add3A_3092 : vector<32x512xf32>
    %mul3A_3094 = arith.mulf %add3A_3089, %tanh3A_3093 : vector<32x512xf32>
    %max3A_3095 = arith.maximumf %max3A_3047, %mul3A_3094 : vector<32x512xf32>
    %swap3A_3096 = arith.constant 0 : index
    %swap3A_3097 = arith.constant 0 : index
    %swap3A_3098 = vector.load %arg10[%swap3A_3096, %swap3A_3097] : memref<32x512xf32, #tpu.memory_space<vmem>>, vector<32x512xf32>
    tpu.vector_store %arg10[%swap3A_3096, %swap3A_3097], %add3A_3092 {strides = array<i32>} : memref<32x512xf32, #tpu.memory_space<vmem>>, vector<32x512xf32>,
    %swap3A_3099 = arith.constant 0 : index
    %swap3A_3100 = arith.constant 0 : index
    %swap3A_3101 = vector.load %arg9[%swap3A_3099, %swap3A_3100] : memref<32x512xf32, #tpu.memory_space<vmem>>, vector<32x512xf32>
    tpu.vector_store %arg9[%swap3A_3099, %swap3A_3100], %mul3A_3094 {strides = array<i32>} : memref<32x512xf32, #tpu.memory_space<vmem>>, vector<32x512xf32>,
    %swap3A_3102 = arith.constant 0 : index
    %swap3A_3103 = arith.constant 0 : index
    %swap3A_3104 = vector.load %arg11[%swap3A_3102, %swap3A_3103] : memref<32x512xf32, #tpu.memory_space<vmem>>, vector<32x512xf32>
    tpu.vector_store %arg11[%swap3A_3102, %swap3A_3103], %max3A_3095 {strides = array<i32>} : memref<32x512xf32, #tpu.memory_space<vmem>>, vector<32x512xf32>,
    %eq3A_3105 = arith.constant 1 : i32
    %eq3A_3106 = arith.cmpi eq, %arg0, %eq3A_3105 : i32
    %convert_element_type3A_3107 = arith.extui %eq3A_3106 : i1 to i32
    %cond3A_3108 = arith.constant 0 : i32
    %cond3A_3109 = arith.cmpi ne, %convert_element_type3A_3107, %cond3A_3108 : i32
    scf.if %cond3A_3109 {
      %get3A_3110 = arith.constant 0 : index
      %get3A_3111 = arith.constant 0 : index
      %get3A_3112 = vector.load %arg5[%get3A_3110, %get3A_3111] : memref<512x2xf32, #tpu.memory_space<vmem>>, vector<512x2xf32>
      %dot_general3A_3113 = arith.constant dense<0.000000e+00> : vector<32x2xf32>
      %dot_general3A_3114 = tpu.matmul %max3A_3095, %get3A_3112, %dot_general3A_3113 {dimension_numbers = #tpu.dot_dimension_numbers<[1], [0], [0], [1], [0, 0, 1, 1], [], []>, transpose_lhs_hint = false} : vector<32x512xf32>, vector<512x2xf32>, vector<32x2xf32> -> vector<32x2xf32>
      %get3A_3115 = arith.constant 0 : index
      %get3A_3116 = arith.constant 0 : index
      %get3A_3117 = vector.load %arg6[%get3A_3115, %get3A_3116] : memref<1x2xf32, #tpu.memory_space<vmem>>, vector<1x2xf32>
      %add3A_3118 = vector.broadcast %get3A_3117 : vector<1x2xf32> to vector<32x2xf32>
      %add3A_3119 = arith.addf %dot_general3A_3114, %add3A_3118 : vector<32x2xf32>
      %swap3A_3120 = arith.constant 0 : index
      %swap3A_3121 = arith.constant 0 : index
      %swap3A_3122 = vector.load %arg7[%swap3A_3120, %swap3A_3121] : memref<32x2xf32, #tpu.memory_space<vmem>>, vector<32x2xf32>
      tpu.vector_store %arg7[%swap3A_3120, %swap3A_3121], %add3A_3119 {strides = array<i32>} : memref<32x2xf32, #tpu.memory_space<vmem>>, vector<32x2xf32>,
    } else {
    }
    return
  }
  func.func @transform_0(%arg0: i32) -> (i32, i32, i32) {
    %c0_i32 = arith.constant 0 : i32
    %c0_i32_0 = arith.constant 0 : i32
    %c0_i32_1 = arith.constant 0 : i32
    return %arg0, %c0_i32, %c0_i32_0 : i32, i32, i32
  }
  func.func @transform_1(%arg0: i32) -> (i32, i32) {
    %c0_i32 = arith.constant 0 : i32
    %c0_i32_0 = arith.constant 0 : i32
    %c0_i32_1 = arith.constant 0 : i32
    return %c0_i32, %c0_i32_0 : i32, i32
  }
  func.func @transform_2(%arg0: i32) -> (i32, i32) {
    %c0_i32 = arith.constant 0 : i32
    %c0_i32_0 = arith.constant 0 : i32
    %c0_i32_1 = arith.constant 0 : i32
    return %c0_i32, %c0_i32_0 : i32, i32
  }
  func.func @transform_3(%arg0: i32) -> (i32, i32) {
    %c0_i32 = arith.constant 0 : i32
    %c0_i32_0 = arith.constant 0 : i32
    %c0_i32_1 = arith.constant 0 : i32
    return %c0_i32, %c0_i32_0 : i32, i32
  }
  func.func @transform_4(%arg0: i32) -> (i32, i32) {
    %c0_i32 = arith.constant 0 : i32
    %c0_i32_0 = arith.constant 0 : i32
    %c0_i32_1 = arith.constant 0 : i32
    return %c0_i32, %c0_i32_0 : i32, i32
  }
  func.func @transform_5(%arg0: i32) -> (i32, i32) {
    %c0_i32 = arith.constant 0 : i32
    %c0_i32_0 = arith.constant 0 : i32
    %c0_i32_1 = arith.constant 0 : i32
    return %c0_i32, %c0_i32_0 : i32, i32
  }
  func.func @transform_6(%arg0: i32) -> (i32, i32) {
    %c0_i32 = arith.constant 0 : i32
    %c0_i32_0 = arith.constant 0 : i32
    %c0_i32_1 = arith.constant 0 : i32
    return %c0_i32, %c0_i32_0 : i32, i32
  }
}

</mosaic_0001>

<sc_bundles>
// kernel: kernel.4.cloned.1.call-start
scs
__scs_entry_jumppad:
0x0: {  	(pc) =	sbr.rel $0x88, $3  }
0x1: {  	(tag) =	ssettag $0x0;
	lr =	simm.s32 $0x1  }
0x2: {  	[smem:$0x3F99] =	sst lr;
	_ =	strace $0xD0000000  }
0x3: {  	_ = 	snop  }
0x4: {  	_ = 	snop  }
0x5: {  	_ = 	snop  }
0x6: {  	_ = 	snop  }
0x7: {  	_ = 	snop  }
__scs_overlays_trampoline_lowered:
0x8: {  	[smem:$0x3FA8] =	sst s0  }
0x9: {  	[smem:$0x3FA9] =	sst s1  }
0xa: {  	[smem:$0x3FAA] =	sst s2  }
0xb: {  	[smem:$0x3FAB] =	sst s3  }
0xc: {  	[smem:$0x3FAC] =	sst s4  }
0xd: {  	[smem:$0x3FAD] =	sst s5  }
0xe: {  	[smem:$0x3FAE] =	sst s6  }
0xf: {  	[smem:$0x3FAF] =	sst s7  }
0x10: {  	[smem:$0x3FB0] =	sst s8  }
0x11: {  	[smem:$0x3FB1] =	sst s9;
	s0 =	simm.s32 @!p0 $0x0  }
0x12: {  	s1 =	sld [smem:$0x3F97];
	s0 =	simm.s32 @p0 $0x1  }
0x13: {  	[smem:$0x3FB2] =	sst s0;
	s0 =	simm.s32 @!p1 $0x0  }
0x14: {  	s2 =	sld [smem:$0x3F96];
	s0 =	simm.s32 @p1 $0x1  }
0x15: {  	[smem:$0x3FB3] =	sst s0;
	s0 =	simm.s32 @!p2 $0x0  }
0x16: {  	s3 =	sld [smem:$0x3FDB];
	s0 =	simm.s32 @p2 $0x1  }
0x17: {  	s4 =	simm.s32 $0x1BF5;
	[smem:$0x3FB5] =	sst s0  }
0x18: {  	s0 =	sld [smem:$0x3F98];
	_ =	swait.ge [sflag:s4], $0x0  }
0x19: {  	s7 =	sld [smem:$0x3F99]  }
0x1a: {  	s8 =	sadd.s32 $0xFFFFE003, lr  }
0x1b: {  	s9 =	sadd.s32 $0xFFFFFEF7, lr;
	s5 =	simm.s32 $0xFFFFFFFF;
	p2 =	slt.u32 s8, $0xFFFFF086  }
0x1c: {  	p1 =	slt.u32 s9, $0xF7A;
	s5 =	simm.s32 @!p2 $0x0  }
0x1d: {  	s5 =	simm.s32 @p1 $0x1;
	p0 =	seq.s32 s7, s2  }
0x1e: {  	s7 =	smul.u32 @!p0 $0xF7A, s2;
	p2 =	seq.s32 @!p0 s5, $0x0  }
0x1f: {  	s9 =	smul.u32 $0xF7A, s1;
	s8 =	simm.s32 @!p0 $0x1BF5;
	p2 =	por !p2, p0  }
0x20: {  	[sflag:s8] =	ssyncset.s32 @!p0 $0xFFFFF086;
	s6 =	sadd.s32 @!p0 s3, s7;
	s7 =	simm.s32 @!p0 $0x108  }
0x21: {  	s3 =	sadd.s32 s3, s9;
	s6 =	sadd.s32 @!p0 $0x88, s6;
	s7 =	simm.s32 @p2 $0x1082  }
0x22: {  	[simem:s7], [sflag:s8] =	dma.local @!p0 [hbm:s6], $0xF7A  }
0x23: {  	s9 =	sor.u32 $0xD0000000, s2;
	s6 =	simm.s32 $0x108;
	_ =	swait.ge @!p0 [sflag:s8], $0x0  }
0x24: {  	s3 =	sadd.s32 $0x88, s3;
	s6 =	simm.s32 @!p1 $0x1082;
	[sflag:s4] =	ssyncset.s32 $0xFFFFF086  }
0x25: {  	[simem:s6], [sflag:s4] =	dma.local [hbm:s3], $0xF7A  }
0x26: {  	[smem:$0x3F99] =	sst s1;
	(tag) =	ssettag s2;
	_ =	strace s9  }
0x27: {  	s1 =	sld [smem:$0x3FA9]  }
0x28: {  	s2 =	sld [smem:$0x3FAA]  }
0x29: {  	s4 =	sld [smem:$0x3FAC]  }
0x2a: {  	p0 =	seq.s32 s5, $0x0;
	s5 =	sld [smem:$0x3FAD]  }
0x2b: {  	s6 =	sld [smem:$0x3FAE]  }
0x2c: {  	s7 =	sld [smem:$0x3FAF]  }
0x2d: {  	s3 =	simm.s32 $0x108;
	s8 =	sld [smem:$0x3FB0]  }
0x2e: {  	s3 =	simm.s32 @!p0 $0x1082;
	s9 =	sld [smem:$0x3FB1]  }
0x2f: {  	lr =	sadd.s32 s0, s3;
	s0 =	sld [smem:$0x3FA8]  }
0x30: {  	s3 =	sld [smem:$0x3FAB]  }
0x31: {  	[smem:$0x3FB4] =	sst s10  }
0x32: {  	s10 =	sld [smem:$0x3FB2];
	_ =	sdelay $0x3  }
0x33: {  	p0 =	seq.s32 s10, $0x1;
	s10 =	sld [smem:$0x3FB4];
	_ =	sdelay $0x3  }
0x34: {  	[smem:$0x3FB4] =	sst s10  }
0x35: {  	s10 =	sld [smem:$0x3FB3];
	_ =	sdelay $0x3  }
0x36: {  	p1 =	seq.s32 s10, $0x1;
	s10 =	sld [smem:$0x3FB4];
	_ =	sdelay $0x3  }
0x37: {  	[smem:$0x3FB4] =	sst s10  }
0x38: {  	s10 =	sld [smem:$0x3FB5]  }
0x39: {  	_ = 	snop;
	(pc) =	sbr.ind lr, $3  }
0x3a: {  	_ = 	snop  }
0x3b: {  	_ = 	snop  }
0x3c: {  	p2 =	seq.s32 s10, $0x1;
	s10 =	sld [smem:$0x3FB4]  }
0x3d: {  	_ =	shalt  }
0x3e: {  	_ =	shalt  }
0x3f: {  	_ =	shalt  }
0x40: {  	_ =	shalt  }
0x41: {  	_ =	shalt  }
0x42: {  	_ =	shalt  }
0x43: {  	_ =	shalt  }
0x44: {  	_ =	shalt  }
0x45: {  	_ =	shalt  }
0x46: {  	_ =	shalt  }
0x47: {  	_ =	shalt  }
0x48: {  	_ =	shalt  }
0x49: {  	_ =	shalt  }
0x4a: {  	_ =	shalt  }
0x4b: {  	_ =	shalt  }
0x4c: {  	_ =	shalt  }
0x4d: {  	_ =	shalt  }
0x4e: {  	_ =	shalt  }
0x4f: {  	_ =	shalt  }
0x50: {  	_ =	shalt  }
0x51: {  	_ =	shalt  }
0x52: {  	_ =	shalt  }
0x53: {  	_ =	shalt  }
0x54: {  	_ =	shalt  }
0x55: {  	_ =	shalt  }
0x56: {  	_ =	shalt  }
0x57: {  	_ =	shalt  }
0x58: {  	_ =	shalt  }
0x59: {  	_ =	shalt  }
0x5a: {  	_ =	shalt  }
0x5b: {  	_ =	shalt  }
0x5c: {  	_ =	shalt  }
0x5d: {  	_ =	shalt  }
0x5e: {  	_ =	shalt  }
0x5f: {  	_ =	shalt  }
0x60: {  	_ =	shalt  }
0x61: {  	_ =	shalt  }
0x62: {  	_ =	shalt  }
0x63: {  	_ =	shalt  }
0x64: {  	_ =	shalt  }
0x65: {  	_ =	shalt  }
0x66: {  	_ =	shalt  }
0x67: {  	_ =	shalt  }
0x68: {  	_ =	shalt  }
0x69: {  	_ =	shalt  }
0x6a: {  	_ =	shalt  }
0x6b: {  	_ =	shalt  }
0x6c: {  	_ =	shalt  }
0x6d: {  	_ =	shalt  }
0x6e: {  	_ =	shalt  }
0x6f: {  	_ =	shalt  }
0x70: {  	_ =	shalt  }
0x71: {  	_ =	shalt  }
0x72: {  	_ =	shalt  }
0x73: {  	_ =	shalt  }
0x74: {  	_ =	shalt  }
0x75: {  	_ =	shalt  }
0x76: {  	_ =	shalt  }
0x77: {  	_ =	shalt  }
0x78: {  	_ =	shalt  }
0x79: {  	_ =	shalt  }
0x7a: {  	_ =	shalt  }
0x7b: {  	_ =	shalt  }
0x7c: {  	_ =	shalt  }
0x7d: {  	_ =	shalt  }
0x7e: {  	_ =	shalt  }
0x7f: {  	_ =	shalt  }
0x80: {  	_ =	shalt  }
0x81: {  	_ =	shalt  }
0x82: {  	_ =	shalt  }
0x83: {  	_ =	shalt  }
0x84: {  	_ =	shalt  }
0x85: {  	_ =	shalt  }
0x86: {  	_ =	shalt  }
0x87: {  	_ =	shalt  }
.Lfunc_end0:
.L_simem_size_0:
called_computation_lowered:
.L_overlay_start_0:
0x88: {  	s2 =	sld [smem:$0x3FD9]  }
0x89: {  	s3 =	sld [smem:$0x3FFE];
	_ =	sdelay $0x1  }
0x8a: {  	s1 =	srdreg.scid  }
0x8b: {  	s0 =	sand.u32 $0x1, s1  }
0x8c: {  	s17 =	sshll.u32 s0, $0xA;
	s2 =	sadd.s32 s3, s2  }
0x8d: {  	s2 =	sadd.s32 s2, s17  }
0x8e: {  	[smem:$0x3FC0] =	sst s2  }
0x8f: {  	_ = 	snop  }
0x90: {  	s2 =	sld [smem:$0x3FC8];
	(tm) =	ssettm $0x1  }
0x91: {  	s18 =	sld [smem:$0x3FFB];
	_ =	sdelay $0x3  }
0x92: {  	_ =	strace s18  }
0x93: {  	s3 =	sld [smem:$0x3FFC];
	_ =	sdelay $0x3  }
0x94: {  	_ =	strace s3  }
0x95: {  	s3 =	sld [smem:$0x3FFD];
	_ =	sdelay $0x3  }
0x96: {  	_ =	strace s3  }
0x97: {  	_ =	strace $0x8FFFFFFF  }
0x98: {  	s19 =	sld [smem:$0x3FDB];
	_ =	sdelay $0x1  }
0x99: {  	s4 =	simm.s32 $_scs_section_size  }
0x9a: {  	s5 =	simm.s32 $_size__tile_overlayer_lowered;
	s6 =	simm.s32 $_tile_overlayer_lowered  }
0x9b: {  	s22 =	simm.s32 $0x1BFF;
	s21 =	sshll.u32 s6, $0x1;
	s3 =	sadd.s32 s4, s19  }
0x9c: {  	s7 =	simm.s32 $0x0;
	s20 =	sshll.u32 s5, $0x1;
	s5 =	sadd.s32 s21, s3  }
0x9d: {  	[timem:s7], [sflag:s22] =	dma.local [hbm:s5], s20  }
0x9e: {  	_ =	swait.ge [sflag:s22], s20  }
0x9f: {  	s4 =	ssub.s32 $0x0, s20;
	[sflag:s22] =	ssyncset.done $0x0  }
0xa0: {  	[sflag:s22] =	ssyncadd.s32 s4;
	_ =	sdelay $0x1  }
0xa1: {  	s23 =	simm.s32 $0x1B8B  }
0xa2: {  	_ =	swait.ge [sflag:s23], $0x1  }
0xa3: {  	[sflag:s23] =	ssyncset.done $0x0  }
0xa4: {  	s25 =	simm.s32 $0x1B8E;
	s24 =	sld [smem:$0x3FFE];
	[sflag:s23] =	ssyncadd.s32 $0xFFFFFFFF  }
0xa5: {  	s26 =	simm.s32 $execute0_lowered;
	[smem:$0x3FD2] =	sst s25  }
0xa6: {  	s5 =	sshll.u32 s26, $0x1;
	_ =	strace $0x80000046;
	[dreg:$0x1] =	wrdreg $0xFFFFFFFF  }
0xa7: {  	s28 =	simm.s32 $_size_execute0_lowered;
	s3 =	sadd.s32 s3, s5;
	[dreg:$0x0] =	wrdreg $0x0  }
0xa8: {  	s5 =	sshll.u32 s28, $0x1;
	[dreg:$0x2] =	wrdreg s3  }
0xa9: {  	[dreg:$0x3] =	wrdreg s5  }
0xaa: {  	[dreg:$0x4] =	wrdreg $0xC0  }
0xab: {  	_ =	task [dreg:s7], $0x5FFFF  }
0xac: {  	[dreg:$0x1] =	wrdreg $0xFFFFFFFF  }
0xad: {  	[dreg:$0x0] =	wrdreg $0x60  }
0xae: {  	[dreg:$0x2] =	wrdreg s2  }
0xaf: {  	[dreg:$0x3] =	wrdreg s24  }
0xb0: {  	[dreg:$0x4] =	wrdreg $0x9  }
0xb1: {  	_ =	task.clear_ibuf [dreg:s7], $0x5FFFF;
	_ =	strace $0x90000046  }
0xb2: {  	s29 =	simm.s32 $0x9;
	_ =	strace $0x80000048  }
0xb3: {  	_ =	swait.ge [sflag:s29], $0x1  }
0xb4: {  	[sflag:s29] =	ssyncadd.s32 $0xFFFFFFFF  }
0xb5: {  	_ =	strace $0x90000048  }
0xb6: {  	_ =	sfence  }
0xb7: {  	s30 =	sld [smem:$0x0];
	_ =	sdelay $0x2  }
0xb8: {  	s31 =	sshll.u32 s1, $0xD;
	s1 =	sshrl.u32 s1, $0x2  }
0xb9: {  	s3 =	sand.u32 $0x4000, s31;
	s1 =	sadd.s32 s1, s30  }
0xba: {  	s0 =	sor.u32 s3, s0;
	s1 =	sshll.u32 s1, $0x11  }
0xbb: {  	s0 =	sor.u32 s1, s0  }
0xbc: {  	s0 =	sadd.s32 $0x8F2B, s0  }
0xbd: {  	[sflag:s0] =	ssyncadd.remote.s32 $0x1  }
0xbe: {  	_ =	sfence.sel $0xFFFF  }
0xbf: {  	[dreg:$0x0] =	wrdreg $0xFFFFFFFF;
	(pc) =	sbr.abs _section_cstart, $3  }
0xc0: {  	[dreg:$0x1] =	wrdreg $0xFFFFFFFF  }
0xc1: {  	_ =	task.clear_ibuf [dreg:s7], $0x2FFFF;
	_ =	strace $0x9FFFFFFF  }
0xc2: {  	(tm) =	ssettm $0x7FFFFFFF  }
0xc3: {  	_ =	shalt  }
tec
execute0_lowered:
.L_overlay_start_1:
0x0: {  	(tag) =	ssettag $0x1  }
0x1: {  	s1 =	srdreg.scid;
	s2 =	rddreg [dreg:$0x0]  }
0x2: {  	s0 =	stileid.u32;
	s5 =	rddreg [dreg:$0x1];
	s18 =	simm.s32 $0x880  }
0x3: {  	s19 =	simm.s32 $0x1080;
	s20 =	simm.s32 $0x1880;
	s21 =	simm.s32 $0x2080  }
0x4: {  	s23 =	simm.s32 $0x2880;
	s24 =	simm.s32 $0x3080;
	s25 =	simm.s32 $0x3880  }
0x5: {  	s26 =	simm.s32 $0x4080;
	s7 =	simm.s32 $0x80;
	s9 =	simm.s32 $0x5080  }
0x6: {  	s10 =	simm.s32 $0x5880;
	s11 =	simm.s32 $0x6080;
	s1 =	sand.u32 $0x1, s1  }
0x7: {  	s12 =	simm.s32 $0x6880;
	s3 =	sshll.u32 s0, $0x8;
	s4 =	sshll.u32 s1, $0x7  }
0x8: {  	s13 =	simm.s32 $0x7080;
	s4 =	sor.u32 s4, s3;
	s3 =	simm.s32 $0x0  }
0x9: {  	s14 =	simm.s32 $0x7880;
	s15 =	simm.s32 $0x8080;
	[smem:$0x7FF] =	sst s3  }
0xa: {  	s16 =	simm.s32 $0x8880;
	_ =	strace $0x80000047;
	[dreg:$0x5] =	wrdreg s18  }
0xb: {  	s28 =	simm.s32 $0xE080;
	s29 =	simm.s32 $0xE880;
	[dreg:$0x6] =	wrdreg s19  }
0xc: {  	s30 =	simm.s32 $0xF080;
	s1 =	ssub.s32 $0x2, s1;
	[dreg:$0x7] =	wrdreg s20  }
0xd: {  	s31 =	simm.s32 $0xF880;
	s22 =	sshrl.u32 s1, $0x1;
	[dreg:$0x8] =	wrdreg s21  }
0xe: {  	s6 =	sshrl.u32 s4, $0x3;
	s4 =	sshll.u32 s4, $0x6;
	[dreg:$0x9] =	wrdreg s23  }
0xf: {  	s1 =	ssub.s32 s1, s22;
	s22 =	simm.s32 $0xB880;
	[dreg:$0xa] =	wrdreg s24  }
0x10: {  	s6 =	sadd.s32 s6, s5;
	s4 =	sadd.s32 s4, s5;
	[dreg:$0xb] =	wrdreg s25  }
0x11: {  	s5 =	smax.u32 s1, $0x1;
	[dreg:$0xc] =	wrdreg s26;
	s18 =	simm.s32 $0x9880  }
0x12: {  	s19 =	simm.s32 $0xA080;
	s20 =	simm.s32 $0xA880;
	s21 =	simm.s32 $0xB080  }
0x13: {  	s23 =	simm.s32 $0xC080;
	s24 =	simm.s32 $0xC880;
	s25 =	simm.s32 $0xD080  }
0x14: {  	v2 =	vlaneseq.u32;
	s26 =	simm.s32 $0xD880;
	s1 =	simm.s32 $0x1;
	s17 =	sadd.s32 $0x1200, s6  }
0x15: {  	vm0 =	vmmov $0xffff;
	v1 =	vshrl.u32 v2, $0x3;
	s4 =	sadd.s32 $0x1400, s4;
	s6 =	simm.s32 $0x2;
	[dreg:$0x3] =	wrdreg s17  }
0x16: {  	v0 =	vand.u32 $0x7, v2;
	v2 =	vor.u32 $0x8, v2;
	v1 =	vmul.u32 $0x8, v1;
	[dreg:$0x4] =	wrdreg s4;
	s4 =	sadd.s32 $0x100, s2;
	s17 =	simm.s32 $0x9080  }
.LBB2_1:
0x17: {  	s0 =	rddreg [dreg:$0x3]  }
0x18: {  	[tilespmem:s3], [sflag:$0x2] =	stream.linear.gather [hbm4b:s0+s3], $0x80, $0x38;
	[tilespmem:$0x10080] =	vst v63  }
0x19: {  	_ =	swait.ge [sflag:s6], $0x80  }
0x1a: {  	[sflag:s6] =	ssyncset.done $0x0  }
0x1b: {  	[sflag:s6] =	ssyncadd.s32 $0xFFFFFF80  }
0x1c: {  	v3 =	vld [tilespmem:$0x0];
	_ =	sdelay $0x4  }
0x1d: {  	v4 =	vshll.u32 v3, $0x2  }
0x1e: {  	v3 =	vand.u32 $0x7, v3;
	v4 =	vand.u32 $0xFFFFFFE0, v4  }
0x1f: {  	v3 =	vor.u32 v3, v4  }
0x20: {  	v4 =	vperm.xlane v3, v0;
	_ =	sdelay $0x1  }
0x21: {  	v4 =	vadd.s32 v1, v4;
	_ =	sdelay $0x1  }
0x22: {  	v3 =	vperm.xlane v3, v2;
	_ =	sdelay $0x1  }
0x23: {  	v3 =	vadd.s32 v1, v3  }
0x24: {  	[tilespmem:s7], [sflag:$0x1] =	stream.indirect_vreg.gather [hbm4b:s2+s3], $0x80, v4, vm0, $0xb8;
	[tilespmem:$0x10080] =	vst v63  }
0x25: {  	s0 =	rddreg [dreg:$0x5]  }
0x26: {  	[tilespmem:s0], [sflag:$0x1] =	stream.indirect_vreg.gather [hbm4b:s4+s3], $0x80, v4, vm0, $0xb8;
	[tilespmem:$0x10080] =	vst v63  }
0x27: {  	s8 =	rddreg [dreg:$0x6]  }
0x28: {  	[tilespmem:s8], [sflag:$0x1] =	stream.indirect_vreg.gather [hbm4b:s2+s3], $0x80, v3, vm0, $0xb8;
	[tilespmem:$0x10080] =	vst v63  }
0x29: {  	s0 =	rddreg [dreg:$0x7]  }
0x2a: {  	[tilespmem:s0], [sflag:$0x1] =	stream.indirect_vreg.gather [hbm4b:s4+s3], $0x80, v3, vm0, $0xb8;
	[tilespmem:$0x10080] =	vst v63  }
0x2b: {  	v3 =	vld [tilespmem:$0x10];
	_ =	sdelay $0x4  }
0x2c: {  	v57 =	vshll.u32 v3, $0x2  }
0x2d: {  	v3 =	vand.u32 $0x7, v3;
	v4 =	vand.u32 $0xFFFFFFE0, v57  }
0x2e: {  	v3 =	vor.u32 v3, v4  }
0x2f: {  	v4 =	vperm.xlane v3, v0;
	_ =	sdelay $0x1  }
0x30: {  	v4 =	vadd.s32 v1, v4;
	_ =	sdelay $0x1  }
0x31: {  	v3 =	vperm.xlane v3, v2;
	_ =	sdelay $0x1  }
0x32: {  	s0 =	rddreg [dreg:$0x8];
	v3 =	vadd.s32 v1, v3  }
0x33: {  	[tilespmem:s0], [sflag:$0x1] =	stream.indirect_vreg.gather [hbm4b:s2+s3], $0x80, v4, vm0, $0xb8;
	[tilespmem:$0x10080] =	vst v63  }
0x34: {  	s8 =	rddreg [dreg:$0x9]  }
0x35: {  	[tilespmem:s8], [sflag:$0x1] =	stream.indirect_vreg.gather [hbm4b:s4+s3], $0x80, v4, vm0, $0xb8;
	[tilespmem:$0x10080] =	vst v63  }
0x36: {  	s0 =	rddreg [dreg:$0xa]  }
0x37: {  	[tilespmem:s0], [sflag:$0x1] =	stream.indirect_vreg.gather [hbm4b:s2+s3], $0x80, v3, vm0, $0xb8;
	[tilespmem:$0x10080] =	vst v63  }
0x38: {  	s8 =	rddreg [dreg:$0xb]  }
0x39: {  	[tilespmem:s8], [sflag:$0x1] =	stream.indirect_vreg.gather [hbm4b:s4+s3], $0x80, v3, vm0, $0xb8;
	[tilespmem:$0x10080] =	vst v63  }
0x3a: {  	v3 =	vld [tilespmem:$0x20];
	_ =	sdelay $0x4  }
0x3b: {  	v58 =	vshll.u32 v3, $0x2  }
0x3c: {  	v3 =	vand.u32 $0x7, v3;
	v4 =	vand.u32 $0xFFFFFFE0, v58  }
0x3d: {  	v3 =	vor.u32 v3, v4  }
0x3e: {  	v4 =	vperm.xlane v3, v0;
	_ =	sdelay $0x1  }
0x3f: {  	v4 =	vadd.s32 v1, v4;
	_ =	sdelay $0x1  }
0x40: {  	v3 =	vperm.xlane v3, v2;
	_ =	sdelay $0x1  }
0x41: {  	s8 =	rddreg [dreg:$0xc];
	v3 =	vadd.s32 v1, v3  }
0x42: {  	[tilespmem:s8], [sflag:$0x1] =	stream.indirect_vreg.gather [hbm4b:s2+s3], $0x80, v4, vm0, $0xb8;
	[tilespmem:$0x10080] =	vst v63  }
0x43: {  	s8 =	simm.s32 $0x4880  }
0x44: {  	[tilespmem:s8], [sflag:$0x1] =	stream.indirect_vreg.gather [hbm4b:s4+s3], $0x80, v4, vm0, $0xb8;
	[tilespmem:$0x10080] =	vst v63  }
0x45: {  	_ = 	snop  }
0x46: {  	[tilespmem:s9], [sflag:$0x1] =	stream.indirect_vreg.gather [hbm4b:s2+s3], $0x80, v3, vm0, $0xb8;
	[tilespmem:$0x10080] =	vst v63  }
0x47: {  	_ = 	snop  }
0x48: {  	[tilespmem:s10], [sflag:$0x1] =	stream.indirect_vreg.gather [hbm4b:s4+s3], $0x80, v3, vm0, $0xb8;
	[tilespmem:$0x10080] =	vst v63  }
0x49: {  	v3 =	vld [tilespmem:$0x30];
	_ =	sdelay $0x4  }
0x4a: {  	v59 =	vshll.u32 v3, $0x2  }
0x4b: {  	v3 =	vand.u32 $0x7, v3;
	v4 =	vand.u32 $0xFFFFFFE0, v59  }
0x4c: {  	v3 =	vor.u32 v3, v4  }
0x4d: {  	v4 =	vperm.xlane v3, v0;
	_ =	sdelay $0x1  }
0x4e: {  	v4 =	vadd.s32 v1, v4;
	_ =	sdelay $0x1  }
0x4f: {  	v3 =	vperm.xlane v3, v2;
	_ =	sdelay $0x1  }
0x50: {  	v3 =	vadd.s32 v1, v3  }
0x51: {  	[tilespmem:s11], [sflag:$0x1] =	stream.indirect_vreg.gather [hbm4b:s2+s3], $0x80, v4, vm0, $0xb8;
	[tilespmem:$0x10080] =	vst v63  }
0x52: {  	_ = 	snop  }
0x53: {  	[tilespmem:s12], [sflag:$0x1] =	stream.indirect_vreg.gather [hbm4b:s4+s3], $0x80, v4, vm0, $0xb8;
	[tilespmem:$0x10080] =	vst v63  }
0x54: {  	_ = 	snop  }
0x55: {  	[tilespmem:s13], [sflag:$0x1] =	stream.indirect_vreg.gather [hbm4b:s2+s3], $0x80, v3, vm0, $0xb8;
	[tilespmem:$0x10080] =	vst v63  }
0x56: {  	_ = 	snop  }
0x57: {  	[tilespmem:s14], [sflag:$0x1] =	stream.indirect_vreg.gather [hbm4b:s4+s3], $0x80, v3, vm0, $0xb8;
	[tilespmem:$0x10080] =	vst v63  }
0x58: {  	v3 =	vld [tilespmem:$0x40];
	_ =	sdelay $0x4  }
0x59: {  	v60 =	vshll.u32 v3, $0x2  }
0x5a: {  	v3 =	vand.u32 $0x7, v3;
	v4 =	vand.u32 $0xFFFFFFE0, v60  }
0x5b: {  	v3 =	vor.u32 v3, v4  }
0x5c: {  	v4 =	vperm.xlane v3, v0;
	_ =	sdelay $0x1  }
0x5d: {  	v4 =	vadd.s32 v1, v4;
	_ =	sdelay $0x1  }
0x5e: {  	v3 =	vperm.xlane v3, v2;
	_ =	sdelay $0x1  }
0x5f: {  	v3 =	vadd.s32 v1, v3  }
0x60: {  	[tilespmem:s15], [sflag:$0x1] =	stream.indirect_vreg.gather [hbm4b:s2+s3], $0x80, v4, vm0, $0xb8;
	[tilespmem:$0x10080] =	vst v63  }
0x61: {  	_ = 	snop  }
0x62: {  	[tilespmem:s16], [sflag:$0x1] =	stream.indirect_vreg.gather [hbm4b:s4+s3], $0x80, v4, vm0, $0xb8;
	[tilespmem:$0x10080] =	vst v63  }
0x63: {  	_ = 	snop  }
0x64: {  	[tilespmem:s17], [sflag:$0x1] =	stream.indirect_vreg.gather [hbm4b:s2+s3], $0x80, v3, vm0, $0xb8;
	[tilespmem:$0x10080] =	vst v63  }
0x65: {  	_ = 	snop  }
0x66: {  	[tilespmem:s18], [sflag:$0x1] =	stream.indirect_vreg.gather [hbm4b:s4+s3], $0x80, v3, vm0, $0xb8;
	[tilespmem:$0x10080] =	vst v63  }
0x67: {  	v3 =	vld [tilespmem:$0x50];
	_ =	sdelay $0x4  }
0x68: {  	v61 =	vshll.u32 v3, $0x2  }
0x69: {  	v3 =	vand.u32 $0x7, v3;
	v4 =	vand.u32 $0xFFFFFFE0, v61  }
0x6a: {  	v3 =	vor.u32 v3, v4  }
0x6b: {  	v4 =	vperm.xlane v3, v0;
	_ =	sdelay $0x1  }
0x6c: {  	v4 =	vadd.s32 v1, v4;
	_ =	sdelay $0x1  }
0x6d: {  	v3 =	vperm.xlane v3, v2;
	_ =	sdelay $0x1  }
0x6e: {  	v3 =	vadd.s32 v1, v3  }
0x6f: {  	[tilespmem:s19], [sflag:$0x1] =	stream.indirect_vreg.gather [hbm4b:s2+s3], $0x80, v4, vm0, $0xb8;
	[tilespmem:$0x10080] =	vst v63  }
0x70: {  	_ = 	snop  }
0x71: {  	[tilespmem:s20], [sflag:$0x1] =	stream.indirect_vreg.gather [hbm4b:s4+s3], $0x80, v4, vm0, $0xb8;
	[tilespmem:$0x10080] =	vst v63  }
0x72: {  	_ = 	snop  }
0x73: {  	[tilespmem:s21], [sflag:$0x1] =	stream.indirect_vreg.gather [hbm4b:s2+s3], $0x80, v3, vm0, $0xb8;
	[tilespmem:$0x10080] =	vst v63  }
0x74: {  	_ = 	snop  }
0x75: {  	[tilespmem:s22], [sflag:$0x1] =	stream.indirect_vreg.gather [hbm4b:s4+s3], $0x80, v3, vm0, $0xb8;
	[tilespmem:$0x10080] =	vst v63  }
0x76: {  	v3 =	vld [tilespmem:$0x60];
	_ =	sdelay $0x4  }
0x77: {  	v62 =	vshll.u32 v3, $0x2  }
0x78: {  	v3 =	vand.u32 $0x7, v3;
	v4 =	vand.u32 $0xFFFFFFE0, v62  }
0x79: {  	v3 =	vor.u32 v3, v4  }
0x7a: {  	v4 =	vperm.xlane v3, v0;
	_ =	sdelay $0x1  }
0x7b: {  	v4 =	vadd.s32 v1, v4;
	_ =	sdelay $0x1  }
0x7c: {  	v3 =	vperm.xlane v3, v2;
	_ =	sdelay $0x1  }
0x7d: {  	v3 =	vadd.s32 v1, v3  }
0x7e: {  	[tilespmem:s23], [sflag:$0x1] =	stream.indirect_vreg.gather [hbm4b:s2+s3], $0x80, v4, vm0, $0xb8;
	[tilespmem:$0x10080] =	vst v63  }
0x7f: {  	_ = 	snop  }
0x80: {  	[tilespmem:s24], [sflag:$0x1] =	stream.indirect_vreg.gather [hbm4b:s4+s3], $0x80, v4, vm0, $0xb8;
	[tilespmem:$0x10080] =	vst v63  }
0x81: {  	_ = 	snop  }
0x82: {  	[tilespmem:s25], [sflag:$0x1] =	stream.indirect_vreg.gather [hbm4b:s2+s3], $0x80, v3, vm0, $0xb8;
	[tilespmem:$0x10080] =	vst v63  }
0x83: {  	_ = 	snop  }
0x84: {  	[tilespmem:s26], [sflag:$0x1] =	stream.indirect_vreg.gather [hbm4b:s4+s3], $0x80, v3, vm0, $0xb8;
	[tilespmem:$0x10080] =	vst v63  }
0x85: {  	v3 =	vld [tilespmem:$0x70];
	_ =	sdelay $0x4  }
0x86: {  	v63 =	vshll.u32 v3, $0x2  }
0x87: {  	v3 =	vand.u32 $0x7, v3;
	v4 =	vand.u32 $0xFFFFFFE0, v63  }
0x88: {  	v3 =	vor.u32 v3, v4  }
0x89: {  	v4 =	vperm.xlane v3, v0;
	_ =	sdelay $0x1  }
0x8a: {  	v4 =	vadd.s32 v1, v4;
	_ =	sdelay $0x1  }
0x8b: {  	v3 =	vperm.xlane v3, v2;
	_ =	sdelay $0x1  }
0x8c: {  	v3 =	vadd.s32 v1, v3  }
0x8d: {  	[tilespmem:s28], [sflag:$0x1] =	stream.indirect_vreg.gather [hbm4b:s2+s3], $0x80, v4, vm0, $0xb8;
	[tilespmem:$0x10080] =	vst v63  }
0x8e: {  	_ = 	snop  }
0x8f: {  	[tilespmem:s29], [sflag:$0x1] =	stream.indirect_vreg.gather [hbm4b:s4+s3], $0x80, v4, vm0, $0xb8;
	[tilespmem:$0x10080] =	vst v63  }
0x90: {  	_ = 	snop  }
0x91: {  	[tilespmem:s30], [sflag:$0x1] =	stream.indirect_vreg.gather [hbm4b:s2+s3], $0x80, v3, vm0, $0xb8;
	[tilespmem:$0x10080] =	vst v63  }
0x92: {  	_ = 	snop  }
0x93: {  	[tilespmem:s31], [sflag:$0x1] =	stream.indirect_vreg.gather [hbm4b:s4+s3], $0x80, v3, vm0, $0xb8;
	[tilespmem:$0x10080] =	vst v63  }
0x94: {  	_ =	swait.ge [sflag:s1], $0x10000  }
0x95: {  	p0 =	sne.s32 s5, $0x1;
	[sflag:s1] =	ssyncset.done $0x0  }
.Ltmp0:
0x96: {  	s8 =	rddreg [dreg:$0x4];
	[sflag:s1] =	ssyncadd.s32 $0xFFFF0000;
	(pc) =	sbr.rel @p0 .LBB2_1-.Ltmp0, $4  }
0x97: {  	[hbm4b:s8+s3] =	stream.linear.scatter [tilespmem:s7], [sflag:$0x2], $0x10000, $0x38;
	[tilespmem:$0x10080] =	vst v63  }
0x98: {  	_ =	swait.ge [sflag:s6], $0x10000  }
0x99: {  	[sflag:s6] =	ssyncset.done $0x0  }
0x9a: {  	s5 =	sadd.s32 $0xFFFFFFFF, s5;
	[sflag:s6] =	ssyncadd.s32 $0xFFFF0000  }
0x9b: {  	_ =	sfence.sel $0x180000  }
0x9c: {  	[bflag:$0x0] =	sbarrier.arrive $0xFFFF  }
0x9d: {  	_ =	strace $0x90000047  }
0x9e: {  	s0 =	stileid.u32;
	[bflag:$0x2] =	sbarrier.arrive $0xFFFF  }
0x9f: {  	p0 =	sne.s32 s0, $0x0;
	s0 =	rddreg [dreg:$0x2]  }
0xa0: {  	s0 =	sadd.s32 @!p0 $0x100000, s0  }
0xa1: {  	[sflag:s0] =	ssyncadd.tile.s32 @!p0 $0x1;
	_ =	shalt  }
.Lfunc_end2:
_tile_overlayer_lowered:
.L_overlay_start_2:
0xa2: {  	(tag) =	ssettag $0x2  }
0xa3: {  	s0 =	rddreg [dreg:$0x0];
	s2 =	stileid.u32  }
0xa4: {  	s1 =	rddreg [dreg:$0x1];
	p0 =	sne.s32 s2, $0x0  }
0xa5: {  	s3 =	rddreg [dreg:$0x2];
	[bflag:$0x3] =	sbarrier.arrive $0xFFFF;
	s2 =	simm.s32 @!p0 $0x1C02  }
0xa6: {  	[timem:s3], [sflag:s2] =	dma.local @!p0 [hbm:s0], s1  }
0xa7: {  	s0 =	simm.s32 @!p0 $0x2  }
0xa8: {  	_ =	swait.ge @!p0 [sflag:s0], s1  }
0xa9: {  	s1 =	ssub.s32 @!p0 $0x0, s1;
	[sflag:s0] =	ssyncset.done @!p0 $0x0  }
0xaa: {  	[sflag:s0] =	ssyncadd.s32 @!p0 s1  }
0xab: {  	[bflag:$0x3] =	sbarrier.arrive $0xFFFF  }
0xac: {  	_ =	shalt  }

</sc_bundles>
